<compile_context>
chip_gen: v7x
topology: tpu7x:2x2x1
jax: 0.10.2.dev20260603
libtpu: 0.0.44.dev20260713+nightly
codegen_flags: <defaults>
</compile_context>

<pallas_src>
import functools

import jax
import jax.numpy as jnp
from jax import lax
from jax.experimental import pallas as pl
from jax.experimental.pallas import tpu as pltpu
from jax.experimental.pallas import tpu_sc as plsc

BATCH, HIST = 4096, 50
N = BATCH * HIST
D = 64
DOUT = 3 * D
CHUNK = 128
L = 16

_INFO = plsc.get_sparse_core_info()
NC, NS = _INFO.num_cores, _INFO.num_subcores
NW = NC * NS
NBT = BATCH // CHUNK
NCHUNK = HIST * NBT
STEPS = NCHUNK // NW
PER_W = N // NW
GRP = CHUNK // L
FT = DOUT // 8

_R1, _R2 = 366, 24


def _cc(v):
    return jnp.full((L,), v, jnp.int32)


def _divmod_c(n, c):
    q = (n.astype(jnp.float32) * jnp.float32(1.0 / c)).astype(jnp.int32)
    q = jnp.where(q * c > n, q - 1, q)
    q = jnp.where(q * c + c <= n, q + 1, q)
    return q, n - q * c


def _scale_from_normsq(nsq):
    i = lax.bitcast_convert_type(nsq, jnp.int32)
    i = 0x5F3759DF - lax.shift_right_logical(i, 1)
    r = lax.bitcast_convert_type(i, jnp.float32)
    half = nsq * 0.5
    r = r * (1.5 - half * r * r)
    r = r * (1.5 - half * r * r)
    r = r * (1.5 - half * r * r)
    norm = nsq * r
    return jnp.where(norm > 1.0, 1.0 / (norm + 1e-7), jnp.float32(1.0))


def _prescale_rows(tblf_v, nrows):
    ngrp = (nrows + L - 1) // L

    def g_body(g, _):
        base = jnp.minimum(lax.iota(jnp.int32, L) + g * L, nrows - 1) * D

        def d_body(d, acc):
            v = plsc.load_gather(tblf_v, [base + d])
            return acc + v * v

        nsq = lax.fori_loop(0, D, d_body, jnp.zeros((L,), jnp.float32))
        s = _scale_from_normsq(nsq)

        def d_body2(d, _):
            v = plsc.load_gather(tblf_v, [base + d])
            plsc.store_scatter(tblf_v, [base + d], v * s)
            return 0

        lax.fori_loop(0, D, d_body2, 0)
        return 0

    lax.fori_loop(0, ngrp, g_body, 0)


def _body(idx_hbm, w1_hbm, w2_hbm, w3_hbm, out_hbm,
          w1_v, w2_v, idx_v, i3_v, rows0_v, rows1_v, out0_v, out1_v,
          gsem0, gsem1, osem0, osem1):
    wid = lax.axis_index("s") * NC + lax.axis_index("c")
    rows_b = (rows0_v, rows1_v)
    out_b = (out0_v, out1_v)
    gsem_b = (gsem0, gsem1)
    osem_b = (osem0, osem1)

    pltpu.sync_copy(w1_hbm, w1_v)
    pltpu.sync_copy(w2_hbm, w2_v)
    pltpu.sync_copy(idx_hbm.at[pl.ds(wid * PER_W, PER_W)], idx_v)
    _prescale_rows(w1_v, _R1)
    _prescale_rows(w2_v, _R2)

    def i3_outer(s, _):
        def inner(j, _):
            x = idx_v[pl.ds(s * CHUNK + j * L, L)]
            i3 = (x / 10.0).astype(jnp.int32)
            i3_v[s, pl.ds(j * L, L)] = lax.shift_right_logical(i3, 1)
            return 0
        lax.fori_loop(0, GRP, inner, 0)
        return 0

    lax.fori_loop(0, STEPS, i3_outer, 0)

    def _dst(s):
        c = wid * STEPS + s
        h = c // NBT
        bt = c - h * NBT
        return out_hbm.at[h, :, bt]

    def _gather(s, b):
        return pltpu.make_async_copy(
            w3_hbm.at[i3_v.at[s]], rows_b[b], gsem_b[b])

    _gather(0, 0).start()

    def compute(s, b):
        rows_v = rows_b[b]
        out_v = out_b[b]

        def j_body(j, _):
            x = idx_v[pl.ds(s * CHUNK + j * L, L)]
            idx1 = (x * 24.0).astype(jnp.int32)
            q, r2 = _divmod_c(idx1, 24)
            i1 = _divmod_c(q, _R1)[1] * D
            i2 = r2 * D
            lanes = lax.iota(jnp.int32, L) + j * L
            ob = j * L

            @plsc.parallel_loop(0, 8)
            def p12(dt):
                for fi in range(8):
                    d = dt * 8 + fi
                    v1 = plsc.load_gather(w1_v, [i1 + d])
                    out_v[dt, fi, pl.ds(ob, L)] = v1
                    v2 = plsc.load_gather(w2_v, [i2 + d])
                    out_v[8 + dt, fi, pl.ds(ob, L)] = v2

            i3 = (x / 10.0).astype(jnp.int32)
            band = lax.shift_left(lax.bitwise_and(i3, 1), 6)

            @plsc.parallel_loop(0, D, unroll=8,
                                carry=jnp.zeros((L,), jnp.float32))
            def acc(d, a):
                v = plsc.load_gather(rows_v, [lanes, band + d])
                return a + v * v

            s3 = _scale_from_normsq(acc)

            @plsc.parallel_loop(0, 8)
            def p3(dt):
                for fi in range(8):
                    d = dt * 8 + fi
                    v3 = plsc.load_gather(rows_v, [lanes, band + d])
                    out_v[16 + dt, fi, pl.ds(ob, L)] = v3 * s3

            return 0

        lax.fori_loop(0, GRP, j_body, 0)

    def pair(g, _):
        for b in range(2):
            s = g * 2 + b
            @pl.when(s + 1 < STEPS)
            def _():
                _gather(s + 1, 1 - b).start()
            _gather(s, b).wait()
            @pl.when(s >= 2)
            def _():
                pltpu.make_async_copy(out_b[b], _dst(s - 2), osem_b[b]).wait()
            compute(s, b)
            pltpu.make_async_copy(out_b[b], _dst(s), osem_b[b]).start()
        return 0

    lax.fori_loop(0, STEPS // 2, pair, 0)
    pltpu.make_async_copy(out_b[0], _dst(STEPS - 2), osem_b[0]).wait()
    pltpu.make_async_copy(out_b[1], _dst(STEPS - 1), osem_b[1]).wait()


_sc_embed = functools.partial(
    pl.kernel,
    out_type=jax.ShapeDtypeStruct((HIST, FT, NBT, 8, CHUNK), jnp.float32),
    mesh=plsc.VectorSubcoreMesh(core_axis_name="c", subcore_axis_name="s"),
    compiler_params=pltpu.CompilerParams(
        needs_layout_passes=False, use_tc_tiling_on_sc=False),
    scratch_types=[
        pltpu.VMEM((_R1 * D,), jnp.float32),
        pltpu.VMEM((_R2 * D,), jnp.float32),
        pltpu.VMEM((PER_W,), jnp.float32),
        pltpu.VMEM((STEPS, CHUNK), jnp.int32),
        pltpu.VMEM((CHUNK, 2 * D), jnp.float32),
        pltpu.VMEM((CHUNK, 2 * D), jnp.float32),
        pltpu.VMEM((FT, 8, CHUNK), jnp.float32),
        pltpu.VMEM((FT, 8, CHUNK), jnp.float32),
        pltpu.SemaphoreType.DMA,
        pltpu.SemaphoreType.DMA,
        pltpu.SemaphoreType.DMA,
        pltpu.SemaphoreType.DMA,
    ],
)(_body)


def kernel(idx, W1, W2, W3):
    idxt = idx.reshape(BATCH, HIST).T.reshape(N)
    w3p = W3.reshape(50000, 2 * D)
    out5 = _sc_embed(idxt, W1.reshape(_R1 * D), W2.reshape(_R2 * D), w3p)
    return out5.transpose(2, 4, 0, 1, 3).reshape(BATCH, HIST, DOUT)

# --- scband reference (transcript-rebuilt; emitter-appended) ---
"""Pipeline reference for scband-multi-resolution-embedding-3100966387932 (READ-ONLY COPY).

The authoritative reference and input builder live on the scoring server;
editing this copy changes nothing except your own understanding.
"""

import jax, jax.numpy as jnp
import numpy as np

FEATURE_SIZE = 1000000
NFEATURE = 64
TRESOLUTION = 24.0
TSCALE = 10.0
BATCH, HIST = 4096, 50


def _renorm_rows(rows, max_norm=1.0):
    # emulate nn.Embedding(max_norm=1.0): rescale gathered rows whose L2 norm exceeds max_norm
    norms = jnp.linalg.norm(rows, axis=-1, keepdims=True)
    scale = jnp.where(norms > max_norm, max_norm / (norms + 1e-7), jnp.ones_like(norms))
    return rows * scale


def setup_inputs(seed: int = 0) -> dict:
    key = jax.random.key(seed)
    k1, k2, k3, k4 = jax.random.split(key, 4)
    # idx is a continuous time index in [0, feature_size); fill=rand scaled by fill_max
    idx = jax.random.uniform(k1, (BATCH, HIST, 1), dtype=jnp.float32, minval=0.0, maxval=float(FEATURE_SIZE))
    W1 = jax.random.normal(k2, (366, NFEATURE), dtype=jnp.float32)
    W2 = jax.random.normal(k3, (24, NFEATURE), dtype=jnp.float32)
    W3 = jax.random.normal(k4, (int(FEATURE_SIZE / TSCALE), NFEATURE), dtype=jnp.float32)
    return {"idx": idx, "W1": W1, "W2": W2, "W3": W3}


def reference(idx, W1, W2, W3):
    idx = jnp.squeeze(idx, -1)
    idx1 = jnp.floor(idx * TRESOLUTION).astype(jnp.int32)
    idx2 = jnp.floor(idx / TSCALE).astype(jnp.int32)
    e1 = _renorm_rows(jnp.take(W1, (idx1 // 24) % 366, axis=0))
    e2 = _renorm_rows(jnp.take(W2, idx1 % 24, axis=0))
    e3 = _renorm_rows(jnp.take(W3, idx2, axis=0))
    return jnp.concatenate((e1, e2, e3), axis=-1)

if __name__ == "__main__":
    import jax
    _d = setup_inputs()
    print(jax.jit(kernel)(*tuple(_d.values())))

</pallas_src>

<mosaic_0001>
#map = affine_map<(d0, d1) -> (0)>
#map1 = affine_map<(d0, d1) -> (0, 0)>
#map2 = affine_map<(d0, d1) -> (0, 0, 0, 0, 0)>
module attributes {stable_mosaic.version = 14 : i64} {
  func.func @_body(%arg0: i32, %arg1: i32, %arg2: memref<204800xf32, #tpu.memory_space<hbm>>, %arg3: memref<23424xf32, #tpu.memory_space<hbm>>, %arg4: memref<1536xf32, #tpu.memory_space<hbm>>, %arg5: memref<50000x128xf32, #tpu.memory_space<hbm>>, %arg6: memref<50x24x32x8x128xf32, #tpu.memory_space<hbm>>, %arg7: memref<23424xf32, #tpu.memory_space<vmem>>, %arg8: memref<1536xf32, #tpu.memory_space<vmem>>, %arg9: memref<6400xf32, #tpu.memory_space<vmem>>, %arg10: memref<50x128xi32, #tpu.memory_space<vmem>>, %arg11: memref<128x128xf32, #tpu.memory_space<vmem>>, %arg12: memref<128x128xf32, #tpu.memory_space<vmem>>, %arg13: memref<24x8x128xf32, #tpu.memory_space<vmem>>, %arg14: memref<24x8x128xf32, #tpu.memory_space<vmem>>, %arg15: memref<!tpu.dma_semaphore, #tpu.memory_space<semaphore_mem>>, %arg16: memref<!tpu.dma_semaphore, #tpu.memory_space<semaphore_mem>>, %arg17: memref<!tpu.dma_semaphore, #tpu.memory_space<semaphore_mem>>, %arg18: memref<!tpu.dma_semaphore, #tpu.memory_space<semaphore_mem>>) attributes {dimension_semantics = [#tpu.dimension_semantics<core_parallel>, #tpu.dimension_semantics<subcore_parallel>], iteration_bounds = array<i64: 2, 16>, scalar_prefetch = 0 : i64, scratch_operands = 12 : i64, tpu.core_type = #tpu.core_type<sc_vector_subcore>, window_params = [{transform_indices = #map}, {transform_indices = #map}, {transform_indices = #map}, {transform_indices = #map1}, {transform_indices = #map2}]} {
    %mul3A = arith.constant 2 : i32
    %mul3A_0 = arith.muli %arg1, %mul3A : i32
    %add3A = arith.addi %mul3A_0, %arg0 : i32
    "tpu.region"() ({
      %run_scoped3A = tpu.sem_alloc : memref<!tpu.dma_semaphore, #tpu.memory_space<semaphore_mem>>
      tpu.enqueue_dma source(%arg3 : memref<23424xf32, #tpu.memory_space<hbm>>) target(%arg7 : memref<23424xf32, #tpu.memory_space<vmem>>) target_semaphore(%run_scoped3A : memref<!tpu.dma_semaphore, #tpu.memory_space<semaphore_mem>>)
      tpu.wait_dma2 semaphore(%run_scoped3A : memref<!tpu.dma_semaphore, #tpu.memory_space<semaphore_mem>>) src(%arg3 : memref<23424xf32, #tpu.memory_space<hbm>>) dst(%arg7 : memref<23424xf32, #tpu.memory_space<vmem>>)
      tpu.yield
    }) : () -> ()
    "tpu.region"() ({
      %run_scoped3A = tpu.sem_alloc : memref<!tpu.dma_semaphore, #tpu.memory_space<semaphore_mem>>
      tpu.enqueue_dma source(%arg4 : memref<1536xf32, #tpu.memory_space<hbm>>) target(%arg8 : memref<1536xf32, #tpu.memory_space<vmem>>) target_semaphore(%run_scoped3A : memref<!tpu.dma_semaphore, #tpu.memory_space<semaphore_mem>>)
      tpu.wait_dma2 semaphore(%run_scoped3A : memref<!tpu.dma_semaphore, #tpu.memory_space<semaphore_mem>>) src(%arg4 : memref<1536xf32, #tpu.memory_space<hbm>>) dst(%arg8 : memref<1536xf32, #tpu.memory_space<vmem>>)
      tpu.yield
    }) : () -> ()
    %mul3A_1 = arith.constant 6400 : i32
    %mul3A_2 = arith.muli %add3A, %mul3A_1 : i32
    "tpu.region"() ({
      %run_scoped3A = tpu.sem_alloc : memref<!tpu.dma_semaphore, #tpu.memory_space<semaphore_mem>>
      %dma_start3A_109 = tpu.memref_slice %arg2[%mul3A_2] : memref<204800xf32, #tpu.memory_space<hbm>> -> memref<6400xf32, #tpu.memory_space<hbm>>
      %dma_start3A_110 = tpu.memref_slice %arg2[%mul3A_2] : memref<204800xf32, #tpu.memory_space<hbm>> -> memref<6400xf32, #tpu.memory_space<hbm>>
      tpu.enqueue_dma source(%dma_start3A_110 : memref<6400xf32, #tpu.memory_space<hbm>>) target(%arg9 : memref<6400xf32, #tpu.memory_space<vmem>>) target_semaphore(%run_scoped3A : memref<!tpu.dma_semaphore, #tpu.memory_space<semaphore_mem>>)
      %dma_wait3A_111 = tpu.memref_slice %arg2[%mul3A_2] : memref<204800xf32, #tpu.memory_space<hbm>> -> memref<6400xf32, #tpu.memory_space<hbm>>
      %dma_wait3A_112 = tpu.memref_slice %arg2[%mul3A_2] : memref<204800xf32, #tpu.memory_space<hbm>> -> memref<6400xf32, #tpu.memory_space<hbm>>
      tpu.wait_dma2 semaphore(%run_scoped3A : memref<!tpu.dma_semaphore, #tpu.memory_space<semaphore_mem>>) src(%dma_wait3A_112 : memref<6400xf32, #tpu.memory_space<hbm>>) dst(%arg9 : memref<6400xf32, #tpu.memory_space<vmem>>)
      tpu.yield
    }) : () -> ()
    %scan3A = arith.constant 0 : i32
    %scan3A_3 = arith.constant 0 : i32
    %scan3A_4 = arith.constant 23 : i32
    %scan3A_5 = arith.addi %scan3A_3, %scan3A_4 : i32
    %scan3A_6 = arith.constant 1 : i32
    %scan3A_7 = scf.for %scan3A_109 = %scan3A_3 to %scan3A_5 step %scan3A_6 iter_args(%scan3A_110 = %scan3A) -> (i32)  : i32 {
      %iota3A = tpu.iota {dimensions = array<i32: 0>} : vector<16xi32>
      %mul3A_111 = arith.constant 16 : i32
      %mul3A_112 = arith.muli %scan3A_109, %mul3A_111 : i32
      %add3A_113 = vector.broadcast %mul3A_112 : i32 to vector<16xi32>
      %add3A_114 = arith.addi %iota3A, %add3A_113 : vector<16xi32>
      %min3A = arith.constant 365 : i32
      %min3A_115 = vector.broadcast %min3A : i32 to vector<16xi32>
      %min3A_116 = arith.minsi %add3A_114, %min3A_115 : vector<16xi32>
      %mul3A_117 = arith.constant 64 : i32
      %mul3A_118 = vector.broadcast %mul3A_117 : i32 to vector<16xi32>
      %mul3A_119 = arith.muli %min3A_116, %mul3A_118 : vector<16xi32>
      %broadcast_in_dim3A = arith.constant 0.000000e+00 : f32
      %broadcast_in_dim3A_120 = vector.broadcast %broadcast_in_dim3A : f32 to vector<16xf32>
      %scan3A_121 = arith.constant 0 : i32
      %scan3A_122 = arith.constant 64 : i32
      %scan3A_123 = arith.addi %scan3A_121, %scan3A_122 : i32
      %scan3A_124 = arith.constant 1 : i32
      %scan3A_125 = scf.for %scan3A_174 = %scan3A_121 to %scan3A_123 step %scan3A_124 iter_args(%scan3A_175 = %broadcast_in_dim3A_120) -> (vector<16xf32>)  : i32 {
        %add3A_176 = vector.broadcast %scan3A_174 : i32 to vector<16xi32>
        %add3A_177 = arith.addi %mul3A_119, %add3A_176 : vector<16xi32>
        %gather3A = tpu.vector_load_idx %arg7[%add3A_177] : memref<23424xf32, #tpu.memory_space<vmem>>[vector<16xi32>], vector<16xf32>,
        %mul3A_178 = arith.mulf %gather3A, %gather3A : vector<16xf32>
        %add3A_179 = arith.addf %scan3A_175, %mul3A_178 : vector<16xf32>
        scf.yield %add3A_179 : vector<16xf32>
      }
      %scan3A_126 = arith.constant 64 : i32
      %bitcast_convert_type3A = tpu.bitcast %scan3A_125 : vector<16xf32> -> vector<16xi32>
      %shift_right_logical3A = arith.constant 1 : i32
      %shift_right_logical3A_127 = vector.broadcast %shift_right_logical3A : i32 to vector<16xi32>
      %shift_right_logical3A_128 = arith.shrui %bitcast_convert_type3A, %shift_right_logical3A_127 : vector<16xi32>
      %sub3A_129 = arith.constant 1597463007 : i32
      %sub3A_130 = vector.broadcast %sub3A_129 : i32 to vector<16xi32>
      %sub3A_131 = arith.subi %sub3A_130, %shift_right_logical3A_128 : vector<16xi32>
      %bitcast_convert_type3A_132 = tpu.bitcast %sub3A_131 : vector<16xi32> -> vector<16xf32>
      %mul3A_133 = arith.constant 5.000000e-01 : f32
      %mul3A_134 = vector.broadcast %mul3A_133 : f32 to vector<16xf32>
      %mul3A_135 = arith.mulf %scan3A_125, %mul3A_134 : vector<16xf32>
      %mul3A_136 = arith.mulf %mul3A_135, %bitcast_convert_type3A_132 : vector<16xf32>
      %mul3A_137 = arith.mulf %mul3A_136, %bitcast_convert_type3A_132 : vector<16xf32>
      %sub3A_138 = arith.constant 1.500000e+00 : f32
      %sub3A_139 = vector.broadcast %sub3A_138 : f32 to vector<16xf32>
      %sub3A_140 = arith.subf %sub3A_139, %mul3A_137 : vector<16xf32>
      %mul3A_141 = arith.mulf %bitcast_convert_type3A_132, %sub3A_140 : vector<16xf32>
      %mul3A_142 = arith.mulf %mul3A_135, %mul3A_141 : vector<16xf32>
      %mul3A_143 = arith.mulf %mul3A_142, %mul3A_141 : vector<16xf32>
      %sub3A_144 = arith.constant 1.500000e+00 : f32
      %sub3A_145 = vector.broadcast %sub3A_144 : f32 to vector<16xf32>
      %sub3A_146 = arith.subf %sub3A_145, %mul3A_143 : vector<16xf32>
      %mul3A_147 = arith.mulf %mul3A_141, %sub3A_146 : vector<16xf32>
      %mul3A_148 = arith.mulf %mul3A_135, %mul3A_147 : vector<16xf32>
      %mul3A_149 = arith.mulf %mul3A_148, %mul3A_147 : vector<16xf32>
      %sub3A_150 = arith.constant 1.500000e+00 : f32
      %sub3A_151 = vector.broadcast %sub3A_150 : f32 to vector<16xf32>
      %sub3A_152 = arith.subf %sub3A_151, %mul3A_149 : vector<16xf32>
      %mul3A_153 = arith.mulf %mul3A_147, %sub3A_152 : vector<16xf32>
      %mul3A_154 = arith.mulf %scan3A_125, %mul3A_153 : vector<16xf32>
      %gt3A = arith.constant 1.000000e+00 : f32
      %gt3A_155 = vector.broadcast %gt3A : f32 to vector<16xf32>
      %gt3A_156 = arith.cmpf ogt, %mul3A_154, %gt3A_155 : vector<16xf32>
      %add3A_157 = arith.constant 1.000000e-07 : f32
      %add3A_158 = vector.broadcast %add3A_157 : f32 to vector<16xf32>
      %add3A_159 = arith.addf %mul3A_154, %add3A_158 : vector<16xf32>
      %div3A_160 = arith.constant 1.000000e+00 : f32
      %div3A_161 = vector.broadcast %div3A_160 : f32 to vector<16xf32>
      %div3A_162 = arith.divf %div3A_161, %add3A_159 : vector<16xf32>
      %jit3A_163 = arith.constant 1.000000e+00 : f32
      %broadcast_in_dim3A_164 = vector.broadcast %jit3A_163 : f32 to vector<16xf32>
      %select_n3A_165 = arith.select %gt3A_156, %div3A_162, %broadcast_in_dim3A_164 : vector<16xi1>, vector<16xf32>
      %scan3A_166 = arith.constant 0 : i32
      %scan3A_167 = arith.constant 0 : i32
      %scan3A_168 = arith.constant 64 : i32
      %scan3A_169 = arith.addi %scan3A_167, %scan3A_168 : i32
      %scan3A_170 = arith.constant 1 : i32
      %scan3A_171 = scf.for %scan3A_174 = %scan3A_167 to %scan3A_169 step %scan3A_170 iter_args(%scan3A_175 = %scan3A_166) -> (i32)  : i32 {
        %add3A_176 = vector.broadcast %scan3A_174 : i32 to vector<16xi32>
        %add3A_177 = arith.addi %mul3A_119, %add3A_176 : vector<16xi32>
        %gather3A = tpu.vector_load_idx %arg7[%add3A_177] : memref<23424xf32, #tpu.memory_space<vmem>>[vector<16xi32>], vector<16xf32>,
        %add3A_178 = vector.broadcast %scan3A_174 : i32 to vector<16xi32>
        %add3A_179 = arith.addi %mul3A_119, %add3A_178 : vector<16xi32>
        %mul3A_180 = arith.mulf %gather3A, %select_n3A_165 : vector<16xf32>
        tpu.vector_store_idx %arg7[%add3A_179], %mul3A_180 : memref<23424xf32, #tpu.memory_space<vmem>>[vector<16xi32>], vector<16xf32>,
        %scan3A_181 = arith.constant 0 : i32
        scf.yield %scan3A_181 : i32
      }
      %scan3A_172 = arith.constant 64 : i32
      %scan3A_173 = arith.constant 0 : i32
      scf.yield %scan3A_173 : i32
    }
    %scan3A_8 = arith.constant 23 : i32
    %scan3A_9 = arith.constant 0 : i32
    %scan3A_10 = arith.constant 0 : i32
    %scan3A_11 = arith.constant 2 : i32
    %scan3A_12 = arith.addi %scan3A_10, %scan3A_11 : i32
    %scan3A_13 = arith.constant 1 : i32
    %scan3A_14 = scf.for %scan3A_109 = %scan3A_10 to %scan3A_12 step %scan3A_13 iter_args(%scan3A_110 = %scan3A_9) -> (i32)  : i32 {
      %iota3A = tpu.iota {dimensions = array<i32: 0>} : vector<16xi32>
      %mul3A_111 = arith.constant 16 : i32
      %mul3A_112 = arith.muli %scan3A_109, %mul3A_111 : i32
      %add3A_113 = vector.broadcast %mul3A_112 : i32 to vector<16xi32>
      %add3A_114 = arith.addi %iota3A, %add3A_113 : vector<16xi32>
      %min3A = arith.constant 23 : i32
      %min3A_115 = vector.broadcast %min3A : i32 to vector<16xi32>
      %min3A_116 = arith.minsi %add3A_114, %min3A_115 : vector<16xi32>
      %mul3A_117 = arith.constant 64 : i32
      %mul3A_118 = vector.broadcast %mul3A_117 : i32 to vector<16xi32>
      %mul3A_119 = arith.muli %min3A_116, %mul3A_118 : vector<16xi32>
      %broadcast_in_dim3A = arith.constant 0.000000e+00 : f32
      %broadcast_in_dim3A_120 = vector.broadcast %broadcast_in_dim3A : f32 to vector<16xf32>
      %scan3A_121 = arith.constant 0 : i32
      %scan3A_122 = arith.constant 64 : i32
      %scan3A_123 = arith.addi %scan3A_121, %scan3A_122 : i32
      %scan3A_124 = arith.constant 1 : i32
      %scan3A_125 = scf.for %scan3A_174 = %scan3A_121 to %scan3A_123 step %scan3A_124 iter_args(%scan3A_175 = %broadcast_in_dim3A_120) -> (vector<16xf32>)  : i32 {
        %add3A_176 = vector.broadcast %scan3A_174 : i32 to vector<16xi32>
        %add3A_177 = arith.addi %mul3A_119, %add3A_176 : vector<16xi32>
        %gather3A = tpu.vector_load_idx %arg8[%add3A_177] : memref<1536xf32, #tpu.memory_space<vmem>>[vector<16xi32>], vector<16xf32>,
        %mul3A_178 = arith.mulf %gather3A, %gather3A : vector<16xf32>
        %add3A_179 = arith.addf %scan3A_175, %mul3A_178 : vector<16xf32>
        scf.yield %add3A_179 : vector<16xf32>
      }
      %scan3A_126 = arith.constant 64 : i32
      %bitcast_convert_type3A = tpu.bitcast %scan3A_125 : vector<16xf32> -> vector<16xi32>
      %shift_right_logical3A = arith.constant 1 : i32
      %shift_right_logical3A_127 = vector.broadcast %shift_right_logical3A : i32 to vector<16xi32>
      %shift_right_logical3A_128 = arith.shrui %bitcast_convert_type3A, %shift_right_logical3A_127 : vector<16xi32>
      %sub3A_129 = arith.constant 1597463007 : i32
      %sub3A_130 = vector.broadcast %sub3A_129 : i32 to vector<16xi32>
      %sub3A_131 = arith.subi %sub3A_130, %shift_right_logical3A_128 : vector<16xi32>
      %bitcast_convert_type3A_132 = tpu.bitcast %sub3A_131 : vector<16xi32> -> vector<16xf32>
      %mul3A_133 = arith.constant 5.000000e-01 : f32
      %mul3A_134 = vector.broadcast %mul3A_133 : f32 to vector<16xf32>
      %mul3A_135 = arith.mulf %scan3A_125, %mul3A_134 : vector<16xf32>
      %mul3A_136 = arith.mulf %mul3A_135, %bitcast_convert_type3A_132 : vector<16xf32>
      %mul3A_137 = arith.mulf %mul3A_136, %bitcast_convert_type3A_132 : vector<16xf32>
      %sub3A_138 = arith.constant 1.500000e+00 : f32
      %sub3A_139 = vector.broadcast %sub3A_138 : f32 to vector<16xf32>
      %sub3A_140 = arith.subf %sub3A_139, %mul3A_137 : vector<16xf32>
      %mul3A_141 = arith.mulf %bitcast_convert_type3A_132, %sub3A_140 : vector<16xf32>
      %mul3A_142 = arith.mulf %mul3A_135, %mul3A_141 : vector<16xf32>
      %mul3A_143 = arith.mulf %mul3A_142, %mul3A_141 : vector<16xf32>
      %sub3A_144 = arith.constant 1.500000e+00 : f32
      %sub3A_145 = vector.broadcast %sub3A_144 : f32 to vector<16xf32>
      %sub3A_146 = arith.subf %sub3A_145, %mul3A_143 : vector<16xf32>
      %mul3A_147 = arith.mulf %mul3A_141, %sub3A_146 : vector<16xf32>
      %mul3A_148 = arith.mulf %mul3A_135, %mul3A_147 : vector<16xf32>
      %mul3A_149 = arith.mulf %mul3A_148, %mul3A_147 : vector<16xf32>
      %sub3A_150 = arith.constant 1.500000e+00 : f32
      %sub3A_151 = vector.broadcast %sub3A_150 : f32 to vector<16xf32>
      %sub3A_152 = arith.subf %sub3A_151, %mul3A_149 : vector<16xf32>
      %mul3A_153 = arith.mulf %mul3A_147, %sub3A_152 : vector<16xf32>
      %mul3A_154 = arith.mulf %scan3A_125, %mul3A_153 : vector<16xf32>
      %gt3A = arith.constant 1.000000e+00 : f32
      %gt3A_155 = vector.broadcast %gt3A : f32 to vector<16xf32>
      %gt3A_156 = arith.cmpf ogt, %mul3A_154, %gt3A_155 : vector<16xf32>
      %add3A_157 = arith.constant 1.000000e-07 : f32
      %add3A_158 = vector.broadcast %add3A_157 : f32 to vector<16xf32>
      %add3A_159 = arith.addf %mul3A_154, %add3A_158 : vector<16xf32>
      %div3A_160 = arith.constant 1.000000e+00 : f32
      %div3A_161 = vector.broadcast %div3A_160 : f32 to vector<16xf32>
      %div3A_162 = arith.divf %div3A_161, %add3A_159 : vector<16xf32>
      %jit3A_163 = arith.constant 1.000000e+00 : f32
      %broadcast_in_dim3A_164 = vector.broadcast %jit3A_163 : f32 to vector<16xf32>
      %select_n3A_165 = arith.select %gt3A_156, %div3A_162, %broadcast_in_dim3A_164 : vector<16xi1>, vector<16xf32>
      %scan3A_166 = arith.constant 0 : i32
      %scan3A_167 = arith.constant 0 : i32
      %scan3A_168 = arith.constant 64 : i32
      %scan3A_169 = arith.addi %scan3A_167, %scan3A_168 : i32
      %scan3A_170 = arith.constant 1 : i32
      %scan3A_171 = scf.for %scan3A_174 = %scan3A_167 to %scan3A_169 step %scan3A_170 iter_args(%scan3A_175 = %scan3A_166) -> (i32)  : i32 {
        %add3A_176 = vector.broadcast %scan3A_174 : i32 to vector<16xi32>
        %add3A_177 = arith.addi %mul3A_119, %add3A_176 : vector<16xi32>
        %gather3A = tpu.vector_load_idx %arg8[%add3A_177] : memref<1536xf32, #tpu.memory_space<vmem>>[vector<16xi32>], vector<16xf32>,
        %add3A_178 = vector.broadcast %scan3A_174 : i32 to vector<16xi32>
        %add3A_179 = arith.addi %mul3A_119, %add3A_178 : vector<16xi32>
        %mul3A_180 = arith.mulf %gather3A, %select_n3A_165 : vector<16xf32>
        tpu.vector_store_idx %arg8[%add3A_179], %mul3A_180 : memref<1536xf32, #tpu.memory_space<vmem>>[vector<16xi32>], vector<16xf32>,
        %scan3A_181 = arith.constant 0 : i32
        scf.yield %scan3A_181 : i32
      }
      %scan3A_172 = arith.constant 64 : i32
      %scan3A_173 = arith.constant 0 : i32
      scf.yield %scan3A_173 : i32
    }
    %scan3A_15 = arith.constant 2 : i32
    %scan3A_16 = arith.constant 0 : i32
    %scan3A_17 = arith.constant 0 : i32
    %scan3A_18 = arith.constant 50 : i32
    %scan3A_19 = arith.addi %scan3A_17, %scan3A_18 : i32
    %scan3A_20 = arith.constant 1 : i32
    %scan3A_21 = scf.for %scan3A_109 = %scan3A_17 to %scan3A_19 step %scan3A_20 iter_args(%scan3A_110 = %scan3A_16) -> (i32)  : i32 {
      %scan3A_111 = arith.constant 0 : i32
      %scan3A_112 = arith.constant 0 : i32
      %scan3A_113 = arith.constant 8 : i32
      %scan3A_114 = arith.addi %scan3A_112, %scan3A_113 : i32
      %scan3A_115 = arith.constant 1 : i32
      %scan3A_116 = scf.for %scan3A_119 = %scan3A_112 to %scan3A_114 step %scan3A_115 iter_args(%scan3A_120 = %scan3A_111) -> (i32)  : i32 {
        %mul3A_121 = arith.constant 128 : i32
        %mul3A_122 = arith.muli %scan3A_109, %mul3A_121 : i32
        %mul3A_123 = arith.constant 16 : i32
        %mul3A_124 = arith.muli %scan3A_119, %mul3A_123 : i32
        %add3A_125 = arith.addi %mul3A_122, %mul3A_124 : i32
        %get3A = arith.index_cast %add3A_125 : i32 to index
        %get3A_126 = tpu.vector_load %arg9[%get3A] {strides = array<i32>} : memref<6400xf32, #tpu.memory_space<vmem>>, vector<16xf32>,
        %div3A_127 = arith.constant 1.000000e+01 : f32
        %div3A_128 = vector.broadcast %div3A_127 : f32 to vector<16xf32>
        %div3A_129 = arith.divf %get3A_126, %div3A_128 : vector<16xf32>
        %convert_element_type3A = arith.fptosi %div3A_129 : vector<16xf32> to vector<16xi32>
        %shift_right_logical3A = arith.constant 1 : i32
        %shift_right_logical3A_130 = vector.broadcast %shift_right_logical3A : i32 to vector<16xi32>
        %shift_right_logical3A_131 = arith.shrui %convert_element_type3A, %shift_right_logical3A_130 : vector<16xi32>
        %mul3A_132 = arith.constant 16 : i32
        %mul3A_133 = arith.muli %scan3A_119, %mul3A_132 : i32
        %swap3A = arith.index_cast %scan3A_109 : i32 to index
        %swap3A_134 = arith.index_cast %mul3A_133 : i32 to index
        %swap3A_135 = tpu.vector_load %arg10[%swap3A, %swap3A_134] {strides = array<i32>} : memref<50x128xi32, #tpu.memory_space<vmem>>, vector<16xi32>,
        tpu.vector_store %arg10[%swap3A, %swap3A_134], %shift_right_logical3A_131 {strides = array<i32>} : memref<50x128xi32, #tpu.memory_space<vmem>>, vector<16xi32>,
        %scan3A_136 = arith.constant 0 : i32
        scf.yield %scan3A_136 : i32
      }
      %scan3A_117 = arith.constant 8 : i32
      %scan3A_118 = arith.constant 0 : i32
      scf.yield %scan3A_118 : i32
    }
    %scan3A_22 = arith.constant 50 : i32
    %dma_start3A = arith.constant 0 : i32
    %dma_start3A_23 = arith.constant 0 : i32
    %dma_start3A_24 = tpu.memref_slice %arg10[%dma_start3A, %dma_start3A_23] : memref<50x128xi32, #tpu.memory_space<vmem>> -> memref<1x128xi32, #tpu.memory_space<vmem>>
    %dma_start3A_25 = tpu.memref_squeeze %dma_start3A_24 : memref<1x128xi32, #tpu.memory_space<vmem>> -> memref<128xi32, #tpu.memory_space<vmem>>
    %dma_start3A_26 = arith.constant 0 : i32
    %dma_start3A_27 = arith.constant 0 : i32
    %dma_start3A_28 = tpu.memref_slice %arg5[%dma_start3A_26, %dma_start3A_27] : memref<50000x128xf32, #tpu.memory_space<hbm>> -> memref<50000x128xf32, #tpu.memory_space<hbm>>
    tpu.enqueue_indirect_dma source(%dma_start3A_28 : memref<50000x128xf32, #tpu.memory_space<hbm>>) target(%arg11 : memref<128x128xf32, #tpu.memory_space<vmem>>) offsets(%dma_start3A_25 : memref<128xi32, #tpu.memory_space<vmem>>) semaphore(%arg15 : memref<!tpu.dma_semaphore, #tpu.memory_space<semaphore_mem>>)
    %scan3A_29 = arith.constant 0 : i32
    %scan3A_30 = arith.constant 0 : i32
    %scan3A_31 = arith.constant 25 : i32
    %scan3A_32 = arith.addi %scan3A_30, %scan3A_31 : i32
    %scan3A_33 = arith.constant 1 : i32
    %scan3A_34 = scf.for %scan3A_109 = %scan3A_30 to %scan3A_32 step %scan3A_33 iter_args(%scan3A_110 = %scan3A_29) -> (i32)  : i32 {
      %mul3A_111 = arith.constant 2 : i32
      %mul3A_112 = arith.muli %scan3A_109, %mul3A_111 : i32
      %add3A_113 = arith.constant 0 : i32
      %add3A_114 = arith.addi %mul3A_112, %add3A_113 : i32
      %add3A_115 = arith.constant 1 : i32
      %add3A_116 = arith.addi %add3A_114, %add3A_115 : i32
      %lt3A = arith.constant 50 : i32
      %lt3A_117 = arith.cmpi slt, %add3A_116, %lt3A : i32
      %convert_element_type3A = arith.extui %lt3A_117 : i1 to i32
      %cond3A = arith.constant 0 : i32
      %cond3A_118 = arith.cmpi ne, %convert_element_type3A, %cond3A : i32
      scf.if %cond3A_118 {
        %add3A_246 = arith.constant 1 : i32
        %add3A_247 = arith.addi %add3A_114, %add3A_246 : i32
        %dma_start3A_248 = arith.constant 0 : i32
        %dma_start3A_249 = tpu.memref_slice %arg10[%add3A_247, %dma_start3A_248] : memref<50x128xi32, #tpu.memory_space<vmem>> -> memref<1x128xi32, #tpu.memory_space<vmem>>
        %dma_start3A_250 = tpu.memref_squeeze %dma_start3A_249 : memref<1x128xi32, #tpu.memory_space<vmem>> -> memref<128xi32, #tpu.memory_space<vmem>>
        %dma_start3A_251 = arith.constant 0 : i32
        %dma_start3A_252 = arith.constant 0 : i32
        %dma_start3A_253 = tpu.memref_slice %arg5[%dma_start3A_251, %dma_start3A_252] : memref<50000x128xf32, #tpu.memory_space<hbm>> -> memref<50000x128xf32, #tpu.memory_space<hbm>>
        tpu.enqueue_indirect_dma source(%dma_start3A_253 : memref<50000x128xf32, #tpu.memory_space<hbm>>) target(%arg12 : memref<128x128xf32, #tpu.memory_space<vmem>>) offsets(%dma_start3A_250 : memref<128xi32, #tpu.memory_space<vmem>>) semaphore(%arg16 : memref<!tpu.dma_semaphore, #tpu.memory_space<semaphore_mem>>)
      } else {
      }
      %dma_wait3A_119 = arith.constant 0 : i32
      %dma_wait3A_120 = tpu.memref_slice %arg10[%add3A_114, %dma_wait3A_119] : memref<50x128xi32, #tpu.memory_space<vmem>> -> memref<1x128xi32, #tpu.memory_space<vmem>>
      %dma_wait3A_121 = tpu.memref_squeeze %dma_wait3A_120 : memref<1x128xi32, #tpu.memory_space<vmem>> -> memref<128xi32, #tpu.memory_space<vmem>>
      %dma_wait3A_122 = arith.constant 0 : i32
      %dma_wait3A_123 = arith.constant 0 : i32
      %dma_wait3A_124 = tpu.memref_slice %arg5[%dma_wait3A_122, %dma_wait3A_123] : memref<50000x128xf32, #tpu.memory_space<hbm>> -> memref<50000x128xf32, #tpu.memory_space<hbm>>
      tpu.wait_indirect_dma semaphore(%arg15 : memref<!tpu.dma_semaphore, #tpu.memory_space<semaphore_mem>>) src(%dma_wait3A_124 : memref<50000x128xf32, #tpu.memory_space<hbm>>) dst(%arg11 : memref<128x128xf32, #tpu.memory_space<vmem>>)
      %ge3A = arith.constant 2 : i32
      %ge3A_125 = arith.cmpi sge, %add3A_114, %ge3A : i32
      %convert_element_type3A_126 = arith.extui %ge3A_125 : i1 to i32
      %cond3A_127 = arith.constant 0 : i32
      %cond3A_128 = arith.cmpi ne, %convert_element_type3A_126, %cond3A_127 : i32
      scf.if %cond3A_128 {
        %sub3A_246 = arith.constant 2 : i32
        %sub3A_247 = arith.subi %add3A_114, %sub3A_246 : i32
        %mul3A_248 = arith.constant 50 : i32
        %mul3A_249 = arith.muli %add3A, %mul3A_248 : i32
        %add3A_250 = arith.addi %mul3A_249, %sub3A_247 : i32
        %jit3A_251 = arith.constant 32 : i32
        %div3A_252 = arith.divsi %add3A_250, %jit3A_251 : i32
        %sign3A_253 = arith.constant 0 : i32
        %sign3A_254 = arith.cmpi sgt, %add3A_250, %sign3A_253 : i32
        %sign3A_255 = arith.extui %sign3A_254 : i1 to i32
        %sign3A_256 = arith.constant 0 : i32
        %sign3A_257 = arith.cmpi slt, %add3A_250, %sign3A_256 : i32
        %sign3A_258 = arith.extui %sign3A_257 : i1 to i32
        %sign3A_259 = arith.subi %sign3A_255, %sign3A_258 : i32
        %sign3A_260 = arith.constant 0 : i32
        %sign3A_261 = arith.cmpi sgt, %jit3A_251, %sign3A_260 : i32
        %sign3A_262 = arith.extui %sign3A_261 : i1 to i32
        %sign3A_263 = arith.constant 0 : i32
        %sign3A_264 = arith.cmpi slt, %jit3A_251, %sign3A_263 : i32
        %sign3A_265 = arith.extui %sign3A_264 : i1 to i32
        %sign3A_266 = arith.subi %sign3A_262, %sign3A_265 : i32
        %ne3A_267 = arith.cmpi ne, %sign3A_259, %sign3A_266 : i32
        %rem3A_268 = arith.remsi %add3A_250, %jit3A_251 : i32
        %ne3A_269 = arith.constant 0 : i32
        %ne3A_270 = arith.cmpi ne, %rem3A_268, %ne3A_269 : i32
        %and3A_271 = arith.andi %ne3A_267, %ne3A_270 : i1
        %sub3A_272 = arith.constant 1 : i32
        %sub3A_273 = arith.subi %div3A_252, %sub3A_272 : i32
        %select_n3A_274 = arith.select %and3A_271, %sub3A_273, %div3A_252 : i32
        %mul3A_275 = arith.constant 32 : i32
        %mul3A_276 = arith.muli %select_n3A_274, %mul3A_275 : i32
        %sub3A_277 = arith.subi %add3A_250, %mul3A_276 : i32
        %dma_wait3A_278 = arith.constant 0 : i32
        %dma_wait3A_279 = arith.constant 0 : i32
        %dma_wait3A_280 = arith.constant 0 : i32
        %dma_wait3A_281 = tpu.memref_slice %arg6[%select_n3A_274, %dma_wait3A_278, %sub3A_277, %dma_wait3A_279, %dma_wait3A_280] : memref<50x24x32x8x128xf32, #tpu.memory_space<hbm>> -> memref<1x24x1x8x128xf32, #tpu.memory_space<hbm>>
        %dma_wait3A_282 = tpu.memref_squeeze %dma_wait3A_281 : memref<1x24x1x8x128xf32, #tpu.memory_space<hbm>> -> memref<24x8x128xf32, #tpu.memory_space<hbm>>
        %dma_wait3A_283 = arith.constant 0 : i32
        %dma_wait3A_284 = arith.constant 0 : i32
        %dma_wait3A_285 = arith.constant 0 : i32
        %dma_wait3A_286 = tpu.memref_slice %arg6[%select_n3A_274, %dma_wait3A_283, %sub3A_277, %dma_wait3A_284, %dma_wait3A_285] : memref<50x24x32x8x128xf32, #tpu.memory_space<hbm>> -> memref<1x24x1x8x128xf32, #tpu.memory_space<hbm>>
        %dma_wait3A_287 = tpu.memref_squeeze %dma_wait3A_286 : memref<1x24x1x8x128xf32, #tpu.memory_space<hbm>> -> memref<24x8x128xf32, #tpu.memory_space<hbm>>
        tpu.wait_dma2 semaphore(%arg17 : memref<!tpu.dma_semaphore, #tpu.memory_space<semaphore_mem>>) src(%arg13 : memref<24x8x128xf32, #tpu.memory_space<vmem>>) dst(%dma_wait3A_287 : memref<24x8x128xf32, #tpu.memory_space<hbm>>)
      } else {
      }
      %scan3A_129 = arith.constant 0 : i32
      %scan3A_130 = arith.constant 0 : i32
      %scan3A_131 = arith.constant 8 : i32
      %scan3A_132 = arith.addi %scan3A_130, %scan3A_131 : i32
      %scan3A_133 = arith.constant 1 : i32
      %scan3A_134 = scf.for %scan3A_246 = %scan3A_130 to %scan3A_132 step %scan3A_133 iter_args(%scan3A_247 = %scan3A_129) -> (i32)  : i32 {
        %mul3A_248 = arith.constant 128 : i32
        %mul3A_249 = arith.muli %add3A_114, %mul3A_248 : i32
        %mul3A_250 = arith.constant 16 : i32
        %mul3A_251 = arith.muli %scan3A_246, %mul3A_250 : i32
        %add3A_252 = arith.addi %mul3A_249, %mul3A_251 : i32
        %get3A = arith.index_cast %add3A_252 : i32 to index
        %get3A_253 = tpu.vector_load %arg9[%get3A] {strides = array<i32>} : memref<6400xf32, #tpu.memory_space<vmem>>, vector<16xf32>,
        %mul3A_254 = arith.constant 2.400000e+01 : f32
        %mul3A_255 = vector.broadcast %mul3A_254 : f32 to vector<16xf32>
        %mul3A_256 = arith.mulf %get3A_253, %mul3A_255 : vector<16xf32>
        %convert_element_type3A_257 = arith.fptosi %mul3A_256 : vector<16xf32> to vector<16xi32>
        %convert_element_type3A_258 = arith.sitofp %convert_element_type3A_257 : vector<16xi32> to vector<16xf32>
        %mul3A_259 = arith.constant 0.0416666679 : f32
        %mul3A_260 = vector.broadcast %mul3A_259 : f32 to vector<16xf32>
        %mul3A_261 = arith.mulf %convert_element_type3A_258, %mul3A_260 : vector<16xf32>
        %convert_element_type3A_262 = arith.fptosi %mul3A_261 : vector<16xf32> to vector<16xi32>
        %mul3A_263 = arith.constant 24 : i32
        %mul3A_264 = vector.broadcast %mul3A_263 : i32 to vector<16xi32>
        %mul3A_265 = arith.muli %convert_element_type3A_262, %mul3A_264 : vector<16xi32>
        %gt3A = arith.cmpi sgt, %mul3A_265, %convert_element_type3A_257 : vector<16xi32>
        %sub3A_266 = arith.constant 1 : i32
        %sub3A_267 = vector.broadcast %sub3A_266 : i32 to vector<16xi32>
        %sub3A_268 = arith.subi %convert_element_type3A_262, %sub3A_267 : vector<16xi32>
        %select_n3A_269 = arith.select %gt3A, %sub3A_268, %convert_element_type3A_262 : vector<16xi1>, vector<16xi32>
        %mul3A_270 = arith.constant 24 : i32
        %mul3A_271 = vector.broadcast %mul3A_270 : i32 to vector<16xi32>
        %mul3A_272 = arith.muli %select_n3A_269, %mul3A_271 : vector<16xi32>
        %add3A_273 = arith.constant 24 : i32
        %add3A_274 = vector.broadcast %add3A_273 : i32 to vector<16xi32>
        %add3A_275 = arith.addi %mul3A_272, %add3A_274 : vector<16xi32>
        %le3A = arith.cmpi sle, %add3A_275, %convert_element_type3A_257 : vector<16xi32>
        %add3A_276 = arith.constant 1 : i32
        %add3A_277 = vector.broadcast %add3A_276 : i32 to vector<16xi32>
        %add3A_278 = arith.addi %select_n3A_269, %add3A_277 : vector<16xi32>
        %select_n3A_279 = arith.select %le3A, %add3A_278, %select_n3A_269 : vector<16xi1>, vector<16xi32>
        %mul3A_280 = arith.constant 24 : i32
        %mul3A_281 = vector.broadcast %mul3A_280 : i32 to vector<16xi32>
        %mul3A_282 = arith.muli %select_n3A_279, %mul3A_281 : vector<16xi32>
        %sub3A_283 = arith.subi %convert_element_type3A_257, %mul3A_282 : vector<16xi32>
        %convert_element_type3A_284 = arith.sitofp %select_n3A_279 : vector<16xi32> to vector<16xf32>
        %mul3A_285 = arith.constant 0.00273224036 : f32
        %mul3A_286 = vector.broadcast %mul3A_285 : f32 to vector<16xf32>
        %mul3A_287 = arith.mulf %convert_element_type3A_284, %mul3A_286 : vector<16xf32>
        %convert_element_type3A_288 = arith.fptosi %mul3A_287 : vector<16xf32> to vector<16xi32>
        %mul3A_289 = arith.constant 366 : i32
        %mul3A_290 = vector.broadcast %mul3A_289 : i32 to vector<16xi32>
        %mul3A_291 = arith.muli %convert_element_type3A_288, %mul3A_290 : vector<16xi32>
        %gt3A_292 = arith.cmpi sgt, %mul3A_291, %select_n3A_279 : vector<16xi32>
        %sub3A_293 = arith.constant 1 : i32
        %sub3A_294 = vector.broadcast %sub3A_293 : i32 to vector<16xi32>
        %sub3A_295 = arith.subi %convert_element_type3A_288, %sub3A_294 : vector<16xi32>
        %select_n3A_296 = arith.select %gt3A_292, %sub3A_295, %convert_element_type3A_288 : vector<16xi1>, vector<16xi32>
        %mul3A_297 = arith.constant 366 : i32
        %mul3A_298 = vector.broadcast %mul3A_297 : i32 to vector<16xi32>
        %mul3A_299 = arith.muli %select_n3A_296, %mul3A_298 : vector<16xi32>
        %add3A_300 = arith.constant 366 : i32
        %add3A_301 = vector.broadcast %add3A_300 : i32 to vector<16xi32>
        %add3A_302 = arith.addi %mul3A_299, %add3A_301 : vector<16xi32>
        %le3A_303 = arith.cmpi sle, %add3A_302, %select_n3A_279 : vector<16xi32>
        %add3A_304 = arith.constant 1 : i32
        %add3A_305 = vector.broadcast %add3A_304 : i32 to vector<16xi32>
        %add3A_306 = arith.addi %select_n3A_296, %add3A_305 : vector<16xi32>
        %select_n3A_307 = arith.select %le3A_303, %add3A_306, %select_n3A_296 : vector<16xi1>, vector<16xi32>
        %mul3A_308 = arith.constant 366 : i32
        %mul3A_309 = vector.broadcast %mul3A_308 : i32 to vector<16xi32>
        %mul3A_310 = arith.muli %select_n3A_307, %mul3A_309 : vector<16xi32>
        %sub3A_311 = arith.subi %select_n3A_279, %mul3A_310 : vector<16xi32>
        %mul3A_312 = arith.constant 64 : i32
        %mul3A_313 = vector.broadcast %mul3A_312 : i32 to vector<16xi32>
        %mul3A_314 = arith.muli %sub3A_311, %mul3A_313 : vector<16xi32>
        %mul3A_315 = arith.constant 64 : i32
        %mul3A_316 = vector.broadcast %mul3A_315 : i32 to vector<16xi32>
        %mul3A_317 = arith.muli %sub3A_283, %mul3A_316 : vector<16xi32>
        %iota3A = tpu.iota {dimensions = array<i32: 0>} : vector<16xi32>
        %mul3A_318 = arith.constant 16 : i32
        %mul3A_319 = arith.muli %scan3A_246, %mul3A_318 : i32
        %add3A_320 = vector.broadcast %mul3A_319 : i32 to vector<16xi32>
        %add3A_321 = arith.addi %iota3A, %add3A_320 : vector<16xi32>
        %mul3A_322 = arith.constant 16 : i32
        %mul3A_323 = arith.muli %scan3A_246, %mul3A_322 : i32
        %parallel_loop3A = arith.constant 0 : i32
        %parallel_loop3A_324 = arith.constant 8 : i32
        %parallel_loop3A_325 = arith.constant 1 : i32
        scf.for %parallel_loop3A_384 = %parallel_loop3A to %parallel_loop3A_324 step %parallel_loop3A_325  : i32 {
          %parallel_loop3A_385 = arith.constant 8 : i32
          %parallel_loop3A_386 = arith.muli %parallel_loop3A_384, %parallel_loop3A_385 : i32
          %parallel_loop3A_387 = arith.constant 0 : i32
          %parallel_loop3A_388 = arith.addi %parallel_loop3A_386, %parallel_loop3A_387 : i32
          %parallel_loop3A_389 = vector.broadcast %parallel_loop3A_388 : i32 to vector<16xi32>
          %parallel_loop3A_390 = arith.addi %mul3A_314, %parallel_loop3A_389 : vector<16xi32>
          %parallel_loop3A_391 = tpu.vector_load_idx %arg7[%parallel_loop3A_390] : memref<23424xf32, #tpu.memory_space<vmem>>[vector<16xi32>], vector<16xf32>,
          %parallel_loop3A_392 = arith.constant 0 : i32
          %parallel_loop3A_393 = arith.index_cast %parallel_loop3A_384 : i32 to index
          %parallel_loop3A_394 = arith.index_cast %parallel_loop3A_392 : i32 to index
          %parallel_loop3A_395 = arith.index_cast %mul3A_323 : i32 to index
          %parallel_loop3A_396 = tpu.vector_load %arg13[%parallel_loop3A_393, %parallel_loop3A_394, %parallel_loop3A_395] {strides = array<i32>} : memref<24x8x128xf32, #tpu.memory_space<vmem>>, vector<16xf32>,
          tpu.vector_store %arg13[%parallel_loop3A_393, %parallel_loop3A_394, %parallel_loop3A_395], %parallel_loop3A_391 {strides = array<i32>} : memref<24x8x128xf32, #tpu.memory_space<vmem>>, vector<16xf32>,
          %parallel_loop3A_397 = vector.broadcast %parallel_loop3A_388 : i32 to vector<16xi32>
          %parallel_loop3A_398 = arith.addi %mul3A_317, %parallel_loop3A_397 : vector<16xi32>
          %parallel_loop3A_399 = tpu.vector_load_idx %arg8[%parallel_loop3A_398] : memref<1536xf32, #tpu.memory_space<vmem>>[vector<16xi32>], vector<16xf32>,
          %parallel_loop3A_400 = arith.constant 8 : i32
          %parallel_loop3A_401 = arith.addi %parallel_loop3A_400, %parallel_loop3A_384 : i32
          %parallel_loop3A_402 = arith.constant 0 : i32
          %parallel_loop3A_403 = arith.index_cast %parallel_loop3A_401 : i32 to index
          %parallel_loop3A_404 = arith.index_cast %parallel_loop3A_402 : i32 to index
          %parallel_loop3A_405 = arith.index_cast %mul3A_323 : i32 to index
          %parallel_loop3A_406 = tpu.vector_load %arg13[%parallel_loop3A_403, %parallel_loop3A_404, %parallel_loop3A_405] {strides = array<i32>} : memref<24x8x128xf32, #tpu.memory_space<vmem>>, vector<16xf32>,
          tpu.vector_store %arg13[%parallel_loop3A_403, %parallel_loop3A_404, %parallel_loop3A_405], %parallel_loop3A_399 {strides = array<i32>} : memref<24x8x128xf32, #tpu.memory_space<vmem>>, vector<16xf32>,
          %parallel_loop3A_407 = arith.constant 8 : i32
          %parallel_loop3A_408 = arith.muli %parallel_loop3A_384, %parallel_loop3A_407 : i32
          %parallel_loop3A_409 = arith.constant 1 : i32
          %parallel_loop3A_410 = arith.addi %parallel_loop3A_408, %parallel_loop3A_409 : i32
          %parallel_loop3A_411 = vector.broadcast %parallel_loop3A_410 : i32 to vector<16xi32>
          %parallel_loop3A_412 = arith.addi %mul3A_314, %parallel_loop3A_411 : vector<16xi32>
          %parallel_loop3A_413 = tpu.vector_load_idx %arg7[%parallel_loop3A_412] : memref<23424xf32, #tpu.memory_space<vmem>>[vector<16xi32>], vector<16xf32>,
          %parallel_loop3A_414 = arith.constant 1 : i32
          %parallel_loop3A_415 = arith.index_cast %parallel_loop3A_384 : i32 to index
          %parallel_loop3A_416 = arith.index_cast %parallel_loop3A_414 : i32 to index
          %parallel_loop3A_417 = arith.index_cast %mul3A_323 : i32 to index
          %parallel_loop3A_418 = tpu.vector_load %arg13[%parallel_loop3A_415, %parallel_loop3A_416, %parallel_loop3A_417] {strides = array<i32>} : memref<24x8x128xf32, #tpu.memory_space<vmem>>, vector<16xf32>,
          tpu.vector_store %arg13[%parallel_loop3A_415, %parallel_loop3A_416, %parallel_loop3A_417], %parallel_loop3A_413 {strides = array<i32>} : memref<24x8x128xf32, #tpu.memory_space<vmem>>, vector<16xf32>,
          %parallel_loop3A_419 = vector.broadcast %parallel_loop3A_410 : i32 to vector<16xi32>
          %parallel_loop3A_420 = arith.addi %mul3A_317, %parallel_loop3A_419 : vector<16xi32>
          %parallel_loop3A_421 = tpu.vector_load_idx %arg8[%parallel_loop3A_420] : memref<1536xf32, #tpu.memory_space<vmem>>[vector<16xi32>], vector<16xf32>,
          %parallel_loop3A_422 = arith.constant 8 : i32
          %parallel_loop3A_423 = arith.addi %parallel_loop3A_422, %parallel_loop3A_384 : i32
          %parallel_loop3A_424 = arith.constant 1 : i32
          %parallel_loop3A_425 = arith.index_cast %parallel_loop3A_423 : i32 to index
          %parallel_loop3A_426 = arith.index_cast %parallel_loop3A_424 : i32 to index
          %parallel_loop3A_427 = arith.index_cast %mul3A_323 : i32 to index
          %parallel_loop3A_428 = tpu.vector_load %arg13[%parallel_loop3A_425, %parallel_loop3A_426, %parallel_loop3A_427] {strides = array<i32>} : memref<24x8x128xf32, #tpu.memory_space<vmem>>, vector<16xf32>,
          tpu.vector_store %arg13[%parallel_loop3A_425, %parallel_loop3A_426, %parallel_loop3A_427], %parallel_loop3A_421 {strides = array<i32>} : memref<24x8x128xf32, #tpu.memory_space<vmem>>, vector<16xf32>,
          %parallel_loop3A_429 = arith.constant 8 : i32
          %parallel_loop3A_430 = arith.muli %parallel_loop3A_384, %parallel_loop3A_429 : i32
          %parallel_loop3A_431 = arith.constant 2 : i32
          %parallel_loop3A_432 = arith.addi %parallel_loop3A_430, %parallel_loop3A_431 : i32
          %parallel_loop3A_433 = vector.broadcast %parallel_loop3A_432 : i32 to vector<16xi32>
          %parallel_loop3A_434 = arith.addi %mul3A_314, %parallel_loop3A_433 : vector<16xi32>
          %parallel_loop3A_435 = tpu.vector_load_idx %arg7[%parallel_loop3A_434] : memref<23424xf32, #tpu.memory_space<vmem>>[vector<16xi32>], vector<16xf32>,
          %parallel_loop3A_436 = arith.constant 2 : i32
          %parallel_loop3A_437 = arith.index_cast %parallel_loop3A_384 : i32 to index
          %parallel_loop3A_438 = arith.index_cast %parallel_loop3A_436 : i32 to index
          %parallel_loop3A_439 = arith.index_cast %mul3A_323 : i32 to index
          %parallel_loop3A_440 = tpu.vector_load %arg13[%parallel_loop3A_437, %parallel_loop3A_438, %parallel_loop3A_439] {strides = array<i32>} : memref<24x8x128xf32, #tpu.memory_space<vmem>>, vector<16xf32>,
          tpu.vector_store %arg13[%parallel_loop3A_437, %parallel_loop3A_438, %parallel_loop3A_439], %parallel_loop3A_435 {strides = array<i32>} : memref<24x8x128xf32, #tpu.memory_space<vmem>>, vector<16xf32>,
          %parallel_loop3A_441 = vector.broadcast %parallel_loop3A_432 : i32 to vector<16xi32>
          %parallel_loop3A_442 = arith.addi %mul3A_317, %parallel_loop3A_441 : vector<16xi32>
          %parallel_loop3A_443 = tpu.vector_load_idx %arg8[%parallel_loop3A_442] : memref<1536xf32, #tpu.memory_space<vmem>>[vector<16xi32>], vector<16xf32>,
          %parallel_loop3A_444 = arith.constant 8 : i32
          %parallel_loop3A_445 = arith.addi %parallel_loop3A_444, %parallel_loop3A_384 : i32
          %parallel_loop3A_446 = arith.constant 2 : i32
          %parallel_loop3A_447 = arith.index_cast %parallel_loop3A_445 : i32 to index
          %parallel_loop3A_448 = arith.index_cast %parallel_loop3A_446 : i32 to index
          %parallel_loop3A_449 = arith.index_cast %mul3A_323 : i32 to index
          %parallel_loop3A_450 = tpu.vector_load %arg13[%parallel_loop3A_447, %parallel_loop3A_448, %parallel_loop3A_449] {strides = array<i32>} : memref<24x8x128xf32, #tpu.memory_space<vmem>>, vector<16xf32>,
          tpu.vector_store %arg13[%parallel_loop3A_447, %parallel_loop3A_448, %parallel_loop3A_449], %parallel_loop3A_443 {strides = array<i32>} : memref<24x8x128xf32, #tpu.memory_space<vmem>>, vector<16xf32>,
          %parallel_loop3A_451 = arith.constant 8 : i32
          %parallel_loop3A_452 = arith.muli %parallel_loop3A_384, %parallel_loop3A_451 : i32
          %parallel_loop3A_453 = arith.constant 3 : i32
          %parallel_loop3A_454 = arith.addi %parallel_loop3A_452, %parallel_loop3A_453 : i32
          %parallel_loop3A_455 = vector.broadcast %parallel_loop3A_454 : i32 to vector<16xi32>
          %parallel_loop3A_456 = arith.addi %mul3A_314, %parallel_loop3A_455 : vector<16xi32>
          %parallel_loop3A_457 = tpu.vector_load_idx %arg7[%parallel_loop3A_456] : memref<23424xf32, #tpu.memory_space<vmem>>[vector<16xi32>], vector<16xf32>,
          %parallel_loop3A_458 = arith.constant 3 : i32
          %parallel_loop3A_459 = arith.index_cast %parallel_loop3A_384 : i32 to index
          %parallel_loop3A_460 = arith.index_cast %parallel_loop3A_458 : i32 to index
          %parallel_loop3A_461 = arith.index_cast %mul3A_323 : i32 to index
          %parallel_loop3A_462 = tpu.vector_load %arg13[%parallel_loop3A_459, %parallel_loop3A_460, %parallel_loop3A_461] {strides = array<i32>} : memref<24x8x128xf32, #tpu.memory_space<vmem>>, vector<16xf32>,
          tpu.vector_store %arg13[%parallel_loop3A_459, %parallel_loop3A_460, %parallel_loop3A_461], %parallel_loop3A_457 {strides = array<i32>} : memref<24x8x128xf32, #tpu.memory_space<vmem>>, vector<16xf32>,
          %parallel_loop3A_463 = vector.broadcast %parallel_loop3A_454 : i32 to vector<16xi32>
          %parallel_loop3A_464 = arith.addi %mul3A_317, %parallel_loop3A_463 : vector<16xi32>
          %parallel_loop3A_465 = tpu.vector_load_idx %arg8[%parallel_loop3A_464] : memref<1536xf32, #tpu.memory_space<vmem>>[vector<16xi32>], vector<16xf32>,
          %parallel_loop3A_466 = arith.constant 8 : i32
          %parallel_loop3A_467 = arith.addi %parallel_loop3A_466, %parallel_loop3A_384 : i32
          %parallel_loop3A_468 = arith.constant 3 : i32
          %parallel_loop3A_469 = arith.index_cast %parallel_loop3A_467 : i32 to index
          %parallel_loop3A_470 = arith.index_cast %parallel_loop3A_468 : i32 to index
          %parallel_loop3A_471 = arith.index_cast %mul3A_323 : i32 to index
          %parallel_loop3A_472 = tpu.vector_load %arg13[%parallel_loop3A_469, %parallel_loop3A_470, %parallel_loop3A_471] {strides = array<i32>} : memref<24x8x128xf32, #tpu.memory_space<vmem>>, vector<16xf32>,
          tpu.vector_store %arg13[%parallel_loop3A_469, %parallel_loop3A_470, %parallel_loop3A_471], %parallel_loop3A_465 {strides = array<i32>} : memref<24x8x128xf32, #tpu.memory_space<vmem>>, vector<16xf32>,
          %parallel_loop3A_473 = arith.constant 8 : i32
          %parallel_loop3A_474 = arith.muli %parallel_loop3A_384, %parallel_loop3A_473 : i32
          %parallel_loop3A_475 = arith.constant 4 : i32
          %parallel_loop3A_476 = arith.addi %parallel_loop3A_474, %parallel_loop3A_475 : i32
          %parallel_loop3A_477 = vector.broadcast %parallel_loop3A_476 : i32 to vector<16xi32>
          %parallel_loop3A_478 = arith.addi %mul3A_314, %parallel_loop3A_477 : vector<16xi32>
          %parallel_loop3A_479 = tpu.vector_load_idx %arg7[%parallel_loop3A_478] : memref<23424xf32, #tpu.memory_space<vmem>>[vector<16xi32>], vector<16xf32>,
          %parallel_loop3A_480 = arith.constant 4 : i32
          %parallel_loop3A_481 = arith.index_cast %parallel_loop3A_384 : i32 to index
          %parallel_loop3A_482 = arith.index_cast %parallel_loop3A_480 : i32 to index
          %parallel_loop3A_483 = arith.index_cast %mul3A_323 : i32 to index
          %parallel_loop3A_484 = tpu.vector_load %arg13[%parallel_loop3A_481, %parallel_loop3A_482, %parallel_loop3A_483] {strides = array<i32>} : memref<24x8x128xf32, #tpu.memory_space<vmem>>, vector<16xf32>,
          tpu.vector_store %arg13[%parallel_loop3A_481, %parallel_loop3A_482, %parallel_loop3A_483], %parallel_loop3A_479 {strides = array<i32>} : memref<24x8x128xf32, #tpu.memory_space<vmem>>, vector<16xf32>,
          %parallel_loop3A_485 = vector.broadcast %parallel_loop3A_476 : i32 to vector<16xi32>
          %parallel_loop3A_486 = arith.addi %mul3A_317, %parallel_loop3A_485 : vector<16xi32>
          %parallel_loop3A_487 = tpu.vector_load_idx %arg8[%parallel_loop3A_486] : memref<1536xf32, #tpu.memory_space<vmem>>[vector<16xi32>], vector<16xf32>,
          %parallel_loop3A_488 = arith.constant 8 : i32
          %parallel_loop3A_489 = arith.addi %parallel_loop3A_488, %parallel_loop3A_384 : i32
          %parallel_loop3A_490 = arith.constant 4 : i32
          %parallel_loop3A_491 = arith.index_cast %parallel_loop3A_489 : i32 to index
          %parallel_loop3A_492 = arith.index_cast %parallel_loop3A_490 : i32 to index
          %parallel_loop3A_493 = arith.index_cast %mul3A_323 : i32 to index
          %parallel_loop3A_494 = tpu.vector_load %arg13[%parallel_loop3A_491, %parallel_loop3A_492, %parallel_loop3A_493] {strides = array<i32>} : memref<24x8x128xf32, #tpu.memory_space<vmem>>, vector<16xf32>,
          tpu.vector_store %arg13[%parallel_loop3A_491, %parallel_loop3A_492, %parallel_loop3A_493], %parallel_loop3A_487 {strides = array<i32>} : memref<24x8x128xf32, #tpu.memory_space<vmem>>, vector<16xf32>,
          %parallel_loop3A_495 = arith.constant 8 : i32
          %parallel_loop3A_496 = arith.muli %parallel_loop3A_384, %parallel_loop3A_495 : i32
          %parallel_loop3A_497 = arith.constant 5 : i32
          %parallel_loop3A_498 = arith.addi %parallel_loop3A_496, %parallel_loop3A_497 : i32
          %parallel_loop3A_499 = vector.broadcast %parallel_loop3A_498 : i32 to vector<16xi32>
          %parallel_loop3A_500 = arith.addi %mul3A_314, %parallel_loop3A_499 : vector<16xi32>
          %parallel_loop3A_501 = tpu.vector_load_idx %arg7[%parallel_loop3A_500] : memref<23424xf32, #tpu.memory_space<vmem>>[vector<16xi32>], vector<16xf32>,
          %parallel_loop3A_502 = arith.constant 5 : i32
          %parallel_loop3A_503 = arith.index_cast %parallel_loop3A_384 : i32 to index
          %parallel_loop3A_504 = arith.index_cast %parallel_loop3A_502 : i32 to index
          %parallel_loop3A_505 = arith.index_cast %mul3A_323 : i32 to index
          %parallel_loop3A_506 = tpu.vector_load %arg13[%parallel_loop3A_503, %parallel_loop3A_504, %parallel_loop3A_505] {strides = array<i32>} : memref<24x8x128xf32, #tpu.memory_space<vmem>>, vector<16xf32>,
          tpu.vector_store %arg13[%parallel_loop3A_503, %parallel_loop3A_504, %parallel_loop3A_505], %parallel_loop3A_501 {strides = array<i32>} : memref<24x8x128xf32, #tpu.memory_space<vmem>>, vector<16xf32>,
          %parallel_loop3A_507 = vector.broadcast %parallel_loop3A_498 : i32 to vector<16xi32>
          %parallel_loop3A_508 = arith.addi %mul3A_317, %parallel_loop3A_507 : vector<16xi32>
          %parallel_loop3A_509 = tpu.vector_load_idx %arg8[%parallel_loop3A_508] : memref<1536xf32, #tpu.memory_space<vmem>>[vector<16xi32>], vector<16xf32>,
          %parallel_loop3A_510 = arith.constant 8 : i32
          %parallel_loop3A_511 = arith.addi %parallel_loop3A_510, %parallel_loop3A_384 : i32
          %parallel_loop3A_512 = arith.constant 5 : i32
          %parallel_loop3A_513 = arith.index_cast %parallel_loop3A_511 : i32 to index
          %parallel_loop3A_514 = arith.index_cast %parallel_loop3A_512 : i32 to index
          %parallel_loop3A_515 = arith.index_cast %mul3A_323 : i32 to index
          %parallel_loop3A_516 = tpu.vector_load %arg13[%parallel_loop3A_513, %parallel_loop3A_514, %parallel_loop3A_515] {strides = array<i32>} : memref<24x8x128xf32, #tpu.memory_space<vmem>>, vector<16xf32>,
          tpu.vector_store %arg13[%parallel_loop3A_513, %parallel_loop3A_514, %parallel_loop3A_515], %parallel_loop3A_509 {strides = array<i32>} : memref<24x8x128xf32, #tpu.memory_space<vmem>>, vector<16xf32>,
          %parallel_loop3A_517 = arith.constant 8 : i32
          %parallel_loop3A_518 = arith.muli %parallel_loop3A_384, %parallel_loop3A_517 : i32
          %parallel_loop3A_519 = arith.constant 6 : i32
          %parallel_loop3A_520 = arith.addi %parallel_loop3A_518, %parallel_loop3A_519 : i32
          %parallel_loop3A_521 = vector.broadcast %parallel_loop3A_520 : i32 to vector<16xi32>
          %parallel_loop3A_522 = arith.addi %mul3A_314, %parallel_loop3A_521 : vector<16xi32>
          %parallel_loop3A_523 = tpu.vector_load_idx %arg7[%parallel_loop3A_522] : memref<23424xf32, #tpu.memory_space<vmem>>[vector<16xi32>], vector<16xf32>,
          %parallel_loop3A_524 = arith.constant 6 : i32
          %parallel_loop3A_525 = arith.index_cast %parallel_loop3A_384 : i32 to index
          %parallel_loop3A_526 = arith.index_cast %parallel_loop3A_524 : i32 to index
          %parallel_loop3A_527 = arith.index_cast %mul3A_323 : i32 to index
          %parallel_loop3A_528 = tpu.vector_load %arg13[%parallel_loop3A_525, %parallel_loop3A_526, %parallel_loop3A_527] {strides = array<i32>} : memref<24x8x128xf32, #tpu.memory_space<vmem>>, vector<16xf32>,
          tpu.vector_store %arg13[%parallel_loop3A_525, %parallel_loop3A_526, %parallel_loop3A_527], %parallel_loop3A_523 {strides = array<i32>} : memref<24x8x128xf32, #tpu.memory_space<vmem>>, vector<16xf32>,
          %parallel_loop3A_529 = vector.broadcast %parallel_loop3A_520 : i32 to vector<16xi32>
          %parallel_loop3A_530 = arith.addi %mul3A_317, %parallel_loop3A_529 : vector<16xi32>
          %parallel_loop3A_531 = tpu.vector_load_idx %arg8[%parallel_loop3A_530] : memref<1536xf32, #tpu.memory_space<vmem>>[vector<16xi32>], vector<16xf32>,
          %parallel_loop3A_532 = arith.constant 8 : i32
          %parallel_loop3A_533 = arith.addi %parallel_loop3A_532, %parallel_loop3A_384 : i32
          %parallel_loop3A_534 = arith.constant 6 : i32
          %parallel_loop3A_535 = arith.index_cast %parallel_loop3A_533 : i32 to index
          %parallel_loop3A_536 = arith.index_cast %parallel_loop3A_534 : i32 to index
          %parallel_loop3A_537 = arith.index_cast %mul3A_323 : i32 to index
          %parallel_loop3A_538 = tpu.vector_load %arg13[%parallel_loop3A_535, %parallel_loop3A_536, %parallel_loop3A_537] {strides = array<i32>} : memref<24x8x128xf32, #tpu.memory_space<vmem>>, vector<16xf32>,
          tpu.vector_store %arg13[%parallel_loop3A_535, %parallel_loop3A_536, %parallel_loop3A_537], %parallel_loop3A_531 {strides = array<i32>} : memref<24x8x128xf32, #tpu.memory_space<vmem>>, vector<16xf32>,
          %parallel_loop3A_539 = arith.constant 8 : i32
          %parallel_loop3A_540 = arith.muli %parallel_loop3A_384, %parallel_loop3A_539 : i32
          %parallel_loop3A_541 = arith.constant 7 : i32
          %parallel_loop3A_542 = arith.addi %parallel_loop3A_540, %parallel_loop3A_541 : i32
          %parallel_loop3A_543 = vector.broadcast %parallel_loop3A_542 : i32 to vector<16xi32>
          %parallel_loop3A_544 = arith.addi %mul3A_314, %parallel_loop3A_543 : vector<16xi32>
          %parallel_loop3A_545 = tpu.vector_load_idx %arg7[%parallel_loop3A_544] : memref<23424xf32, #tpu.memory_space<vmem>>[vector<16xi32>], vector<16xf32>,
          %parallel_loop3A_546 = arith.constant 7 : i32
          %parallel_loop3A_547 = arith.index_cast %parallel_loop3A_384 : i32 to index
          %parallel_loop3A_548 = arith.index_cast %parallel_loop3A_546 : i32 to index
          %parallel_loop3A_549 = arith.index_cast %mul3A_323 : i32 to index
          %parallel_loop3A_550 = tpu.vector_load %arg13[%parallel_loop3A_547, %parallel_loop3A_548, %parallel_loop3A_549] {strides = array<i32>} : memref<24x8x128xf32, #tpu.memory_space<vmem>>, vector<16xf32>,
          tpu.vector_store %arg13[%parallel_loop3A_547, %parallel_loop3A_548, %parallel_loop3A_549], %parallel_loop3A_545 {strides = array<i32>} : memref<24x8x128xf32, #tpu.memory_space<vmem>>, vector<16xf32>,
          %parallel_loop3A_551 = vector.broadcast %parallel_loop3A_542 : i32 to vector<16xi32>
          %parallel_loop3A_552 = arith.addi %mul3A_317, %parallel_loop3A_551 : vector<16xi32>
          %parallel_loop3A_553 = tpu.vector_load_idx %arg8[%parallel_loop3A_552] : memref<1536xf32, #tpu.memory_space<vmem>>[vector<16xi32>], vector<16xf32>,
          %parallel_loop3A_554 = arith.constant 8 : i32
          %parallel_loop3A_555 = arith.addi %parallel_loop3A_554, %parallel_loop3A_384 : i32
          %parallel_loop3A_556 = arith.constant 7 : i32
          %parallel_loop3A_557 = arith.index_cast %parallel_loop3A_555 : i32 to index
          %parallel_loop3A_558 = arith.index_cast %parallel_loop3A_556 : i32 to index
          %parallel_loop3A_559 = arith.index_cast %mul3A_323 : i32 to index
          %parallel_loop3A_560 = tpu.vector_load %arg13[%parallel_loop3A_557, %parallel_loop3A_558, %parallel_loop3A_559] {strides = array<i32>} : memref<24x8x128xf32, #tpu.memory_space<vmem>>, vector<16xf32>,
          tpu.vector_store %arg13[%parallel_loop3A_557, %parallel_loop3A_558, %parallel_loop3A_559], %parallel_loop3A_553 {strides = array<i32>} : memref<24x8x128xf32, #tpu.memory_space<vmem>>, vector<16xf32>,
        } {sc.loop_unroll_factor = 1 : i64, sc.parallel_access}
        %div3A_326 = arith.constant 1.000000e+01 : f32
        %div3A_327 = vector.broadcast %div3A_326 : f32 to vector<16xf32>
        %div3A_328 = arith.divf %get3A_253, %div3A_327 : vector<16xf32>
        %convert_element_type3A_329 = arith.fptosi %div3A_328 : vector<16xf32> to vector<16xi32>
        %and3A_330 = arith.constant 1 : i32
        %and3A_331 = vector.broadcast %and3A_330 : i32 to vector<16xi32>
        %and3A_332 = arith.andi %convert_element_type3A_329, %and3A_331 : vector<16xi32>
        %shift_left3A = arith.constant 6 : i32
        %shift_left3A_333 = vector.broadcast %shift_left3A : i32 to vector<16xi32>
        %shift_left3A_334 = arith.shli %and3A_332, %shift_left3A_333 : vector<16xi32>
        %broadcast_in_dim3A = arith.constant 0.000000e+00 : f32
        %broadcast_in_dim3A_335 = vector.broadcast %broadcast_in_dim3A : f32 to vector<16xf32>
        %parallel_loop3A_336 = arith.constant 0 : i32
        %parallel_loop3A_337 = arith.constant 64 : i32
        %parallel_loop3A_338 = arith.constant 1 : i32
        %parallel_loop3A_339 = scf.for %parallel_loop3A_384 = %parallel_loop3A_336 to %parallel_loop3A_337 step %parallel_loop3A_338 iter_args(%parallel_loop3A_385 = %broadcast_in_dim3A_335) -> (vector<16xf32>)  : i32 {
          %parallel_loop3A_386 = vector.broadcast %parallel_loop3A_384 : i32 to vector<16xi32>
          %parallel_loop3A_387 = arith.addi %shift_left3A_334, %parallel_loop3A_386 : vector<16xi32>
          %parallel_loop3A_388 = tpu.vector_load_idx %arg11[%add3A_321, %parallel_loop3A_387] : memref<128x128xf32, #tpu.memory_space<vmem>>[vector<16xi32>, vector<16xi32>], vector<16xf32>,
          %parallel_loop3A_389 = arith.mulf %parallel_loop3A_388, %parallel_loop3A_388 : vector<16xf32>
          %parallel_loop3A_390 = arith.addf %parallel_loop3A_385, %parallel_loop3A_389 : vector<16xf32>
          scf.yield %parallel_loop3A_390 : vector<16xf32>
        } {sc.loop_unroll_factor = 8 : i64, sc.parallel_access}
        %bitcast_convert_type3A = tpu.bitcast %parallel_loop3A_339 : vector<16xf32> -> vector<16xi32>
        %shift_right_logical3A = arith.constant 1 : i32
        %shift_right_logical3A_340 = vector.broadcast %shift_right_logical3A : i32 to vector<16xi32>
        %shift_right_logical3A_341 = arith.shrui %bitcast_convert_type3A, %shift_right_logical3A_340 : vector<16xi32>
        %sub3A_342 = arith.constant 1597463007 : i32
        %sub3A_343 = vector.broadcast %sub3A_342 : i32 to vector<16xi32>
        %sub3A_344 = arith.subi %sub3A_343, %shift_right_logical3A_341 : vector<16xi32>
        %bitcast_convert_type3A_345 = tpu.bitcast %sub3A_344 : vector<16xi32> -> vector<16xf32>
        %mul3A_346 = arith.constant 5.000000e-01 : f32
        %mul3A_347 = vector.broadcast %mul3A_346 : f32 to vector<16xf32>
        %mul3A_348 = arith.mulf %parallel_loop3A_339, %mul3A_347 : vector<16xf32>
        %mul3A_349 = arith.mulf %mul3A_348, %bitcast_convert_type3A_345 : vector<16xf32>
        %mul3A_350 = arith.mulf %mul3A_349, %bitcast_convert_type3A_345 : vector<16xf32>
        %sub3A_351 = arith.constant 1.500000e+00 : f32
        %sub3A_352 = vector.broadcast %sub3A_351 : f32 to vector<16xf32>
        %sub3A_353 = arith.subf %sub3A_352, %mul3A_350 : vector<16xf32>
        %mul3A_354 = arith.mulf %bitcast_convert_type3A_345, %sub3A_353 : vector<16xf32>
        %mul3A_355 = arith.mulf %mul3A_348, %mul3A_354 : vector<16xf32>
        %mul3A_356 = arith.mulf %mul3A_355, %mul3A_354 : vector<16xf32>
        %sub3A_357 = arith.constant 1.500000e+00 : f32
        %sub3A_358 = vector.broadcast %sub3A_357 : f32 to vector<16xf32>
        %sub3A_359 = arith.subf %sub3A_358, %mul3A_356 : vector<16xf32>
        %mul3A_360 = arith.mulf %mul3A_354, %sub3A_359 : vector<16xf32>
        %mul3A_361 = arith.mulf %mul3A_348, %mul3A_360 : vector<16xf32>
        %mul3A_362 = arith.mulf %mul3A_361, %mul3A_360 : vector<16xf32>
        %sub3A_363 = arith.constant 1.500000e+00 : f32
        %sub3A_364 = vector.broadcast %sub3A_363 : f32 to vector<16xf32>
        %sub3A_365 = arith.subf %sub3A_364, %mul3A_362 : vector<16xf32>
        %mul3A_366 = arith.mulf %mul3A_360, %sub3A_365 : vector<16xf32>
        %mul3A_367 = arith.mulf %parallel_loop3A_339, %mul3A_366 : vector<16xf32>
        %gt3A_368 = arith.constant 1.000000e+00 : f32
        %gt3A_369 = vector.broadcast %gt3A_368 : f32 to vector<16xf32>
        %gt3A_370 = arith.cmpf ogt, %mul3A_367, %gt3A_369 : vector<16xf32>
        %add3A_371 = arith.constant 1.000000e-07 : f32
        %add3A_372 = vector.broadcast %add3A_371 : f32 to vector<16xf32>
        %add3A_373 = arith.addf %mul3A_367, %add3A_372 : vector<16xf32>
        %div3A_374 = arith.constant 1.000000e+00 : f32
        %div3A_375 = vector.broadcast %div3A_374 : f32 to vector<16xf32>
        %div3A_376 = arith.divf %div3A_375, %add3A_373 : vector<16xf32>
        %jit3A_377 = arith.constant 1.000000e+00 : f32
        %broadcast_in_dim3A_378 = vector.broadcast %jit3A_377 : f32 to vector<16xf32>
        %select_n3A_379 = arith.select %gt3A_370, %div3A_376, %broadcast_in_dim3A_378 : vector<16xi1>, vector<16xf32>
        %parallel_loop3A_380 = arith.constant 0 : i32
        %parallel_loop3A_381 = arith.constant 8 : i32
        %parallel_loop3A_382 = arith.constant 1 : i32
        scf.for %parallel_loop3A_384 = %parallel_loop3A_380 to %parallel_loop3A_381 step %parallel_loop3A_382  : i32 {
          %parallel_loop3A_385 = arith.constant 8 : i32
          %parallel_loop3A_386 = arith.muli %parallel_loop3A_384, %parallel_loop3A_385 : i32
          %parallel_loop3A_387 = arith.constant 0 : i32
          %parallel_loop3A_388 = arith.addi %parallel_loop3A_386, %parallel_loop3A_387 : i32
          %parallel_loop3A_389 = vector.broadcast %parallel_loop3A_388 : i32 to vector<16xi32>
          %parallel_loop3A_390 = arith.addi %shift_left3A_334, %parallel_loop3A_389 : vector<16xi32>
          %parallel_loop3A_391 = tpu.vector_load_idx %arg11[%add3A_321, %parallel_loop3A_390] : memref<128x128xf32, #tpu.memory_space<vmem>>[vector<16xi32>, vector<16xi32>], vector<16xf32>,
          %parallel_loop3A_392 = arith.mulf %parallel_loop3A_391, %select_n3A_379 : vector<16xf32>
          %parallel_loop3A_393 = arith.constant 16 : i32
          %parallel_loop3A_394 = arith.addi %parallel_loop3A_393, %parallel_loop3A_384 : i32
          %parallel_loop3A_395 = arith.constant 0 : i32
          %parallel_loop3A_396 = arith.index_cast %parallel_loop3A_394 : i32 to index
          %parallel_loop3A_397 = arith.index_cast %parallel_loop3A_395 : i32 to index
          %parallel_loop3A_398 = arith.index_cast %mul3A_323 : i32 to index
          %parallel_loop3A_399 = tpu.vector_load %arg13[%parallel_loop3A_396, %parallel_loop3A_397, %parallel_loop3A_398] {strides = array<i32>} : memref<24x8x128xf32, #tpu.memory_space<vmem>>, vector<16xf32>,
          tpu.vector_store %arg13[%parallel_loop3A_396, %parallel_loop3A_397, %parallel_loop3A_398], %parallel_loop3A_392 {strides = array<i32>} : memref<24x8x128xf32, #tpu.memory_space<vmem>>, vector<16xf32>,
          %parallel_loop3A_400 = arith.constant 8 : i32
          %parallel_loop3A_401 = arith.muli %parallel_loop3A_384, %parallel_loop3A_400 : i32
          %parallel_loop3A_402 = arith.constant 1 : i32
          %parallel_loop3A_403 = arith.addi %parallel_loop3A_401, %parallel_loop3A_402 : i32
          %parallel_loop3A_404 = vector.broadcast %parallel_loop3A_403 : i32 to vector<16xi32>
          %parallel_loop3A_405 = arith.addi %shift_left3A_334, %parallel_loop3A_404 : vector<16xi32>
          %parallel_loop3A_406 = tpu.vector_load_idx %arg11[%add3A_321, %parallel_loop3A_405] : memref<128x128xf32, #tpu.memory_space<vmem>>[vector<16xi32>, vector<16xi32>], vector<16xf32>,
          %parallel_loop3A_407 = arith.mulf %parallel_loop3A_406, %select_n3A_379 : vector<16xf32>
          %parallel_loop3A_408 = arith.constant 16 : i32
          %parallel_loop3A_409 = arith.addi %parallel_loop3A_408, %parallel_loop3A_384 : i32
          %parallel_loop3A_410 = arith.constant 1 : i32
          %parallel_loop3A_411 = arith.index_cast %parallel_loop3A_409 : i32 to index
          %parallel_loop3A_412 = arith.index_cast %parallel_loop3A_410 : i32 to index
          %parallel_loop3A_413 = arith.index_cast %mul3A_323 : i32 to index
          %parallel_loop3A_414 = tpu.vector_load %arg13[%parallel_loop3A_411, %parallel_loop3A_412, %parallel_loop3A_413] {strides = array<i32>} : memref<24x8x128xf32, #tpu.memory_space<vmem>>, vector<16xf32>,
          tpu.vector_store %arg13[%parallel_loop3A_411, %parallel_loop3A_412, %parallel_loop3A_413], %parallel_loop3A_407 {strides = array<i32>} : memref<24x8x128xf32, #tpu.memory_space<vmem>>, vector<16xf32>,
          %parallel_loop3A_415 = arith.constant 8 : i32
          %parallel_loop3A_416 = arith.muli %parallel_loop3A_384, %parallel_loop3A_415 : i32
          %parallel_loop3A_417 = arith.constant 2 : i32
          %parallel_loop3A_418 = arith.addi %parallel_loop3A_416, %parallel_loop3A_417 : i32
          %parallel_loop3A_419 = vector.broadcast %parallel_loop3A_418 : i32 to vector<16xi32>
          %parallel_loop3A_420 = arith.addi %shift_left3A_334, %parallel_loop3A_419 : vector<16xi32>
          %parallel_loop3A_421 = tpu.vector_load_idx %arg11[%add3A_321, %parallel_loop3A_420] : memref<128x128xf32, #tpu.memory_space<vmem>>[vector<16xi32>, vector<16xi32>], vector<16xf32>,
          %parallel_loop3A_422 = arith.mulf %parallel_loop3A_421, %select_n3A_379 : vector<16xf32>
          %parallel_loop3A_423 = arith.constant 16 : i32
          %parallel_loop3A_424 = arith.addi %parallel_loop3A_423, %parallel_loop3A_384 : i32
          %parallel_loop3A_425 = arith.constant 2 : i32
          %parallel_loop3A_426 = arith.index_cast %parallel_loop3A_424 : i32 to index
          %parallel_loop3A_427 = arith.index_cast %parallel_loop3A_425 : i32 to index
          %parallel_loop3A_428 = arith.index_cast %mul3A_323 : i32 to index
          %parallel_loop3A_429 = tpu.vector_load %arg13[%parallel_loop3A_426, %parallel_loop3A_427, %parallel_loop3A_428] {strides = array<i32>} : memref<24x8x128xf32, #tpu.memory_space<vmem>>, vector<16xf32>,
          tpu.vector_store %arg13[%parallel_loop3A_426, %parallel_loop3A_427, %parallel_loop3A_428], %parallel_loop3A_422 {strides = array<i32>} : memref<24x8x128xf32, #tpu.memory_space<vmem>>, vector<16xf32>,
          %parallel_loop3A_430 = arith.constant 8 : i32
          %parallel_loop3A_431 = arith.muli %parallel_loop3A_384, %parallel_loop3A_430 : i32
          %parallel_loop3A_432 = arith.constant 3 : i32
          %parallel_loop3A_433 = arith.addi %parallel_loop3A_431, %parallel_loop3A_432 : i32
          %parallel_loop3A_434 = vector.broadcast %parallel_loop3A_433 : i32 to vector<16xi32>
          %parallel_loop3A_435 = arith.addi %shift_left3A_334, %parallel_loop3A_434 : vector<16xi32>
          %parallel_loop3A_436 = tpu.vector_load_idx %arg11[%add3A_321, %parallel_loop3A_435] : memref<128x128xf32, #tpu.memory_space<vmem>>[vector<16xi32>, vector<16xi32>], vector<16xf32>,
          %parallel_loop3A_437 = arith.mulf %parallel_loop3A_436, %select_n3A_379 : vector<16xf32>
          %parallel_loop3A_438 = arith.constant 16 : i32
          %parallel_loop3A_439 = arith.addi %parallel_loop3A_438, %parallel_loop3A_384 : i32
          %parallel_loop3A_440 = arith.constant 3 : i32
          %parallel_loop3A_441 = arith.index_cast %parallel_loop3A_439 : i32 to index
          %parallel_loop3A_442 = arith.index_cast %parallel_loop3A_440 : i32 to index
          %parallel_loop3A_443 = arith.index_cast %mul3A_323 : i32 to index
          %parallel_loop3A_444 = tpu.vector_load %arg13[%parallel_loop3A_441, %parallel_loop3A_442, %parallel_loop3A_443] {strides = array<i32>} : memref<24x8x128xf32, #tpu.memory_space<vmem>>, vector<16xf32>,
          tpu.vector_store %arg13[%parallel_loop3A_441, %parallel_loop3A_442, %parallel_loop3A_443], %parallel_loop3A_437 {strides = array<i32>} : memref<24x8x128xf32, #tpu.memory_space<vmem>>, vector<16xf32>,
          %parallel_loop3A_445 = arith.constant 8 : i32
          %parallel_loop3A_446 = arith.muli %parallel_loop3A_384, %parallel_loop3A_445 : i32
          %parallel_loop3A_447 = arith.constant 4 : i32
          %parallel_loop3A_448 = arith.addi %parallel_loop3A_446, %parallel_loop3A_447 : i32
          %parallel_loop3A_449 = vector.broadcast %parallel_loop3A_448 : i32 to vector<16xi32>
          %parallel_loop3A_450 = arith.addi %shift_left3A_334, %parallel_loop3A_449 : vector<16xi32>
          %parallel_loop3A_451 = tpu.vector_load_idx %arg11[%add3A_321, %parallel_loop3A_450] : memref<128x128xf32, #tpu.memory_space<vmem>>[vector<16xi32>, vector<16xi32>], vector<16xf32>,
          %parallel_loop3A_452 = arith.mulf %parallel_loop3A_451, %select_n3A_379 : vector<16xf32>
          %parallel_loop3A_453 = arith.constant 16 : i32
          %parallel_loop3A_454 = arith.addi %parallel_loop3A_453, %parallel_loop3A_384 : i32
          %parallel_loop3A_455 = arith.constant 4 : i32
          %parallel_loop3A_456 = arith.index_cast %parallel_loop3A_454 : i32 to index
          %parallel_loop3A_457 = arith.index_cast %parallel_loop3A_455 : i32 to index
          %parallel_loop3A_458 = arith.index_cast %mul3A_323 : i32 to index
          %parallel_loop3A_459 = tpu.vector_load %arg13[%parallel_loop3A_456, %parallel_loop3A_457, %parallel_loop3A_458] {strides = array<i32>} : memref<24x8x128xf32, #tpu.memory_space<vmem>>, vector<16xf32>,
          tpu.vector_store %arg13[%parallel_loop3A_456, %parallel_loop3A_457, %parallel_loop3A_458], %parallel_loop3A_452 {strides = array<i32>} : memref<24x8x128xf32, #tpu.memory_space<vmem>>, vector<16xf32>,
          %parallel_loop3A_460 = arith.constant 8 : i32
          %parallel_loop3A_461 = arith.muli %parallel_loop3A_384, %parallel_loop3A_460 : i32
          %parallel_loop3A_462 = arith.constant 5 : i32
          %parallel_loop3A_463 = arith.addi %parallel_loop3A_461, %parallel_loop3A_462 : i32
          %parallel_loop3A_464 = vector.broadcast %parallel_loop3A_463 : i32 to vector<16xi32>
          %parallel_loop3A_465 = arith.addi %shift_left3A_334, %parallel_loop3A_464 : vector<16xi32>
          %parallel_loop3A_466 = tpu.vector_load_idx %arg11[%add3A_321, %parallel_loop3A_465] : memref<128x128xf32, #tpu.memory_space<vmem>>[vector<16xi32>, vector<16xi32>], vector<16xf32>,
          %parallel_loop3A_467 = arith.mulf %parallel_loop3A_466, %select_n3A_379 : vector<16xf32>
          %parallel_loop3A_468 = arith.constant 16 : i32
          %parallel_loop3A_469 = arith.addi %parallel_loop3A_468, %parallel_loop3A_384 : i32
          %parallel_loop3A_470 = arith.constant 5 : i32
          %parallel_loop3A_471 = arith.index_cast %parallel_loop3A_469 : i32 to index
          %parallel_loop3A_472 = arith.index_cast %parallel_loop3A_470 : i32 to index
          %parallel_loop3A_473 = arith.index_cast %mul3A_323 : i32 to index
          %parallel_loop3A_474 = tpu.vector_load %arg13[%parallel_loop3A_471, %parallel_loop3A_472, %parallel_loop3A_473] {strides = array<i32>} : memref<24x8x128xf32, #tpu.memory_space<vmem>>, vector<16xf32>,
          tpu.vector_store %arg13[%parallel_loop3A_471, %parallel_loop3A_472, %parallel_loop3A_473], %parallel_loop3A_467 {strides = array<i32>} : memref<24x8x128xf32, #tpu.memory_space<vmem>>, vector<16xf32>,
          %parallel_loop3A_475 = arith.constant 8 : i32
          %parallel_loop3A_476 = arith.muli %parallel_loop3A_384, %parallel_loop3A_475 : i32
          %parallel_loop3A_477 = arith.constant 6 : i32
          %parallel_loop3A_478 = arith.addi %parallel_loop3A_476, %parallel_loop3A_477 : i32
          %parallel_loop3A_479 = vector.broadcast %parallel_loop3A_478 : i32 to vector<16xi32>
          %parallel_loop3A_480 = arith.addi %shift_left3A_334, %parallel_loop3A_479 : vector<16xi32>
          %parallel_loop3A_481 = tpu.vector_load_idx %arg11[%add3A_321, %parallel_loop3A_480] : memref<128x128xf32, #tpu.memory_space<vmem>>[vector<16xi32>, vector<16xi32>], vector<16xf32>,
          %parallel_loop3A_482 = arith.mulf %parallel_loop3A_481, %select_n3A_379 : vector<16xf32>
          %parallel_loop3A_483 = arith.constant 16 : i32
          %parallel_loop3A_484 = arith.addi %parallel_loop3A_483, %parallel_loop3A_384 : i32
          %parallel_loop3A_485 = arith.constant 6 : i32
          %parallel_loop3A_486 = arith.index_cast %parallel_loop3A_484 : i32 to index
          %parallel_loop3A_487 = arith.index_cast %parallel_loop3A_485 : i32 to index
          %parallel_loop3A_488 = arith.index_cast %mul3A_323 : i32 to index
          %parallel_loop3A_489 = tpu.vector_load %arg13[%parallel_loop3A_486, %parallel_loop3A_487, %parallel_loop3A_488] {strides = array<i32>} : memref<24x8x128xf32, #tpu.memory_space<vmem>>, vector<16xf32>,
          tpu.vector_store %arg13[%parallel_loop3A_486, %parallel_loop3A_487, %parallel_loop3A_488], %parallel_loop3A_482 {strides = array<i32>} : memref<24x8x128xf32, #tpu.memory_space<vmem>>, vector<16xf32>,
          %parallel_loop3A_490 = arith.constant 8 : i32
          %parallel_loop3A_491 = arith.muli %parallel_loop3A_384, %parallel_loop3A_490 : i32
          %parallel_loop3A_492 = arith.constant 7 : i32
          %parallel_loop3A_493 = arith.addi %parallel_loop3A_491, %parallel_loop3A_492 : i32
          %parallel_loop3A_494 = vector.broadcast %parallel_loop3A_493 : i32 to vector<16xi32>
          %parallel_loop3A_495 = arith.addi %shift_left3A_334, %parallel_loop3A_494 : vector<16xi32>
          %parallel_loop3A_496 = tpu.vector_load_idx %arg11[%add3A_321, %parallel_loop3A_495] : memref<128x128xf32, #tpu.memory_space<vmem>>[vector<16xi32>, vector<16xi32>], vector<16xf32>,
          %parallel_loop3A_497 = arith.mulf %parallel_loop3A_496, %select_n3A_379 : vector<16xf32>
          %parallel_loop3A_498 = arith.constant 16 : i32
          %parallel_loop3A_499 = arith.addi %parallel_loop3A_498, %parallel_loop3A_384 : i32
          %parallel_loop3A_500 = arith.constant 7 : i32
          %parallel_loop3A_501 = arith.index_cast %parallel_loop3A_499 : i32 to index
          %parallel_loop3A_502 = arith.index_cast %parallel_loop3A_500 : i32 to index
          %parallel_loop3A_503 = arith.index_cast %mul3A_323 : i32 to index
          %parallel_loop3A_504 = tpu.vector_load %arg13[%parallel_loop3A_501, %parallel_loop3A_502, %parallel_loop3A_503] {strides = array<i32>} : memref<24x8x128xf32, #tpu.memory_space<vmem>>, vector<16xf32>,
          tpu.vector_store %arg13[%parallel_loop3A_501, %parallel_loop3A_502, %parallel_loop3A_503], %parallel_loop3A_497 {strides = array<i32>} : memref<24x8x128xf32, #tpu.memory_space<vmem>>, vector<16xf32>,
        } {sc.loop_unroll_factor = 1 : i64, sc.parallel_access}
        %scan3A_383 = arith.constant 0 : i32
        scf.yield %scan3A_383 : i32
      }
      %scan3A_135 = arith.constant 8 : i32
      %mul3A_136 = arith.constant 50 : i32
      %mul3A_137 = arith.muli %add3A, %mul3A_136 : i32
      %add3A_138 = arith.addi %mul3A_137, %add3A_114 : i32
      %jit3A_139 = arith.constant 32 : i32
      %div3A_140 = arith.divsi %add3A_138, %jit3A_139 : i32
      %sign3A_141 = arith.constant 0 : i32
      %sign3A_142 = arith.cmpi sgt, %add3A_138, %sign3A_141 : i32
      %sign3A_143 = arith.extui %sign3A_142 : i1 to i32
      %sign3A_144 = arith.constant 0 : i32
      %sign3A_145 = arith.cmpi slt, %add3A_138, %sign3A_144 : i32
      %sign3A_146 = arith.extui %sign3A_145 : i1 to i32
      %sign3A_147 = arith.subi %sign3A_143, %sign3A_146 : i32
      %sign3A_148 = arith.constant 0 : i32
      %sign3A_149 = arith.cmpi sgt, %jit3A_139, %sign3A_148 : i32
      %sign3A_150 = arith.extui %sign3A_149 : i1 to i32
      %sign3A_151 = arith.constant 0 : i32
      %sign3A_152 = arith.cmpi slt, %jit3A_139, %sign3A_151 : i32
      %sign3A_153 = arith.extui %sign3A_152 : i1 to i32
      %sign3A_154 = arith.subi %sign3A_150, %sign3A_153 : i32
      %ne3A_155 = arith.cmpi ne, %sign3A_147, %sign3A_154 : i32
      %rem3A_156 = arith.remsi %add3A_138, %jit3A_139 : i32
      %ne3A_157 = arith.constant 0 : i32
      %ne3A_158 = arith.cmpi ne, %rem3A_156, %ne3A_157 : i32
      %and3A_159 = arith.andi %ne3A_155, %ne3A_158 : i1
      %sub3A_160 = arith.constant 1 : i32
      %sub3A_161 = arith.subi %div3A_140, %sub3A_160 : i32
      %select_n3A_162 = arith.select %and3A_159, %sub3A_161, %div3A_140 : i32
      %mul3A_163 = arith.constant 32 : i32
      %mul3A_164 = arith.muli %select_n3A_162, %mul3A_163 : i32
      %sub3A_165 = arith.subi %add3A_138, %mul3A_164 : i32
      %dma_start3A_166 = arith.constant 0 : i32
      %dma_start3A_167 = arith.constant 0 : i32
      %dma_start3A_168 = arith.constant 0 : i32
      %dma_start3A_169 = tpu.memref_slice %arg6[%select_n3A_162, %dma_start3A_166, %sub3A_165, %dma_start3A_167, %dma_start3A_168] : memref<50x24x32x8x128xf32, #tpu.memory_space<hbm>> -> memref<1x24x1x8x128xf32, #tpu.memory_space<hbm>>
      %dma_start3A_170 = tpu.memref_squeeze %dma_start3A_169 : memref<1x24x1x8x128xf32, #tpu.memory_space<hbm>> -> memref<24x8x128xf32, #tpu.memory_space<hbm>>
      %dma_start3A_171 = arith.constant 0 : i32
      %dma_start3A_172 = arith.constant 0 : i32
      %dma_start3A_173 = arith.constant 0 : i32
      %dma_start3A_174 = tpu.memref_slice %arg6[%select_n3A_162, %dma_start3A_171, %sub3A_165, %dma_start3A_172, %dma_start3A_173] : memref<50x24x32x8x128xf32, #tpu.memory_space<hbm>> -> memref<1x24x1x8x128xf32, #tpu.memory_space<hbm>>
      %dma_start3A_175 = tpu.memref_squeeze %dma_start3A_174 : memref<1x24x1x8x128xf32, #tpu.memory_space<hbm>> -> memref<24x8x128xf32, #tpu.memory_space<hbm>>
      tpu.enqueue_dma source(%arg13 : memref<24x8x128xf32, #tpu.memory_space<vmem>>) target(%dma_start3A_175 : memref<24x8x128xf32, #tpu.memory_space<hbm>>) target_semaphore(%arg17 : memref<!tpu.dma_semaphore, #tpu.memory_space<semaphore_mem>>)
      %mul3A_176 = arith.constant 2 : i32
      %mul3A_177 = arith.muli %scan3A_109, %mul3A_176 : i32
      %add3A_178 = arith.constant 1 : i32
      %add3A_179 = arith.addi %mul3A_177, %add3A_178 : i32
      %add3A_180 = arith.constant 1 : i32
      %add3A_181 = arith.addi %add3A_179, %add3A_180 : i32
      %lt3A_182 = arith.constant 50 : i32
      %lt3A_183 = arith.cmpi slt, %add3A_181, %lt3A_182 : i32
      %convert_element_type3A_184 = arith.extui %lt3A_183 : i1 to i32
      %cond3A_185 = arith.constant 0 : i32
      %cond3A_186 = arith.cmpi ne, %convert_element_type3A_184, %cond3A_185 : i32
      scf.if %cond3A_186 {
        %add3A_246 = arith.constant 1 : i32
        %add3A_247 = arith.addi %add3A_179, %add3A_246 : i32
        %dma_start3A_248 = arith.constant 0 : i32
        %dma_start3A_249 = tpu.memref_slice %arg10[%add3A_247, %dma_start3A_248] : memref<50x128xi32, #tpu.memory_space<vmem>> -> memref<1x128xi32, #tpu.memory_space<vmem>>
        %dma_start3A_250 = tpu.memref_squeeze %dma_start3A_249 : memref<1x128xi32, #tpu.memory_space<vmem>> -> memref<128xi32, #tpu.memory_space<vmem>>
        %dma_start3A_251 = arith.constant 0 : i32
        %dma_start3A_252 = arith.constant 0 : i32
        %dma_start3A_253 = tpu.memref_slice %arg5[%dma_start3A_251, %dma_start3A_252] : memref<50000x128xf32, #tpu.memory_space<hbm>> -> memref<50000x128xf32, #tpu.memory_space<hbm>>
        tpu.enqueue_indirect_dma source(%dma_start3A_253 : memref<50000x128xf32, #tpu.memory_space<hbm>>) target(%arg11 : memref<128x128xf32, #tpu.memory_space<vmem>>) offsets(%dma_start3A_250 : memref<128xi32, #tpu.memory_space<vmem>>) semaphore(%arg15 : memref<!tpu.dma_semaphore, #tpu.memory_space<semaphore_mem>>)
      } else {
      }
      %dma_wait3A_187 = arith.constant 0 : i32
      %dma_wait3A_188 = tpu.memref_slice %arg10[%add3A_179, %dma_wait3A_187] : memref<50x128xi32, #tpu.memory_space<vmem>> -> memref<1x128xi32, #tpu.memory_space<vmem>>
      %dma_wait3A_189 = tpu.memref_squeeze %dma_wait3A_188 : memref<1x128xi32, #tpu.memory_space<vmem>> -> memref<128xi32, #tpu.memory_space<vmem>>
      %dma_wait3A_190 = arith.constant 0 : i32
      %dma_wait3A_191 = arith.constant 0 : i32
      %dma_wait3A_192 = tpu.memref_slice %arg5[%dma_wait3A_190, %dma_wait3A_191] : memref<50000x128xf32, #tpu.memory_space<hbm>> -> memref<50000x128xf32, #tpu.memory_space<hbm>>
      tpu.wait_indirect_dma semaphore(%arg16 : memref<!tpu.dma_semaphore, #tpu.memory_space<semaphore_mem>>) src(%dma_wait3A_192 : memref<50000x128xf32, #tpu.memory_space<hbm>>) dst(%arg12 : memref<128x128xf32, #tpu.memory_space<vmem>>)
      %ge3A_193 = arith.constant 2 : i32
      %ge3A_194 = arith.cmpi sge, %add3A_179, %ge3A_193 : i32
      %convert_element_type3A_195 = arith.extui %ge3A_194 : i1 to i32
      %cond3A_196 = arith.constant 0 : i32
      %cond3A_197 = arith.cmpi ne, %convert_element_type3A_195, %cond3A_196 : i32
      scf.if %cond3A_197 {
        %sub3A_246 = arith.constant 2 : i32
        %sub3A_247 = arith.subi %add3A_179, %sub3A_246 : i32
        %mul3A_248 = arith.constant 50 : i32
        %mul3A_249 = arith.muli %add3A, %mul3A_248 : i32
        %add3A_250 = arith.addi %mul3A_249, %sub3A_247 : i32
        %jit3A_251 = arith.constant 32 : i32
        %div3A_252 = arith.divsi %add3A_250, %jit3A_251 : i32
        %sign3A_253 = arith.constant 0 : i32
        %sign3A_254 = arith.cmpi sgt, %add3A_250, %sign3A_253 : i32
        %sign3A_255 = arith.extui %sign3A_254 : i1 to i32
        %sign3A_256 = arith.constant 0 : i32
        %sign3A_257 = arith.cmpi slt, %add3A_250, %sign3A_256 : i32
        %sign3A_258 = arith.extui %sign3A_257 : i1 to i32
        %sign3A_259 = arith.subi %sign3A_255, %sign3A_258 : i32
        %sign3A_260 = arith.constant 0 : i32
        %sign3A_261 = arith.cmpi sgt, %jit3A_251, %sign3A_260 : i32
        %sign3A_262 = arith.extui %sign3A_261 : i1 to i32
        %sign3A_263 = arith.constant 0 : i32
        %sign3A_264 = arith.cmpi slt, %jit3A_251, %sign3A_263 : i32
        %sign3A_265 = arith.extui %sign3A_264 : i1 to i32
        %sign3A_266 = arith.subi %sign3A_262, %sign3A_265 : i32
        %ne3A_267 = arith.cmpi ne, %sign3A_259, %sign3A_266 : i32
        %rem3A_268 = arith.remsi %add3A_250, %jit3A_251 : i32
        %ne3A_269 = arith.constant 0 : i32
        %ne3A_270 = arith.cmpi ne, %rem3A_268, %ne3A_269 : i32
        %and3A_271 = arith.andi %ne3A_267, %ne3A_270 : i1
        %sub3A_272 = arith.constant 1 : i32
        %sub3A_273 = arith.subi %div3A_252, %sub3A_272 : i32
        %select_n3A_274 = arith.select %and3A_271, %sub3A_273, %div3A_252 : i32
        %mul3A_275 = arith.constant 32 : i32
        %mul3A_276 = arith.muli %select_n3A_274, %mul3A_275 : i32
        %sub3A_277 = arith.subi %add3A_250, %mul3A_276 : i32
        %dma_wait3A_278 = arith.constant 0 : i32
        %dma_wait3A_279 = arith.constant 0 : i32
        %dma_wait3A_280 = arith.constant 0 : i32
        %dma_wait3A_281 = tpu.memref_slice %arg6[%select_n3A_274, %dma_wait3A_278, %sub3A_277, %dma_wait3A_279, %dma_wait3A_280] : memref<50x24x32x8x128xf32, #tpu.memory_space<hbm>> -> memref<1x24x1x8x128xf32, #tpu.memory_space<hbm>>
        %dma_wait3A_282 = tpu.memref_squeeze %dma_wait3A_281 : memref<1x24x1x8x128xf32, #tpu.memory_space<hbm>> -> memref<24x8x128xf32, #tpu.memory_space<hbm>>
        %dma_wait3A_283 = arith.constant 0 : i32
        %dma_wait3A_284 = arith.constant 0 : i32
        %dma_wait3A_285 = arith.constant 0 : i32
        %dma_wait3A_286 = tpu.memref_slice %arg6[%select_n3A_274, %dma_wait3A_283, %sub3A_277, %dma_wait3A_284, %dma_wait3A_285] : memref<50x24x32x8x128xf32, #tpu.memory_space<hbm>> -> memref<1x24x1x8x128xf32, #tpu.memory_space<hbm>>
        %dma_wait3A_287 = tpu.memref_squeeze %dma_wait3A_286 : memref<1x24x1x8x128xf32, #tpu.memory_space<hbm>> -> memref<24x8x128xf32, #tpu.memory_space<hbm>>
        tpu.wait_dma2 semaphore(%arg18 : memref<!tpu.dma_semaphore, #tpu.memory_space<semaphore_mem>>) src(%arg14 : memref<24x8x128xf32, #tpu.memory_space<vmem>>) dst(%dma_wait3A_287 : memref<24x8x128xf32, #tpu.memory_space<hbm>>)
      } else {
      }
      %scan3A_198 = arith.constant 0 : i32
      %scan3A_199 = arith.constant 0 : i32
      %scan3A_200 = arith.constant 8 : i32
      %scan3A_201 = arith.addi %scan3A_199, %scan3A_200 : i32
      %scan3A_202 = arith.constant 1 : i32
      %scan3A_203 = scf.for %scan3A_246 = %scan3A_199 to %scan3A_201 step %scan3A_202 iter_args(%scan3A_247 = %scan3A_198) -> (i32)  : i32 {
        %mul3A_248 = arith.constant 128 : i32
        %mul3A_249 = arith.muli %add3A_179, %mul3A_248 : i32
        %mul3A_250 = arith.constant 16 : i32
        %mul3A_251 = arith.muli %scan3A_246, %mul3A_250 : i32
        %add3A_252 = arith.addi %mul3A_249, %mul3A_251 : i32
        %get3A = arith.index_cast %add3A_252 : i32 to index
        %get3A_253 = tpu.vector_load %arg9[%get3A] {strides = array<i32>} : memref<6400xf32, #tpu.memory_space<vmem>>, vector<16xf32>,
        %mul3A_254 = arith.constant 2.400000e+01 : f32
        %mul3A_255 = vector.broadcast %mul3A_254 : f32 to vector<16xf32>
        %mul3A_256 = arith.mulf %get3A_253, %mul3A_255 : vector<16xf32>
        %convert_element_type3A_257 = arith.fptosi %mul3A_256 : vector<16xf32> to vector<16xi32>
        %convert_element_type3A_258 = arith.sitofp %convert_element_type3A_257 : vector<16xi32> to vector<16xf32>
        %mul3A_259 = arith.constant 0.0416666679 : f32
        %mul3A_260 = vector.broadcast %mul3A_259 : f32 to vector<16xf32>
        %mul3A_261 = arith.mulf %convert_element_type3A_258, %mul3A_260 : vector<16xf32>
        %convert_element_type3A_262 = arith.fptosi %mul3A_261 : vector<16xf32> to vector<16xi32>
        %mul3A_263 = arith.constant 24 : i32
        %mul3A_264 = vector.broadcast %mul3A_263 : i32 to vector<16xi32>
        %mul3A_265 = arith.muli %convert_element_type3A_262, %mul3A_264 : vector<16xi32>
        %gt3A = arith.cmpi sgt, %mul3A_265, %convert_element_type3A_257 : vector<16xi32>
        %sub3A_266 = arith.constant 1 : i32
        %sub3A_267 = vector.broadcast %sub3A_266 : i32 to vector<16xi32>
        %sub3A_268 = arith.subi %convert_element_type3A_262, %sub3A_267 : vector<16xi32>
        %select_n3A_269 = arith.select %gt3A, %sub3A_268, %convert_element_type3A_262 : vector<16xi1>, vector<16xi32>
        %mul3A_270 = arith.constant 24 : i32
        %mul3A_271 = vector.broadcast %mul3A_270 : i32 to vector<16xi32>
        %mul3A_272 = arith.muli %select_n3A_269, %mul3A_271 : vector<16xi32>
        %add3A_273 = arith.constant 24 : i32
        %add3A_274 = vector.broadcast %add3A_273 : i32 to vector<16xi32>
        %add3A_275 = arith.addi %mul3A_272, %add3A_274 : vector<16xi32>
        %le3A = arith.cmpi sle, %add3A_275, %convert_element_type3A_257 : vector<16xi32>
        %add3A_276 = arith.constant 1 : i32
        %add3A_277 = vector.broadcast %add3A_276 : i32 to vector<16xi32>
        %add3A_278 = arith.addi %select_n3A_269, %add3A_277 : vector<16xi32>
        %select_n3A_279 = arith.select %le3A, %add3A_278, %select_n3A_269 : vector<16xi1>, vector<16xi32>
        %mul3A_280 = arith.constant 24 : i32
        %mul3A_281 = vector.broadcast %mul3A_280 : i32 to vector<16xi32>
        %mul3A_282 = arith.muli %select_n3A_279, %mul3A_281 : vector<16xi32>
        %sub3A_283 = arith.subi %convert_element_type3A_257, %mul3A_282 : vector<16xi32>
        %convert_element_type3A_284 = arith.sitofp %select_n3A_279 : vector<16xi32> to vector<16xf32>
        %mul3A_285 = arith.constant 0.00273224036 : f32
        %mul3A_286 = vector.broadcast %mul3A_285 : f32 to vector<16xf32>
        %mul3A_287 = arith.mulf %convert_element_type3A_284, %mul3A_286 : vector<16xf32>
        %convert_element_type3A_288 = arith.fptosi %mul3A_287 : vector<16xf32> to vector<16xi32>
        %mul3A_289 = arith.constant 366 : i32
        %mul3A_290 = vector.broadcast %mul3A_289 : i32 to vector<16xi32>
        %mul3A_291 = arith.muli %convert_element_type3A_288, %mul3A_290 : vector<16xi32>
        %gt3A_292 = arith.cmpi sgt, %mul3A_291, %select_n3A_279 : vector<16xi32>
        %sub3A_293 = arith.constant 1 : i32
        %sub3A_294 = vector.broadcast %sub3A_293 : i32 to vector<16xi32>
        %sub3A_295 = arith.subi %convert_element_type3A_288, %sub3A_294 : vector<16xi32>
        %select_n3A_296 = arith.select %gt3A_292, %sub3A_295, %convert_element_type3A_288 : vector<16xi1>, vector<16xi32>
        %mul3A_297 = arith.constant 366 : i32
        %mul3A_298 = vector.broadcast %mul3A_297 : i32 to vector<16xi32>
        %mul3A_299 = arith.muli %select_n3A_296, %mul3A_298 : vector<16xi32>
        %add3A_300 = arith.constant 366 : i32
        %add3A_301 = vector.broadcast %add3A_300 : i32 to vector<16xi32>
        %add3A_302 = arith.addi %mul3A_299, %add3A_301 : vector<16xi32>
        %le3A_303 = arith.cmpi sle, %add3A_302, %select_n3A_279 : vector<16xi32>
        %add3A_304 = arith.constant 1 : i32
        %add3A_305 = vector.broadcast %add3A_304 : i32 to vector<16xi32>
        %add3A_306 = arith.addi %select_n3A_296, %add3A_305 : vector<16xi32>
        %select_n3A_307 = arith.select %le3A_303, %add3A_306, %select_n3A_296 : vector<16xi1>, vector<16xi32>
        %mul3A_308 = arith.constant 366 : i32
        %mul3A_309 = vector.broadcast %mul3A_308 : i32 to vector<16xi32>
        %mul3A_310 = arith.muli %select_n3A_307, %mul3A_309 : vector<16xi32>
        %sub3A_311 = arith.subi %select_n3A_279, %mul3A_310 : vector<16xi32>
        %mul3A_312 = arith.constant 64 : i32
        %mul3A_313 = vector.broadcast %mul3A_312 : i32 to vector<16xi32>
        %mul3A_314 = arith.muli %sub3A_311, %mul3A_313 : vector<16xi32>
        %mul3A_315 = arith.constant 64 : i32
        %mul3A_316 = vector.broadcast %mul3A_315 : i32 to vector<16xi32>
        %mul3A_317 = arith.muli %sub3A_283, %mul3A_316 : vector<16xi32>
        %iota3A = tpu.iota {dimensions = array<i32: 0>} : vector<16xi32>
        %mul3A_318 = arith.constant 16 : i32
        %mul3A_319 = arith.muli %scan3A_246, %mul3A_318 : i32
        %add3A_320 = vector.broadcast %mul3A_319 : i32 to vector<16xi32>
        %add3A_321 = arith.addi %iota3A, %add3A_320 : vector<16xi32>
        %mul3A_322 = arith.constant 16 : i32
        %mul3A_323 = arith.muli %scan3A_246, %mul3A_322 : i32
        %parallel_loop3A = arith.constant 0 : i32
        %parallel_loop3A_324 = arith.constant 8 : i32
        %parallel_loop3A_325 = arith.constant 1 : i32
        scf.for %parallel_loop3A_384 = %parallel_loop3A to %parallel_loop3A_324 step %parallel_loop3A_325  : i32 {
          %parallel_loop3A_385 = arith.constant 8 : i32
          %parallel_loop3A_386 = arith.muli %parallel_loop3A_384, %parallel_loop3A_385 : i32
          %parallel_loop3A_387 = arith.constant 0 : i32
          %parallel_loop3A_388 = arith.addi %parallel_loop3A_386, %parallel_loop3A_387 : i32
          %parallel_loop3A_389 = vector.broadcast %parallel_loop3A_388 : i32 to vector<16xi32>
          %parallel_loop3A_390 = arith.addi %mul3A_314, %parallel_loop3A_389 : vector<16xi32>
          %parallel_loop3A_391 = tpu.vector_load_idx %arg7[%parallel_loop3A_390] : memref<23424xf32, #tpu.memory_space<vmem>>[vector<16xi32>], vector<16xf32>,
          %parallel_loop3A_392 = arith.constant 0 : i32
          %parallel_loop3A_393 = arith.index_cast %parallel_loop3A_384 : i32 to index
          %parallel_loop3A_394 = arith.index_cast %parallel_loop3A_392 : i32 to index
          %parallel_loop3A_395 = arith.index_cast %mul3A_323 : i32 to index
          %parallel_loop3A_396 = tpu.vector_load %arg14[%parallel_loop3A_393, %parallel_loop3A_394, %parallel_loop3A_395] {strides = array<i32>} : memref<24x8x128xf32, #tpu.memory_space<vmem>>, vector<16xf32>,
          tpu.vector_store %arg14[%parallel_loop3A_393, %parallel_loop3A_394, %parallel_loop3A_395], %parallel_loop3A_391 {strides = array<i32>} : memref<24x8x128xf32, #tpu.memory_space<vmem>>, vector<16xf32>,
          %parallel_loop3A_397 = vector.broadcast %parallel_loop3A_388 : i32 to vector<16xi32>
          %parallel_loop3A_398 = arith.addi %mul3A_317, %parallel_loop3A_397 : vector<16xi32>
          %parallel_loop3A_399 = tpu.vector_load_idx %arg8[%parallel_loop3A_398] : memref<1536xf32, #tpu.memory_space<vmem>>[vector<16xi32>], vector<16xf32>,
          %parallel_loop3A_400 = arith.constant 8 : i32
          %parallel_loop3A_401 = arith.addi %parallel_loop3A_400, %parallel_loop3A_384 : i32
          %parallel_loop3A_402 = arith.constant 0 : i32
          %parallel_loop3A_403 = arith.index_cast %parallel_loop3A_401 : i32 to index
          %parallel_loop3A_404 = arith.index_cast %parallel_loop3A_402 : i32 to index
          %parallel_loop3A_405 = arith.index_cast %mul3A_323 : i32 to index
          %parallel_loop3A_406 = tpu.vector_load %arg14[%parallel_loop3A_403, %parallel_loop3A_404, %parallel_loop3A_405] {strides = array<i32>} : memref<24x8x128xf32, #tpu.memory_space<vmem>>, vector<16xf32>,
          tpu.vector_store %arg14[%parallel_loop3A_403, %parallel_loop3A_404, %parallel_loop3A_405], %parallel_loop3A_399 {strides = array<i32>} : memref<24x8x128xf32, #tpu.memory_space<vmem>>, vector<16xf32>,
          %parallel_loop3A_407 = arith.constant 8 : i32
          %parallel_loop3A_408 = arith.muli %parallel_loop3A_384, %parallel_loop3A_407 : i32
          %parallel_loop3A_409 = arith.constant 1 : i32
          %parallel_loop3A_410 = arith.addi %parallel_loop3A_408, %parallel_loop3A_409 : i32
          %parallel_loop3A_411 = vector.broadcast %parallel_loop3A_410 : i32 to vector<16xi32>
          %parallel_loop3A_412 = arith.addi %mul3A_314, %parallel_loop3A_411 : vector<16xi32>
          %parallel_loop3A_413 = tpu.vector_load_idx %arg7[%parallel_loop3A_412] : memref<23424xf32, #tpu.memory_space<vmem>>[vector<16xi32>], vector<16xf32>,
          %parallel_loop3A_414 = arith.constant 1 : i32
          %parallel_loop3A_415 = arith.index_cast %parallel_loop3A_384 : i32 to index
          %parallel_loop3A_416 = arith.index_cast %parallel_loop3A_414 : i32 to index
          %parallel_loop3A_417 = arith.index_cast %mul3A_323 : i32 to index
          %parallel_loop3A_418 = tpu.vector_load %arg14[%parallel_loop3A_415, %parallel_loop3A_416, %parallel_loop3A_417] {strides = array<i32>} : memref<24x8x128xf32, #tpu.memory_space<vmem>>, vector<16xf32>,
          tpu.vector_store %arg14[%parallel_loop3A_415, %parallel_loop3A_416, %parallel_loop3A_417], %parallel_loop3A_413 {strides = array<i32>} : memref<24x8x128xf32, #tpu.memory_space<vmem>>, vector<16xf32>,
          %parallel_loop3A_419 = vector.broadcast %parallel_loop3A_410 : i32 to vector<16xi32>
          %parallel_loop3A_420 = arith.addi %mul3A_317, %parallel_loop3A_419 : vector<16xi32>
          %parallel_loop3A_421 = tpu.vector_load_idx %arg8[%parallel_loop3A_420] : memref<1536xf32, #tpu.memory_space<vmem>>[vector<16xi32>], vector<16xf32>,
          %parallel_loop3A_422 = arith.constant 8 : i32
          %parallel_loop3A_423 = arith.addi %parallel_loop3A_422, %parallel_loop3A_384 : i32
          %parallel_loop3A_424 = arith.constant 1 : i32
          %parallel_loop3A_425 = arith.index_cast %parallel_loop3A_423 : i32 to index
          %parallel_loop3A_426 = arith.index_cast %parallel_loop3A_424 : i32 to index
          %parallel_loop3A_427 = arith.index_cast %mul3A_323 : i32 to index
          %parallel_loop3A_428 = tpu.vector_load %arg14[%parallel_loop3A_425, %parallel_loop3A_426, %parallel_loop3A_427] {strides = array<i32>} : memref<24x8x128xf32, #tpu.memory_space<vmem>>, vector<16xf32>,
          tpu.vector_store %arg14[%parallel_loop3A_425, %parallel_loop3A_426, %parallel_loop3A_427], %parallel_loop3A_421 {strides = array<i32>} : memref<24x8x128xf32, #tpu.memory_space<vmem>>, vector<16xf32>,
          %parallel_loop3A_429 = arith.constant 8 : i32
          %parallel_loop3A_430 = arith.muli %parallel_loop3A_384, %parallel_loop3A_429 : i32
          %parallel_loop3A_431 = arith.constant 2 : i32
          %parallel_loop3A_432 = arith.addi %parallel_loop3A_430, %parallel_loop3A_431 : i32
          %parallel_loop3A_433 = vector.broadcast %parallel_loop3A_432 : i32 to vector<16xi32>
          %parallel_loop3A_434 = arith.addi %mul3A_314, %parallel_loop3A_433 : vector<16xi32>
          %parallel_loop3A_435 = tpu.vector_load_idx %arg7[%parallel_loop3A_434] : memref<23424xf32, #tpu.memory_space<vmem>>[vector<16xi32>], vector<16xf32>,
          %parallel_loop3A_436 = arith.constant 2 : i32
          %parallel_loop3A_437 = arith.index_cast %parallel_loop3A_384 : i32 to index
          %parallel_loop3A_438 = arith.index_cast %parallel_loop3A_436 : i32 to index
          %parallel_loop3A_439 = arith.index_cast %mul3A_323 : i32 to index
          %parallel_loop3A_440 = tpu.vector_load %arg14[%parallel_loop3A_437, %parallel_loop3A_438, %parallel_loop3A_439] {strides = array<i32>} : memref<24x8x128xf32, #tpu.memory_space<vmem>>, vector<16xf32>,
          tpu.vector_store %arg14[%parallel_loop3A_437, %parallel_loop3A_438, %parallel_loop3A_439], %parallel_loop3A_435 {strides = array<i32>} : memref<24x8x128xf32, #tpu.memory_space<vmem>>, vector<16xf32>,
          %parallel_loop3A_441 = vector.broadcast %parallel_loop3A_432 : i32 to vector<16xi32>
          %parallel_loop3A_442 = arith.addi %mul3A_317, %parallel_loop3A_441 : vector<16xi32>
          %parallel_loop3A_443 = tpu.vector_load_idx %arg8[%parallel_loop3A_442] : memref<1536xf32, #tpu.memory_space<vmem>>[vector<16xi32>], vector<16xf32>,
          %parallel_loop3A_444 = arith.constant 8 : i32
          %parallel_loop3A_445 = arith.addi %parallel_loop3A_444, %parallel_loop3A_384 : i32
          %parallel_loop3A_446 = arith.constant 2 : i32
          %parallel_loop3A_447 = arith.index_cast %parallel_loop3A_445 : i32 to index
          %parallel_loop3A_448 = arith.index_cast %parallel_loop3A_446 : i32 to index
          %parallel_loop3A_449 = arith.index_cast %mul3A_323 : i32 to index
          %parallel_loop3A_450 = tpu.vector_load %arg14[%parallel_loop3A_447, %parallel_loop3A_448, %parallel_loop3A_449] {strides = array<i32>} : memref<24x8x128xf32, #tpu.memory_space<vmem>>, vector<16xf32>,
          tpu.vector_store %arg14[%parallel_loop3A_447, %parallel_loop3A_448, %parallel_loop3A_449], %parallel_loop3A_443 {strides = array<i32>} : memref<24x8x128xf32, #tpu.memory_space<vmem>>, vector<16xf32>,
          %parallel_loop3A_451 = arith.constant 8 : i32
          %parallel_loop3A_452 = arith.muli %parallel_loop3A_384, %parallel_loop3A_451 : i32
          %parallel_loop3A_453 = arith.constant 3 : i32
          %parallel_loop3A_454 = arith.addi %parallel_loop3A_452, %parallel_loop3A_453 : i32
          %parallel_loop3A_455 = vector.broadcast %parallel_loop3A_454 : i32 to vector<16xi32>
          %parallel_loop3A_456 = arith.addi %mul3A_314, %parallel_loop3A_455 : vector<16xi32>
          %parallel_loop3A_457 = tpu.vector_load_idx %arg7[%parallel_loop3A_456] : memref<23424xf32, #tpu.memory_space<vmem>>[vector<16xi32>], vector<16xf32>,
          %parallel_loop3A_458 = arith.constant 3 : i32
          %parallel_loop3A_459 = arith.index_cast %parallel_loop3A_384 : i32 to index
          %parallel_loop3A_460 = arith.index_cast %parallel_loop3A_458 : i32 to index
          %parallel_loop3A_461 = arith.index_cast %mul3A_323 : i32 to index
          %parallel_loop3A_462 = tpu.vector_load %arg14[%parallel_loop3A_459, %parallel_loop3A_460, %parallel_loop3A_461] {strides = array<i32>} : memref<24x8x128xf32, #tpu.memory_space<vmem>>, vector<16xf32>,
          tpu.vector_store %arg14[%parallel_loop3A_459, %parallel_loop3A_460, %parallel_loop3A_461], %parallel_loop3A_457 {strides = array<i32>} : memref<24x8x128xf32, #tpu.memory_space<vmem>>, vector<16xf32>,
          %parallel_loop3A_463 = vector.broadcast %parallel_loop3A_454 : i32 to vector<16xi32>
          %parallel_loop3A_464 = arith.addi %mul3A_317, %parallel_loop3A_463 : vector<16xi32>
          %parallel_loop3A_465 = tpu.vector_load_idx %arg8[%parallel_loop3A_464] : memref<1536xf32, #tpu.memory_space<vmem>>[vector<16xi32>], vector<16xf32>,
          %parallel_loop3A_466 = arith.constant 8 : i32
          %parallel_loop3A_467 = arith.addi %parallel_loop3A_466, %parallel_loop3A_384 : i32
          %parallel_loop3A_468 = arith.constant 3 : i32
          %parallel_loop3A_469 = arith.index_cast %parallel_loop3A_467 : i32 to index
          %parallel_loop3A_470 = arith.index_cast %parallel_loop3A_468 : i32 to index
          %parallel_loop3A_471 = arith.index_cast %mul3A_323 : i32 to index
          %parallel_loop3A_472 = tpu.vector_load %arg14[%parallel_loop3A_469, %parallel_loop3A_470, %parallel_loop3A_471] {strides = array<i32>} : memref<24x8x128xf32, #tpu.memory_space<vmem>>, vector<16xf32>,
          tpu.vector_store %arg14[%parallel_loop3A_469, %parallel_loop3A_470, %parallel_loop3A_471], %parallel_loop3A_465 {strides = array<i32>} : memref<24x8x128xf32, #tpu.memory_space<vmem>>, vector<16xf32>,
          %parallel_loop3A_473 = arith.constant 8 : i32
          %parallel_loop3A_474 = arith.muli %parallel_loop3A_384, %parallel_loop3A_473 : i32
          %parallel_loop3A_475 = arith.constant 4 : i32
          %parallel_loop3A_476 = arith.addi %parallel_loop3A_474, %parallel_loop3A_475 : i32
          %parallel_loop3A_477 = vector.broadcast %parallel_loop3A_476 : i32 to vector<16xi32>
          %parallel_loop3A_478 = arith.addi %mul3A_314, %parallel_loop3A_477 : vector<16xi32>
          %parallel_loop3A_479 = tpu.vector_load_idx %arg7[%parallel_loop3A_478] : memref<23424xf32, #tpu.memory_space<vmem>>[vector<16xi32>], vector<16xf32>,
          %parallel_loop3A_480 = arith.constant 4 : i32
          %parallel_loop3A_481 = arith.index_cast %parallel_loop3A_384 : i32 to index
          %parallel_loop3A_482 = arith.index_cast %parallel_loop3A_480 : i32 to index
          %parallel_loop3A_483 = arith.index_cast %mul3A_323 : i32 to index
          %parallel_loop3A_484 = tpu.vector_load %arg14[%parallel_loop3A_481, %parallel_loop3A_482, %parallel_loop3A_483] {strides = array<i32>} : memref<24x8x128xf32, #tpu.memory_space<vmem>>, vector<16xf32>,
          tpu.vector_store %arg14[%parallel_loop3A_481, %parallel_loop3A_482, %parallel_loop3A_483], %parallel_loop3A_479 {strides = array<i32>} : memref<24x8x128xf32, #tpu.memory_space<vmem>>, vector<16xf32>,
          %parallel_loop3A_485 = vector.broadcast %parallel_loop3A_476 : i32 to vector<16xi32>
          %parallel_loop3A_486 = arith.addi %mul3A_317, %parallel_loop3A_485 : vector<16xi32>
          %parallel_loop3A_487 = tpu.vector_load_idx %arg8[%parallel_loop3A_486] : memref<1536xf32, #tpu.memory_space<vmem>>[vector<16xi32>], vector<16xf32>,
          %parallel_loop3A_488 = arith.constant 8 : i32
          %parallel_loop3A_489 = arith.addi %parallel_loop3A_488, %parallel_loop3A_384 : i32
          %parallel_loop3A_490 = arith.constant 4 : i32
          %parallel_loop3A_491 = arith.index_cast %parallel_loop3A_489 : i32 to index
          %parallel_loop3A_492 = arith.index_cast %parallel_loop3A_490 : i32 to index
          %parallel_loop3A_493 = arith.index_cast %mul3A_323 : i32 to index
          %parallel_loop3A_494 = tpu.vector_load %arg14[%parallel_loop3A_491, %parallel_loop3A_492, %parallel_loop3A_493] {strides = array<i32>} : memref<24x8x128xf32, #tpu.memory_space<vmem>>, vector<16xf32>,
          tpu.vector_store %arg14[%parallel_loop3A_491, %parallel_loop3A_492, %parallel_loop3A_493], %parallel_loop3A_487 {strides = array<i32>} : memref<24x8x128xf32, #tpu.memory_space<vmem>>, vector<16xf32>,
          %parallel_loop3A_495 = arith.constant 8 : i32
          %parallel_loop3A_496 = arith.muli %parallel_loop3A_384, %parallel_loop3A_495 : i32
          %parallel_loop3A_497 = arith.constant 5 : i32
          %parallel_loop3A_498 = arith.addi %parallel_loop3A_496, %parallel_loop3A_497 : i32
          %parallel_loop3A_499 = vector.broadcast %parallel_loop3A_498 : i32 to vector<16xi32>
          %parallel_loop3A_500 = arith.addi %mul3A_314, %parallel_loop3A_499 : vector<16xi32>
          %parallel_loop3A_501 = tpu.vector_load_idx %arg7[%parallel_loop3A_500] : memref<23424xf32, #tpu.memory_space<vmem>>[vector<16xi32>], vector<16xf32>,
          %parallel_loop3A_502 = arith.constant 5 : i32
          %parallel_loop3A_503 = arith.index_cast %parallel_loop3A_384 : i32 to index
          %parallel_loop3A_504 = arith.index_cast %parallel_loop3A_502 : i32 to index
          %parallel_loop3A_505 = arith.index_cast %mul3A_323 : i32 to index
          %parallel_loop3A_506 = tpu.vector_load %arg14[%parallel_loop3A_503, %parallel_loop3A_504, %parallel_loop3A_505] {strides = array<i32>} : memref<24x8x128xf32, #tpu.memory_space<vmem>>, vector<16xf32>,
          tpu.vector_store %arg14[%parallel_loop3A_503, %parallel_loop3A_504, %parallel_loop3A_505], %parallel_loop3A_501 {strides = array<i32>} : memref<24x8x128xf32, #tpu.memory_space<vmem>>, vector<16xf32>,
          %parallel_loop3A_507 = vector.broadcast %parallel_loop3A_498 : i32 to vector<16xi32>
          %parallel_loop3A_508 = arith.addi %mul3A_317, %parallel_loop3A_507 : vector<16xi32>
          %parallel_loop3A_509 = tpu.vector_load_idx %arg8[%parallel_loop3A_508] : memref<1536xf32, #tpu.memory_space<vmem>>[vector<16xi32>], vector<16xf32>,
          %parallel_loop3A_510 = arith.constant 8 : i32
          %parallel_loop3A_511 = arith.addi %parallel_loop3A_510, %parallel_loop3A_384 : i32
          %parallel_loop3A_512 = arith.constant 5 : i32
          %parallel_loop3A_513 = arith.index_cast %parallel_loop3A_511 : i32 to index
          %parallel_loop3A_514 = arith.index_cast %parallel_loop3A_512 : i32 to index
          %parallel_loop3A_515 = arith.index_cast %mul3A_323 : i32 to index
          %parallel_loop3A_516 = tpu.vector_load %arg14[%parallel_loop3A_513, %parallel_loop3A_514, %parallel_loop3A_515] {strides = array<i32>} : memref<24x8x128xf32, #tpu.memory_space<vmem>>, vector<16xf32>,
          tpu.vector_store %arg14[%parallel_loop3A_513, %parallel_loop3A_514, %parallel_loop3A_515], %parallel_loop3A_509 {strides = array<i32>} : memref<24x8x128xf32, #tpu.memory_space<vmem>>, vector<16xf32>,
          %parallel_loop3A_517 = arith.constant 8 : i32
          %parallel_loop3A_518 = arith.muli %parallel_loop3A_384, %parallel_loop3A_517 : i32
          %parallel_loop3A_519 = arith.constant 6 : i32
          %parallel_loop3A_520 = arith.addi %parallel_loop3A_518, %parallel_loop3A_519 : i32
          %parallel_loop3A_521 = vector.broadcast %parallel_loop3A_520 : i32 to vector<16xi32>
          %parallel_loop3A_522 = arith.addi %mul3A_314, %parallel_loop3A_521 : vector<16xi32>
          %parallel_loop3A_523 = tpu.vector_load_idx %arg7[%parallel_loop3A_522] : memref<23424xf32, #tpu.memory_space<vmem>>[vector<16xi32>], vector<16xf32>,
          %parallel_loop3A_524 = arith.constant 6 : i32
          %parallel_loop3A_525 = arith.index_cast %parallel_loop3A_384 : i32 to index
          %parallel_loop3A_526 = arith.index_cast %parallel_loop3A_524 : i32 to index
          %parallel_loop3A_527 = arith.index_cast %mul3A_323 : i32 to index
          %parallel_loop3A_528 = tpu.vector_load %arg14[%parallel_loop3A_525, %parallel_loop3A_526, %parallel_loop3A_527] {strides = array<i32>} : memref<24x8x128xf32, #tpu.memory_space<vmem>>, vector<16xf32>,
          tpu.vector_store %arg14[%parallel_loop3A_525, %parallel_loop3A_526, %parallel_loop3A_527], %parallel_loop3A_523 {strides = array<i32>} : memref<24x8x128xf32, #tpu.memory_space<vmem>>, vector<16xf32>,
          %parallel_loop3A_529 = vector.broadcast %parallel_loop3A_520 : i32 to vector<16xi32>
          %parallel_loop3A_530 = arith.addi %mul3A_317, %parallel_loop3A_529 : vector<16xi32>
          %parallel_loop3A_531 = tpu.vector_load_idx %arg8[%parallel_loop3A_530] : memref<1536xf32, #tpu.memory_space<vmem>>[vector<16xi32>], vector<16xf32>,
          %parallel_loop3A_532 = arith.constant 8 : i32
          %parallel_loop3A_533 = arith.addi %parallel_loop3A_532, %parallel_loop3A_384 : i32
          %parallel_loop3A_534 = arith.constant 6 : i32
          %parallel_loop3A_535 = arith.index_cast %parallel_loop3A_533 : i32 to index
          %parallel_loop3A_536 = arith.index_cast %parallel_loop3A_534 : i32 to index
          %parallel_loop3A_537 = arith.index_cast %mul3A_323 : i32 to index
          %parallel_loop3A_538 = tpu.vector_load %arg14[%parallel_loop3A_535, %parallel_loop3A_536, %parallel_loop3A_537] {strides = array<i32>} : memref<24x8x128xf32, #tpu.memory_space<vmem>>, vector<16xf32>,
          tpu.vector_store %arg14[%parallel_loop3A_535, %parallel_loop3A_536, %parallel_loop3A_537], %parallel_loop3A_531 {strides = array<i32>} : memref<24x8x128xf32, #tpu.memory_space<vmem>>, vector<16xf32>,
          %parallel_loop3A_539 = arith.constant 8 : i32
          %parallel_loop3A_540 = arith.muli %parallel_loop3A_384, %parallel_loop3A_539 : i32
          %parallel_loop3A_541 = arith.constant 7 : i32
          %parallel_loop3A_542 = arith.addi %parallel_loop3A_540, %parallel_loop3A_541 : i32
          %parallel_loop3A_543 = vector.broadcast %parallel_loop3A_542 : i32 to vector<16xi32>
          %parallel_loop3A_544 = arith.addi %mul3A_314, %parallel_loop3A_543 : vector<16xi32>
          %parallel_loop3A_545 = tpu.vector_load_idx %arg7[%parallel_loop3A_544] : memref<23424xf32, #tpu.memory_space<vmem>>[vector<16xi32>], vector<16xf32>,
          %parallel_loop3A_546 = arith.constant 7 : i32
          %parallel_loop3A_547 = arith.index_cast %parallel_loop3A_384 : i32 to index
          %parallel_loop3A_548 = arith.index_cast %parallel_loop3A_546 : i32 to index
          %parallel_loop3A_549 = arith.index_cast %mul3A_323 : i32 to index
          %parallel_loop3A_550 = tpu.vector_load %arg14[%parallel_loop3A_547, %parallel_loop3A_548, %parallel_loop3A_549] {strides = array<i32>} : memref<24x8x128xf32, #tpu.memory_space<vmem>>, vector<16xf32>,
          tpu.vector_store %arg14[%parallel_loop3A_547, %parallel_loop3A_548, %parallel_loop3A_549], %parallel_loop3A_545 {strides = array<i32>} : memref<24x8x128xf32, #tpu.memory_space<vmem>>, vector<16xf32>,
          %parallel_loop3A_551 = vector.broadcast %parallel_loop3A_542 : i32 to vector<16xi32>
          %parallel_loop3A_552 = arith.addi %mul3A_317, %parallel_loop3A_551 : vector<16xi32>
          %parallel_loop3A_553 = tpu.vector_load_idx %arg8[%parallel_loop3A_552] : memref<1536xf32, #tpu.memory_space<vmem>>[vector<16xi32>], vector<16xf32>,
          %parallel_loop3A_554 = arith.constant 8 : i32
          %parallel_loop3A_555 = arith.addi %parallel_loop3A_554, %parallel_loop3A_384 : i32
          %parallel_loop3A_556 = arith.constant 7 : i32
          %parallel_loop3A_557 = arith.index_cast %parallel_loop3A_555 : i32 to index
          %parallel_loop3A_558 = arith.index_cast %parallel_loop3A_556 : i32 to index
          %parallel_loop3A_559 = arith.index_cast %mul3A_323 : i32 to index
          %parallel_loop3A_560 = tpu.vector_load %arg14[%parallel_loop3A_557, %parallel_loop3A_558, %parallel_loop3A_559] {strides = array<i32>} : memref<24x8x128xf32, #tpu.memory_space<vmem>>, vector<16xf32>,
          tpu.vector_store %arg14[%parallel_loop3A_557, %parallel_loop3A_558, %parallel_loop3A_559], %parallel_loop3A_553 {strides = array<i32>} : memref<24x8x128xf32, #tpu.memory_space<vmem>>, vector<16xf32>,
        } {sc.loop_unroll_factor = 1 : i64, sc.parallel_access}
        %div3A_326 = arith.constant 1.000000e+01 : f32
        %div3A_327 = vector.broadcast %div3A_326 : f32 to vector<16xf32>
        %div3A_328 = arith.divf %get3A_253, %div3A_327 : vector<16xf32>
        %convert_element_type3A_329 = arith.fptosi %div3A_328 : vector<16xf32> to vector<16xi32>
        %and3A_330 = arith.constant 1 : i32
        %and3A_331 = vector.broadcast %and3A_330 : i32 to vector<16xi32>
        %and3A_332 = arith.andi %convert_element_type3A_329, %and3A_331 : vector<16xi32>
        %shift_left3A = arith.constant 6 : i32
        %shift_left3A_333 = vector.broadcast %shift_left3A : i32 to vector<16xi32>
        %shift_left3A_334 = arith.shli %and3A_332, %shift_left3A_333 : vector<16xi32>
        %broadcast_in_dim3A = arith.constant 0.000000e+00 : f32
        %broadcast_in_dim3A_335 = vector.broadcast %broadcast_in_dim3A : f32 to vector<16xf32>
        %parallel_loop3A_336 = arith.constant 0 : i32
        %parallel_loop3A_337 = arith.constant 64 : i32
        %parallel_loop3A_338 = arith.constant 1 : i32
        %parallel_loop3A_339 = scf.for %parallel_loop3A_384 = %parallel_loop3A_336 to %parallel_loop3A_337 step %parallel_loop3A_338 iter_args(%parallel_loop3A_385 = %broadcast_in_dim3A_335) -> (vector<16xf32>)  : i32 {
          %parallel_loop3A_386 = vector.broadcast %parallel_loop3A_384 : i32 to vector<16xi32>
          %parallel_loop3A_387 = arith.addi %shift_left3A_334, %parallel_loop3A_386 : vector<16xi32>
          %parallel_loop3A_388 = tpu.vector_load_idx %arg12[%add3A_321, %parallel_loop3A_387] : memref<128x128xf32, #tpu.memory_space<vmem>>[vector<16xi32>, vector<16xi32>], vector<16xf32>,
          %parallel_loop3A_389 = arith.mulf %parallel_loop3A_388, %parallel_loop3A_388 : vector<16xf32>
          %parallel_loop3A_390 = arith.addf %parallel_loop3A_385, %parallel_loop3A_389 : vector<16xf32>
          scf.yield %parallel_loop3A_390 : vector<16xf32>
        } {sc.loop_unroll_factor = 8 : i64, sc.parallel_access}
        %bitcast_convert_type3A = tpu.bitcast %parallel_loop3A_339 : vector<16xf32> -> vector<16xi32>
        %shift_right_logical3A = arith.constant 1 : i32
        %shift_right_logical3A_340 = vector.broadcast %shift_right_logical3A : i32 to vector<16xi32>
        %shift_right_logical3A_341 = arith.shrui %bitcast_convert_type3A, %shift_right_logical3A_340 : vector<16xi32>
        %sub3A_342 = arith.constant 1597463007 : i32
        %sub3A_343 = vector.broadcast %sub3A_342 : i32 to vector<16xi32>
        %sub3A_344 = arith.subi %sub3A_343, %shift_right_logical3A_341 : vector<16xi32>
        %bitcast_convert_type3A_345 = tpu.bitcast %sub3A_344 : vector<16xi32> -> vector<16xf32>
        %mul3A_346 = arith.constant 5.000000e-01 : f32
        %mul3A_347 = vector.broadcast %mul3A_346 : f32 to vector<16xf32>
        %mul3A_348 = arith.mulf %parallel_loop3A_339, %mul3A_347 : vector<16xf32>
        %mul3A_349 = arith.mulf %mul3A_348, %bitcast_convert_type3A_345 : vector<16xf32>
        %mul3A_350 = arith.mulf %mul3A_349, %bitcast_convert_type3A_345 : vector<16xf32>
        %sub3A_351 = arith.constant 1.500000e+00 : f32
        %sub3A_352 = vector.broadcast %sub3A_351 : f32 to vector<16xf32>
        %sub3A_353 = arith.subf %sub3A_352, %mul3A_350 : vector<16xf32>
        %mul3A_354 = arith.mulf %bitcast_convert_type3A_345, %sub3A_353 : vector<16xf32>
        %mul3A_355 = arith.mulf %mul3A_348, %mul3A_354 : vector<16xf32>
        %mul3A_356 = arith.mulf %mul3A_355, %mul3A_354 : vector<16xf32>
        %sub3A_357 = arith.constant 1.500000e+00 : f32
        %sub3A_358 = vector.broadcast %sub3A_357 : f32 to vector<16xf32>
        %sub3A_359 = arith.subf %sub3A_358, %mul3A_356 : vector<16xf32>
        %mul3A_360 = arith.mulf %mul3A_354, %sub3A_359 : vector<16xf32>
        %mul3A_361 = arith.mulf %mul3A_348, %mul3A_360 : vector<16xf32>
        %mul3A_362 = arith.mulf %mul3A_361, %mul3A_360 : vector<16xf32>
        %sub3A_363 = arith.constant 1.500000e+00 : f32
        %sub3A_364 = vector.broadcast %sub3A_363 : f32 to vector<16xf32>
        %sub3A_365 = arith.subf %sub3A_364, %mul3A_362 : vector<16xf32>
        %mul3A_366 = arith.mulf %mul3A_360, %sub3A_365 : vector<16xf32>
        %mul3A_367 = arith.mulf %parallel_loop3A_339, %mul3A_366 : vector<16xf32>
        %gt3A_368 = arith.constant 1.000000e+00 : f32
        %gt3A_369 = vector.broadcast %gt3A_368 : f32 to vector<16xf32>
        %gt3A_370 = arith.cmpf ogt, %mul3A_367, %gt3A_369 : vector<16xf32>
        %add3A_371 = arith.constant 1.000000e-07 : f32
        %add3A_372 = vector.broadcast %add3A_371 : f32 to vector<16xf32>
        %add3A_373 = arith.addf %mul3A_367, %add3A_372 : vector<16xf32>
        %div3A_374 = arith.constant 1.000000e+00 : f32
        %div3A_375 = vector.broadcast %div3A_374 : f32 to vector<16xf32>
        %div3A_376 = arith.divf %div3A_375, %add3A_373 : vector<16xf32>
        %jit3A_377 = arith.constant 1.000000e+00 : f32
        %broadcast_in_dim3A_378 = vector.broadcast %jit3A_377 : f32 to vector<16xf32>
        %select_n3A_379 = arith.select %gt3A_370, %div3A_376, %broadcast_in_dim3A_378 : vector<16xi1>, vector<16xf32>
        %parallel_loop3A_380 = arith.constant 0 : i32
        %parallel_loop3A_381 = arith.constant 8 : i32
        %parallel_loop3A_382 = arith.constant 1 : i32
        scf.for %parallel_loop3A_384 = %parallel_loop3A_380 to %parallel_loop3A_381 step %parallel_loop3A_382  : i32 {
          %parallel_loop3A_385 = arith.constant 8 : i32
          %parallel_loop3A_386 = arith.muli %parallel_loop3A_384, %parallel_loop3A_385 : i32
          %parallel_loop3A_387 = arith.constant 0 : i32
          %parallel_loop3A_388 = arith.addi %parallel_loop3A_386, %parallel_loop3A_387 : i32
          %parallel_loop3A_389 = vector.broadcast %parallel_loop3A_388 : i32 to vector<16xi32>
          %parallel_loop3A_390 = arith.addi %shift_left3A_334, %parallel_loop3A_389 : vector<16xi32>
          %parallel_loop3A_391 = tpu.vector_load_idx %arg12[%add3A_321, %parallel_loop3A_390] : memref<128x128xf32, #tpu.memory_space<vmem>>[vector<16xi32>, vector<16xi32>], vector<16xf32>,
          %parallel_loop3A_392 = arith.mulf %parallel_loop3A_391, %select_n3A_379 : vector<16xf32>
          %parallel_loop3A_393 = arith.constant 16 : i32
          %parallel_loop3A_394 = arith.addi %parallel_loop3A_393, %parallel_loop3A_384 : i32
          %parallel_loop3A_395 = arith.constant 0 : i32
          %parallel_loop3A_396 = arith.index_cast %parallel_loop3A_394 : i32 to index
          %parallel_loop3A_397 = arith.index_cast %parallel_loop3A_395 : i32 to index
          %parallel_loop3A_398 = arith.index_cast %mul3A_323 : i32 to index
          %parallel_loop3A_399 = tpu.vector_load %arg14[%parallel_loop3A_396, %parallel_loop3A_397, %parallel_loop3A_398] {strides = array<i32>} : memref<24x8x128xf32, #tpu.memory_space<vmem>>, vector<16xf32>,
          tpu.vector_store %arg14[%parallel_loop3A_396, %parallel_loop3A_397, %parallel_loop3A_398], %parallel_loop3A_392 {strides = array<i32>} : memref<24x8x128xf32, #tpu.memory_space<vmem>>, vector<16xf32>,
          %parallel_loop3A_400 = arith.constant 8 : i32
          %parallel_loop3A_401 = arith.muli %parallel_loop3A_384, %parallel_loop3A_400 : i32
          %parallel_loop3A_402 = arith.constant 1 : i32
          %parallel_loop3A_403 = arith.addi %parallel_loop3A_401, %parallel_loop3A_402 : i32
          %parallel_loop3A_404 = vector.broadcast %parallel_loop3A_403 : i32 to vector<16xi32>
          %parallel_loop3A_405 = arith.addi %shift_left3A_334, %parallel_loop3A_404 : vector<16xi32>
          %parallel_loop3A_406 = tpu.vector_load_idx %arg12[%add3A_321, %parallel_loop3A_405] : memref<128x128xf32, #tpu.memory_space<vmem>>[vector<16xi32>, vector<16xi32>], vector<16xf32>,
          %parallel_loop3A_407 = arith.mulf %parallel_loop3A_406, %select_n3A_379 : vector<16xf32>
          %parallel_loop3A_408 = arith.constant 16 : i32
          %parallel_loop3A_409 = arith.addi %parallel_loop3A_408, %parallel_loop3A_384 : i32
          %parallel_loop3A_410 = arith.constant 1 : i32
          %parallel_loop3A_411 = arith.index_cast %parallel_loop3A_409 : i32 to index
          %parallel_loop3A_412 = arith.index_cast %parallel_loop3A_410 : i32 to index
          %parallel_loop3A_413 = arith.index_cast %mul3A_323 : i32 to index
          %parallel_loop3A_414 = tpu.vector_load %arg14[%parallel_loop3A_411, %parallel_loop3A_412, %parallel_loop3A_413] {strides = array<i32>} : memref<24x8x128xf32, #tpu.memory_space<vmem>>, vector<16xf32>,
          tpu.vector_store %arg14[%parallel_loop3A_411, %parallel_loop3A_412, %parallel_loop3A_413], %parallel_loop3A_407 {strides = array<i32>} : memref<24x8x128xf32, #tpu.memory_space<vmem>>, vector<16xf32>,
          %parallel_loop3A_415 = arith.constant 8 : i32
          %parallel_loop3A_416 = arith.muli %parallel_loop3A_384, %parallel_loop3A_415 : i32
          %parallel_loop3A_417 = arith.constant 2 : i32
          %parallel_loop3A_418 = arith.addi %parallel_loop3A_416, %parallel_loop3A_417 : i32
          %parallel_loop3A_419 = vector.broadcast %parallel_loop3A_418 : i32 to vector<16xi32>
          %parallel_loop3A_420 = arith.addi %shift_left3A_334, %parallel_loop3A_419 : vector<16xi32>
          %parallel_loop3A_421 = tpu.vector_load_idx %arg12[%add3A_321, %parallel_loop3A_420] : memref<128x128xf32, #tpu.memory_space<vmem>>[vector<16xi32>, vector<16xi32>], vector<16xf32>,
          %parallel_loop3A_422 = arith.mulf %parallel_loop3A_421, %select_n3A_379 : vector<16xf32>
          %parallel_loop3A_423 = arith.constant 16 : i32
          %parallel_loop3A_424 = arith.addi %parallel_loop3A_423, %parallel_loop3A_384 : i32
          %parallel_loop3A_425 = arith.constant 2 : i32
          %parallel_loop3A_426 = arith.index_cast %parallel_loop3A_424 : i32 to index
          %parallel_loop3A_427 = arith.index_cast %parallel_loop3A_425 : i32 to index
          %parallel_loop3A_428 = arith.index_cast %mul3A_323 : i32 to index
          %parallel_loop3A_429 = tpu.vector_load %arg14[%parallel_loop3A_426, %parallel_loop3A_427, %parallel_loop3A_428] {strides = array<i32>} : memref<24x8x128xf32, #tpu.memory_space<vmem>>, vector<16xf32>,
          tpu.vector_store %arg14[%parallel_loop3A_426, %parallel_loop3A_427, %parallel_loop3A_428], %parallel_loop3A_422 {strides = array<i32>} : memref<24x8x128xf32, #tpu.memory_space<vmem>>, vector<16xf32>,
          %parallel_loop3A_430 = arith.constant 8 : i32
          %parallel_loop3A_431 = arith.muli %parallel_loop3A_384, %parallel_loop3A_430 : i32
          %parallel_loop3A_432 = arith.constant 3 : i32
          %parallel_loop3A_433 = arith.addi %parallel_loop3A_431, %parallel_loop3A_432 : i32
          %parallel_loop3A_434 = vector.broadcast %parallel_loop3A_433 : i32 to vector<16xi32>
          %parallel_loop3A_435 = arith.addi %shift_left3A_334, %parallel_loop3A_434 : vector<16xi32>
          %parallel_loop3A_436 = tpu.vector_load_idx %arg12[%add3A_321, %parallel_loop3A_435] : memref<128x128xf32, #tpu.memory_space<vmem>>[vector<16xi32>, vector<16xi32>], vector<16xf32>,
          %parallel_loop3A_437 = arith.mulf %parallel_loop3A_436, %select_n3A_379 : vector<16xf32>
          %parallel_loop3A_438 = arith.constant 16 : i32
          %parallel_loop3A_439 = arith.addi %parallel_loop3A_438, %parallel_loop3A_384 : i32
          %parallel_loop3A_440 = arith.constant 3 : i32
          %parallel_loop3A_441 = arith.index_cast %parallel_loop3A_439 : i32 to index
          %parallel_loop3A_442 = arith.index_cast %parallel_loop3A_440 : i32 to index
          %parallel_loop3A_443 = arith.index_cast %mul3A_323 : i32 to index
          %parallel_loop3A_444 = tpu.vector_load %arg14[%parallel_loop3A_441, %parallel_loop3A_442, %parallel_loop3A_443] {strides = array<i32>} : memref<24x8x128xf32, #tpu.memory_space<vmem>>, vector<16xf32>,
          tpu.vector_store %arg14[%parallel_loop3A_441, %parallel_loop3A_442, %parallel_loop3A_443], %parallel_loop3A_437 {strides = array<i32>} : memref<24x8x128xf32, #tpu.memory_space<vmem>>, vector<16xf32>,
          %parallel_loop3A_445 = arith.constant 8 : i32
          %parallel_loop3A_446 = arith.muli %parallel_loop3A_384, %parallel_loop3A_445 : i32
          %parallel_loop3A_447 = arith.constant 4 : i32
          %parallel_loop3A_448 = arith.addi %parallel_loop3A_446, %parallel_loop3A_447 : i32
          %parallel_loop3A_449 = vector.broadcast %parallel_loop3A_448 : i32 to vector<16xi32>
          %parallel_loop3A_450 = arith.addi %shift_left3A_334, %parallel_loop3A_449 : vector<16xi32>
          %parallel_loop3A_451 = tpu.vector_load_idx %arg12[%add3A_321, %parallel_loop3A_450] : memref<128x128xf32, #tpu.memory_space<vmem>>[vector<16xi32>, vector<16xi32>], vector<16xf32>,
          %parallel_loop3A_452 = arith.mulf %parallel_loop3A_451, %select_n3A_379 : vector<16xf32>
          %parallel_loop3A_453 = arith.constant 16 : i32
          %parallel_loop3A_454 = arith.addi %parallel_loop3A_453, %parallel_loop3A_384 : i32
          %parallel_loop3A_455 = arith.constant 4 : i32
          %parallel_loop3A_456 = arith.index_cast %parallel_loop3A_454 : i32 to index
          %parallel_loop3A_457 = arith.index_cast %parallel_loop3A_455 : i32 to index
          %parallel_loop3A_458 = arith.index_cast %mul3A_323 : i32 to index
          %parallel_loop3A_459 = tpu.vector_load %arg14[%parallel_loop3A_456, %parallel_loop3A_457, %parallel_loop3A_458] {strides = array<i32>} : memref<24x8x128xf32, #tpu.memory_space<vmem>>, vector<16xf32>,
          tpu.vector_store %arg14[%parallel_loop3A_456, %parallel_loop3A_457, %parallel_loop3A_458], %parallel_loop3A_452 {strides = array<i32>} : memref<24x8x128xf32, #tpu.memory_space<vmem>>, vector<16xf32>,
          %parallel_loop3A_460 = arith.constant 8 : i32
          %parallel_loop3A_461 = arith.muli %parallel_loop3A_384, %parallel_loop3A_460 : i32
          %parallel_loop3A_462 = arith.constant 5 : i32
          %parallel_loop3A_463 = arith.addi %parallel_loop3A_461, %parallel_loop3A_462 : i32
          %parallel_loop3A_464 = vector.broadcast %parallel_loop3A_463 : i32 to vector<16xi32>
          %parallel_loop3A_465 = arith.addi %shift_left3A_334, %parallel_loop3A_464 : vector<16xi32>
          %parallel_loop3A_466 = tpu.vector_load_idx %arg12[%add3A_321, %parallel_loop3A_465] : memref<128x128xf32, #tpu.memory_space<vmem>>[vector<16xi32>, vector<16xi32>], vector<16xf32>,
          %parallel_loop3A_467 = arith.mulf %parallel_loop3A_466, %select_n3A_379 : vector<16xf32>
          %parallel_loop3A_468 = arith.constant 16 : i32
          %parallel_loop3A_469 = arith.addi %parallel_loop3A_468, %parallel_loop3A_384 : i32
          %parallel_loop3A_470 = arith.constant 5 : i32
          %parallel_loop3A_471 = arith.index_cast %parallel_loop3A_469 : i32 to index
          %parallel_loop3A_472 = arith.index_cast %parallel_loop3A_470 : i32 to index
          %parallel_loop3A_473 = arith.index_cast %mul3A_323 : i32 to index
          %parallel_loop3A_474 = tpu.vector_load %arg14[%parallel_loop3A_471, %parallel_loop3A_472, %parallel_loop3A_473] {strides = array<i32>} : memref<24x8x128xf32, #tpu.memory_space<vmem>>, vector<16xf32>,
          tpu.vector_store %arg14[%parallel_loop3A_471, %parallel_loop3A_472, %parallel_loop3A_473], %parallel_loop3A_467 {strides = array<i32>} : memref<24x8x128xf32, #tpu.memory_space<vmem>>, vector<16xf32>,
          %parallel_loop3A_475 = arith.constant 8 : i32
          %parallel_loop3A_476 = arith.muli %parallel_loop3A_384, %parallel_loop3A_475 : i32
          %parallel_loop3A_477 = arith.constant 6 : i32
          %parallel_loop3A_478 = arith.addi %parallel_loop3A_476, %parallel_loop3A_477 : i32
          %parallel_loop3A_479 = vector.broadcast %parallel_loop3A_478 : i32 to vector<16xi32>
          %parallel_loop3A_480 = arith.addi %shift_left3A_334, %parallel_loop3A_479 : vector<16xi32>
          %parallel_loop3A_481 = tpu.vector_load_idx %arg12[%add3A_321, %parallel_loop3A_480] : memref<128x128xf32, #tpu.memory_space<vmem>>[vector<16xi32>, vector<16xi32>], vector<16xf32>,
          %parallel_loop3A_482 = arith.mulf %parallel_loop3A_481, %select_n3A_379 : vector<16xf32>
          %parallel_loop3A_483 = arith.constant 16 : i32
          %parallel_loop3A_484 = arith.addi %parallel_loop3A_483, %parallel_loop3A_384 : i32
          %parallel_loop3A_485 = arith.constant 6 : i32
          %parallel_loop3A_486 = arith.index_cast %parallel_loop3A_484 : i32 to index
          %parallel_loop3A_487 = arith.index_cast %parallel_loop3A_485 : i32 to index
          %parallel_loop3A_488 = arith.index_cast %mul3A_323 : i32 to index
          %parallel_loop3A_489 = tpu.vector_load %arg14[%parallel_loop3A_486, %parallel_loop3A_487, %parallel_loop3A_488] {strides = array<i32>} : memref<24x8x128xf32, #tpu.memory_space<vmem>>, vector<16xf32>,
          tpu.vector_store %arg14[%parallel_loop3A_486, %parallel_loop3A_487, %parallel_loop3A_488], %parallel_loop3A_482 {strides = array<i32>} : memref<24x8x128xf32, #tpu.memory_space<vmem>>, vector<16xf32>,
          %parallel_loop3A_490 = arith.constant 8 : i32
          %parallel_loop3A_491 = arith.muli %parallel_loop3A_384, %parallel_loop3A_490 : i32
          %parallel_loop3A_492 = arith.constant 7 : i32
          %parallel_loop3A_493 = arith.addi %parallel_loop3A_491, %parallel_loop3A_492 : i32
          %parallel_loop3A_494 = vector.broadcast %parallel_loop3A_493 : i32 to vector<16xi32>
          %parallel_loop3A_495 = arith.addi %shift_left3A_334, %parallel_loop3A_494 : vector<16xi32>
          %parallel_loop3A_496 = tpu.vector_load_idx %arg12[%add3A_321, %parallel_loop3A_495] : memref<128x128xf32, #tpu.memory_space<vmem>>[vector<16xi32>, vector<16xi32>], vector<16xf32>,
          %parallel_loop3A_497 = arith.mulf %parallel_loop3A_496, %select_n3A_379 : vector<16xf32>
          %parallel_loop3A_498 = arith.constant 16 : i32
          %parallel_loop3A_499 = arith.addi %parallel_loop3A_498, %parallel_loop3A_384 : i32
          %parallel_loop3A_500 = arith.constant 7 : i32
          %parallel_loop3A_501 = arith.index_cast %parallel_loop3A_499 : i32 to index
          %parallel_loop3A_502 = arith.index_cast %parallel_loop3A_500 : i32 to index
          %parallel_loop3A_503 = arith.index_cast %mul3A_323 : i32 to index
          %parallel_loop3A_504 = tpu.vector_load %arg14[%parallel_loop3A_501, %parallel_loop3A_502, %parallel_loop3A_503] {strides = array<i32>} : memref<24x8x128xf32, #tpu.memory_space<vmem>>, vector<16xf32>,
          tpu.vector_store %arg14[%parallel_loop3A_501, %parallel_loop3A_502, %parallel_loop3A_503], %parallel_loop3A_497 {strides = array<i32>} : memref<24x8x128xf32, #tpu.memory_space<vmem>>, vector<16xf32>,
        } {sc.loop_unroll_factor = 1 : i64, sc.parallel_access}
        %scan3A_383 = arith.constant 0 : i32
        scf.yield %scan3A_383 : i32
      }
      %scan3A_204 = arith.constant 8 : i32
      %mul3A_205 = arith.constant 50 : i32
      %mul3A_206 = arith.muli %add3A, %mul3A_205 : i32
      %add3A_207 = arith.addi %mul3A_206, %add3A_179 : i32
      %jit3A_208 = arith.constant 32 : i32
      %div3A_209 = arith.divsi %add3A_207, %jit3A_208 : i32
      %sign3A_210 = arith.constant 0 : i32
      %sign3A_211 = arith.cmpi sgt, %add3A_207, %sign3A_210 : i32
      %sign3A_212 = arith.extui %sign3A_211 : i1 to i32
      %sign3A_213 = arith.constant 0 : i32
      %sign3A_214 = arith.cmpi slt, %add3A_207, %sign3A_213 : i32
      %sign3A_215 = arith.extui %sign3A_214 : i1 to i32
      %sign3A_216 = arith.subi %sign3A_212, %sign3A_215 : i32
      %sign3A_217 = arith.constant 0 : i32
      %sign3A_218 = arith.cmpi sgt, %jit3A_208, %sign3A_217 : i32
      %sign3A_219 = arith.extui %sign3A_218 : i1 to i32
      %sign3A_220 = arith.constant 0 : i32
      %sign3A_221 = arith.cmpi slt, %jit3A_208, %sign3A_220 : i32
      %sign3A_222 = arith.extui %sign3A_221 : i1 to i32
      %sign3A_223 = arith.subi %sign3A_219, %sign3A_222 : i32
      %ne3A_224 = arith.cmpi ne, %sign3A_216, %sign3A_223 : i32
      %rem3A_225 = arith.remsi %add3A_207, %jit3A_208 : i32
      %ne3A_226 = arith.constant 0 : i32
      %ne3A_227 = arith.cmpi ne, %rem3A_225, %ne3A_226 : i32
      %and3A_228 = arith.andi %ne3A_224, %ne3A_227 : i1
      %sub3A_229 = arith.constant 1 : i32
      %sub3A_230 = arith.subi %div3A_209, %sub3A_229 : i32
      %select_n3A_231 = arith.select %and3A_228, %sub3A_230, %div3A_209 : i32
      %mul3A_232 = arith.constant 32 : i32
      %mul3A_233 = arith.muli %select_n3A_231, %mul3A_232 : i32
      %sub3A_234 = arith.subi %add3A_207, %mul3A_233 : i32
      %dma_start3A_235 = arith.constant 0 : i32
      %dma_start3A_236 = arith.constant 0 : i32
      %dma_start3A_237 = arith.constant 0 : i32
      %dma_start3A_238 = tpu.memref_slice %arg6[%select_n3A_231, %dma_start3A_235, %sub3A_234, %dma_start3A_236, %dma_start3A_237] : memref<50x24x32x8x128xf32, #tpu.memory_space<hbm>> -> memref<1x24x1x8x128xf32, #tpu.memory_space<hbm>>
      %dma_start3A_239 = tpu.memref_squeeze %dma_start3A_238 : memref<1x24x1x8x128xf32, #tpu.memory_space<hbm>> -> memref<24x8x128xf32, #tpu.memory_space<hbm>>
      %dma_start3A_240 = arith.constant 0 : i32
      %dma_start3A_241 = arith.constant 0 : i32
      %dma_start3A_242 = arith.constant 0 : i32
      %dma_start3A_243 = tpu.memref_slice %arg6[%select_n3A_231, %dma_start3A_240, %sub3A_234, %dma_start3A_241, %dma_start3A_242] : memref<50x24x32x8x128xf32, #tpu.memory_space<hbm>> -> memref<1x24x1x8x128xf32, #tpu.memory_space<hbm>>
      %dma_start3A_244 = tpu.memref_squeeze %dma_start3A_243 : memref<1x24x1x8x128xf32, #tpu.memory_space<hbm>> -> memref<24x8x128xf32, #tpu.memory_space<hbm>>
      tpu.enqueue_dma source(%arg14 : memref<24x8x128xf32, #tpu.memory_space<vmem>>) target(%dma_start3A_244 : memref<24x8x128xf32, #tpu.memory_space<hbm>>) target_semaphore(%arg18 : memref<!tpu.dma_semaphore, #tpu.memory_space<semaphore_mem>>)
      %scan3A_245 = arith.constant 0 : i32
      scf.yield %scan3A_245 : i32
    }
    %scan3A_35 = arith.constant 25 : i32
    %mul3A_36 = arith.constant 50 : i32
    %mul3A_37 = arith.muli %add3A, %mul3A_36 : i32
    %add3A_38 = arith.constant 48 : i32
    %add3A_39 = arith.addi %mul3A_37, %add3A_38 : i32
    %jit3A = arith.constant 32 : i32
    %div3A = arith.divsi %add3A_39, %jit3A : i32
    %sign3A = arith.constant 0 : i32
    %sign3A_40 = arith.cmpi sgt, %add3A_39, %sign3A : i32
    %sign3A_41 = arith.extui %sign3A_40 : i1 to i32
    %sign3A_42 = arith.constant 0 : i32
    %sign3A_43 = arith.cmpi slt, %add3A_39, %sign3A_42 : i32
    %sign3A_44 = arith.extui %sign3A_43 : i1 to i32
    %sign3A_45 = arith.subi %sign3A_41, %sign3A_44 : i32
    %sign3A_46 = arith.constant 0 : i32
    %sign3A_47 = arith.cmpi sgt, %jit3A, %sign3A_46 : i32
    %sign3A_48 = arith.extui %sign3A_47 : i1 to i32
    %sign3A_49 = arith.constant 0 : i32
    %sign3A_50 = arith.cmpi slt, %jit3A, %sign3A_49 : i32
    %sign3A_51 = arith.extui %sign3A_50 : i1 to i32
    %sign3A_52 = arith.subi %sign3A_48, %sign3A_51 : i32
    %ne3A = arith.cmpi ne, %sign3A_45, %sign3A_52 : i32
    %rem3A = arith.remsi %add3A_39, %jit3A : i32
    %ne3A_53 = arith.constant 0 : i32
    %ne3A_54 = arith.cmpi ne, %rem3A, %ne3A_53 : i32
    %and3A = arith.andi %ne3A, %ne3A_54 : i1
    %sub3A = arith.constant 1 : i32
    %sub3A_55 = arith.subi %div3A, %sub3A : i32
    %select_n3A = arith.select %and3A, %sub3A_55, %div3A : i32
    %mul3A_56 = arith.constant 32 : i32
    %mul3A_57 = arith.muli %select_n3A, %mul3A_56 : i32
    %sub3A_58 = arith.subi %add3A_39, %mul3A_57 : i32
    %dma_wait3A = arith.constant 0 : i32
    %dma_wait3A_59 = arith.constant 0 : i32
    %dma_wait3A_60 = arith.constant 0 : i32
    %dma_wait3A_61 = tpu.memref_slice %arg6[%select_n3A, %dma_wait3A, %sub3A_58, %dma_wait3A_59, %dma_wait3A_60] : memref<50x24x32x8x128xf32, #tpu.memory_space<hbm>> -> memref<1x24x1x8x128xf32, #tpu.memory_space<hbm>>
    %dma_wait3A_62 = tpu.memref_squeeze %dma_wait3A_61 : memref<1x24x1x8x128xf32, #tpu.memory_space<hbm>> -> memref<24x8x128xf32, #tpu.memory_space<hbm>>
    %dma_wait3A_63 = arith.constant 0 : i32
    %dma_wait3A_64 = arith.constant 0 : i32
    %dma_wait3A_65 = arith.constant 0 : i32
    %dma_wait3A_66 = tpu.memref_slice %arg6[%select_n3A, %dma_wait3A_63, %sub3A_58, %dma_wait3A_64, %dma_wait3A_65] : memref<50x24x32x8x128xf32, #tpu.memory_space<hbm>> -> memref<1x24x1x8x128xf32, #tpu.memory_space<hbm>>
    %dma_wait3A_67 = tpu.memref_squeeze %dma_wait3A_66 : memref<1x24x1x8x128xf32, #tpu.memory_space<hbm>> -> memref<24x8x128xf32, #tpu.memory_space<hbm>>
    tpu.wait_dma2 semaphore(%arg17 : memref<!tpu.dma_semaphore, #tpu.memory_space<semaphore_mem>>) src(%arg13 : memref<24x8x128xf32, #tpu.memory_space<vmem>>) dst(%dma_wait3A_67 : memref<24x8x128xf32, #tpu.memory_space<hbm>>)
    %mul3A_68 = arith.constant 50 : i32
    %mul3A_69 = arith.muli %add3A, %mul3A_68 : i32
    %add3A_70 = arith.constant 49 : i32
    %add3A_71 = arith.addi %mul3A_69, %add3A_70 : i32
    %jit3A_72 = arith.constant 32 : i32
    %div3A_73 = arith.divsi %add3A_71, %jit3A_72 : i32
    %sign3A_74 = arith.constant 0 : i32
    %sign3A_75 = arith.cmpi sgt, %add3A_71, %sign3A_74 : i32
    %sign3A_76 = arith.extui %sign3A_75 : i1 to i32
    %sign3A_77 = arith.constant 0 : i32
    %sign3A_78 = arith.cmpi slt, %add3A_71, %sign3A_77 : i32
    %sign3A_79 = arith.extui %sign3A_78 : i1 to i32
    %sign3A_80 = arith.subi %sign3A_76, %sign3A_79 : i32
    %sign3A_81 = arith.constant 0 : i32
    %sign3A_82 = arith.cmpi sgt, %jit3A_72, %sign3A_81 : i32
    %sign3A_83 = arith.extui %sign3A_82 : i1 to i32
    %sign3A_84 = arith.constant 0 : i32
    %sign3A_85 = arith.cmpi slt, %jit3A_72, %sign3A_84 : i32
    %sign3A_86 = arith.extui %sign3A_85 : i1 to i32
    %sign3A_87 = arith.subi %sign3A_83, %sign3A_86 : i32
    %ne3A_88 = arith.cmpi ne, %sign3A_80, %sign3A_87 : i32
    %rem3A_89 = arith.remsi %add3A_71, %jit3A_72 : i32
    %ne3A_90 = arith.constant 0 : i32
    %ne3A_91 = arith.cmpi ne, %rem3A_89, %ne3A_90 : i32
    %and3A_92 = arith.andi %ne3A_88, %ne3A_91 : i1
    %sub3A_93 = arith.constant 1 : i32
    %sub3A_94 = arith.subi %div3A_73, %sub3A_93 : i32
    %select_n3A_95 = arith.select %and3A_92, %sub3A_94, %div3A_73 : i32
    %mul3A_96 = arith.constant 32 : i32
    %mul3A_97 = arith.muli %select_n3A_95, %mul3A_96 : i32
    %sub3A_98 = arith.subi %add3A_71, %mul3A_97 : i32
    %dma_wait3A_99 = arith.constant 0 : i32
    %dma_wait3A_100 = arith.constant 0 : i32
    %dma_wait3A_101 = arith.constant 0 : i32
    %dma_wait3A_102 = tpu.memref_slice %arg6[%select_n3A_95, %dma_wait3A_99, %sub3A_98, %dma_wait3A_100, %dma_wait3A_101] : memref<50x24x32x8x128xf32, #tpu.memory_space<hbm>> -> memref<1x24x1x8x128xf32, #tpu.memory_space<hbm>>
    %dma_wait3A_103 = tpu.memref_squeeze %dma_wait3A_102 : memref<1x24x1x8x128xf32, #tpu.memory_space<hbm>> -> memref<24x8x128xf32, #tpu.memory_space<hbm>>
    %dma_wait3A_104 = arith.constant 0 : i32
    %dma_wait3A_105 = arith.constant 0 : i32
    %dma_wait3A_106 = arith.constant 0 : i32
    %dma_wait3A_107 = tpu.memref_slice %arg6[%select_n3A_95, %dma_wait3A_104, %sub3A_98, %dma_wait3A_105, %dma_wait3A_106] : memref<50x24x32x8x128xf32, #tpu.memory_space<hbm>> -> memref<1x24x1x8x128xf32, #tpu.memory_space<hbm>>
    %dma_wait3A_108 = tpu.memref_squeeze %dma_wait3A_107 : memref<1x24x1x8x128xf32, #tpu.memory_space<hbm>> -> memref<24x8x128xf32, #tpu.memory_space<hbm>>
    tpu.wait_dma2 semaphore(%arg18 : memref<!tpu.dma_semaphore, #tpu.memory_space<semaphore_mem>>) src(%arg14 : memref<24x8x128xf32, #tpu.memory_space<vmem>>) dst(%dma_wait3A_108 : memref<24x8x128xf32, #tpu.memory_space<hbm>>)
    return
  }
}

</mosaic_0001>

<sc_bundles>
// kernel: kernel.3.cloned.1.call-start
scs
__scs_entry_jumppad:
0x0: {  	(pc) =	sbr.rel $0x88, $3  }
0x1: {  	(tag) =	ssettag $0x0;
	lr =	simm.s32 $0x1  }
0x2: {  	[smem:$0x3F9D] =	sst lr;
	_ =	strace $0xD0000000  }
0x3: {  	_ = 	snop  }
0x4: {  	_ = 	snop  }
0x5: {  	_ = 	snop  }
0x6: {  	_ = 	snop  }
0x7: {  	_ = 	snop  }
__scs_overlays_trampoline_lowered:
0x8: {  	[smem:$0x3FAC] =	sst s0  }
0x9: {  	[smem:$0x3FAD] =	sst s1  }
0xa: {  	[smem:$0x3FAE] =	sst s2  }
0xb: {  	[smem:$0x3FAF] =	sst s3  }
0xc: {  	[smem:$0x3FB0] =	sst s4  }
0xd: {  	[smem:$0x3FB1] =	sst s5  }
0xe: {  	[smem:$0x3FB2] =	sst s6  }
0xf: {  	[smem:$0x3FB3] =	sst s7  }
0x10: {  	[smem:$0x3FB4] =	sst s8  }
0x11: {  	[smem:$0x3FB5] =	sst s9;
	s0 =	simm.s32 @!p0 $0x0  }
0x12: {  	s1 =	sld [smem:$0x3F9B];
	s0 =	simm.s32 @p0 $0x1  }
0x13: {  	[smem:$0x3FB6] =	sst s0;
	s0 =	simm.s32 @!p1 $0x0  }
0x14: {  	s2 =	sld [smem:$0x3F9A];
	s0 =	simm.s32 @p1 $0x1  }
0x15: {  	[smem:$0x3FB7] =	sst s0;
	s0 =	simm.s32 @!p2 $0x0  }
0x16: {  	s3 =	sld [smem:$0x3FDB];
	s0 =	simm.s32 @p2 $0x1  }
0x17: {  	s4 =	simm.s32 $0x1BF5;
	[smem:$0x3FB9] =	sst s0  }
0x18: {  	s0 =	sld [smem:$0x3F9C];
	_ =	swait.ge [sflag:s4], $0x0  }
0x19: {  	s7 =	sld [smem:$0x3F9D]  }
0x1a: {  	s8 =	sadd.s32 $0xFFFFE003, lr  }
0x1b: {  	s9 =	sadd.s32 $0xFFFFFEF7, lr;
	s5 =	simm.s32 $0xFFFFFFFF;
	p2 =	slt.u32 s8, $0xFFFFF086  }
0x1c: {  	p1 =	slt.u32 s9, $0xF7A;
	s5 =	simm.s32 @!p2 $0x0  }
0x1d: {  	s5 =	simm.s32 @p1 $0x1;
	p0 =	seq.s32 s7, s2  }
0x1e: {  	s7 =	smul.u32 @!p0 $0xF7A, s2;
	p2 =	seq.s32 @!p0 s5, $0x0  }
0x1f: {  	s9 =	smul.u32 $0xF7A, s1;
	s8 =	simm.s32 @!p0 $0x1BF5;
	p2 =	por !p2, p0  }
0x20: {  	[sflag:s8] =	ssyncset.s32 @!p0 $0xFFFFF086;
	s6 =	sadd.s32 @!p0 s3, s7;
	s7 =	simm.s32 @!p0 $0x108  }
0x21: {  	s3 =	sadd.s32 s3, s9;
	s6 =	sadd.s32 @!p0 $0x88, s6;
	s7 =	simm.s32 @p2 $0x1082  }
0x22: {  	[simem:s7], [sflag:s8] =	dma.local @!p0 [hbm:s6], $0xF7A  }
0x23: {  	s9 =	sor.u32 $0xD0000000, s2;
	s6 =	simm.s32 $0x108;
	_ =	swait.ge @!p0 [sflag:s8], $0x0  }
0x24: {  	s3 =	sadd.s32 $0x88, s3;
	s6 =	simm.s32 @!p1 $0x1082;
	[sflag:s4] =	ssyncset.s32 $0xFFFFF086  }
0x25: {  	[simem:s6], [sflag:s4] =	dma.local [hbm:s3], $0xF7A  }
0x26: {  	[smem:$0x3F9D] =	sst s1;
	(tag) =	ssettag s2;
	_ =	strace s9  }
0x27: {  	s1 =	sld [smem:$0x3FAD]  }
0x28: {  	s2 =	sld [smem:$0x3FAE]  }
0x29: {  	s4 =	sld [smem:$0x3FB0]  }
0x2a: {  	p0 =	seq.s32 s5, $0x0;
	s5 =	sld [smem:$0x3FB1]  }
0x2b: {  	s6 =	sld [smem:$0x3FB2]  }
0x2c: {  	s7 =	sld [smem:$0x3FB3]  }
0x2d: {  	s3 =	simm.s32 $0x108;
	s8 =	sld [smem:$0x3FB4]  }
0x2e: {  	s3 =	simm.s32 @!p0 $0x1082;
	s9 =	sld [smem:$0x3FB5]  }
0x2f: {  	lr =	sadd.s32 s0, s3;
	s0 =	sld [smem:$0x3FAC]  }
0x30: {  	s3 =	sld [smem:$0x3FAF]  }
0x31: {  	[smem:$0x3FB8] =	sst s10  }
0x32: {  	s10 =	sld [smem:$0x3FB6];
	_ =	sdelay $0x3  }
0x33: {  	p0 =	seq.s32 s10, $0x1;
	s10 =	sld [smem:$0x3FB8];
	_ =	sdelay $0x3  }
0x34: {  	[smem:$0x3FB8] =	sst s10  }
0x35: {  	s10 =	sld [smem:$0x3FB7];
	_ =	sdelay $0x3  }
0x36: {  	p1 =	seq.s32 s10, $0x1;
	s10 =	sld [smem:$0x3FB8];
	_ =	sdelay $0x3  }
0x37: {  	[smem:$0x3FB8] =	sst s10  }
0x38: {  	s10 =	sld [smem:$0x3FB9]  }
0x39: {  	_ = 	snop;
	(pc) =	sbr.ind lr, $3  }
0x3a: {  	_ = 	snop  }
0x3b: {  	_ = 	snop  }
0x3c: {  	p2 =	seq.s32 s10, $0x1;
	s10 =	sld [smem:$0x3FB8]  }
0x3d: {  	_ =	shalt  }
0x3e: {  	_ =	shalt  }
0x3f: {  	_ =	shalt  }
0x40: {  	_ =	shalt  }
0x41: {  	_ =	shalt  }
0x42: {  	_ =	shalt  }
0x43: {  	_ =	shalt  }
0x44: {  	_ =	shalt  }
0x45: {  	_ =	shalt  }
0x46: {  	_ =	shalt  }
0x47: {  	_ =	shalt  }
0x48: {  	_ =	shalt  }
0x49: {  	_ =	shalt  }
0x4a: {  	_ =	shalt  }
0x4b: {  	_ =	shalt  }
0x4c: {  	_ =	shalt  }
0x4d: {  	_ =	shalt  }
0x4e: {  	_ =	shalt  }
0x4f: {  	_ =	shalt  }
0x50: {  	_ =	shalt  }
0x51: {  	_ =	shalt  }
0x52: {  	_ =	shalt  }
0x53: {  	_ =	shalt  }
0x54: {  	_ =	shalt  }
0x55: {  	_ =	shalt  }
0x56: {  	_ =	shalt  }
0x57: {  	_ =	shalt  }
0x58: {  	_ =	shalt  }
0x59: {  	_ =	shalt  }
0x5a: {  	_ =	shalt  }
0x5b: {  	_ =	shalt  }
0x5c: {  	_ =	shalt  }
0x5d: {  	_ =	shalt  }
0x5e: {  	_ =	shalt  }
0x5f: {  	_ =	shalt  }
0x60: {  	_ =	shalt  }
0x61: {  	_ =	shalt  }
0x62: {  	_ =	shalt  }
0x63: {  	_ =	shalt  }
0x64: {  	_ =	shalt  }
0x65: {  	_ =	shalt  }
0x66: {  	_ =	shalt  }
0x67: {  	_ =	shalt  }
0x68: {  	_ =	shalt  }
0x69: {  	_ =	shalt  }
0x6a: {  	_ =	shalt  }
0x6b: {  	_ =	shalt  }
0x6c: {  	_ =	shalt  }
0x6d: {  	_ =	shalt  }
0x6e: {  	_ =	shalt  }
0x6f: {  	_ =	shalt  }
0x70: {  	_ =	shalt  }
0x71: {  	_ =	shalt  }
0x72: {  	_ =	shalt  }
0x73: {  	_ =	shalt  }
0x74: {  	_ =	shalt  }
0x75: {  	_ =	shalt  }
0x76: {  	_ =	shalt  }
0x77: {  	_ =	shalt  }
0x78: {  	_ =	shalt  }
0x79: {  	_ =	shalt  }
0x7a: {  	_ =	shalt  }
0x7b: {  	_ =	shalt  }
0x7c: {  	_ =	shalt  }
0x7d: {  	_ =	shalt  }
0x7e: {  	_ =	shalt  }
0x7f: {  	_ =	shalt  }
0x80: {  	_ =	shalt  }
0x81: {  	_ =	shalt  }
0x82: {  	_ =	shalt  }
0x83: {  	_ =	shalt  }
0x84: {  	_ =	shalt  }
0x85: {  	_ =	shalt  }
0x86: {  	_ =	shalt  }
0x87: {  	_ =	shalt  }
.Lfunc_end0:
.L_simem_size_0:
called_computation_lowered:
.L_overlay_start_0:
0x88: {  	s2 =	sld [smem:$0x3FD9]  }
0x89: {  	s3 =	sld [smem:$0x3FFE];
	_ =	sdelay $0x1  }
0x8a: {  	s1 =	srdreg.scid  }
0x8b: {  	s0 =	sand.u32 $0x1, s1  }
0x8c: {  	s17 =	sshll.u32 s0, $0xA;
	s2 =	sadd.s32 s3, s2  }
0x8d: {  	s2 =	sadd.s32 s2, s17  }
0x8e: {  	[smem:$0x3FC4] =	sst s2  }
0x8f: {  	_ = 	snop  }
0x90: {  	s2 =	sld [smem:$0x3FD0];
	(tm) =	ssettm $0x1  }
0x91: {  	s18 =	sld [smem:$0x3FFB];
	_ =	sdelay $0x3  }
0x92: {  	_ =	strace s18  }
0x93: {  	s3 =	sld [smem:$0x3FFC];
	_ =	sdelay $0x3  }
0x94: {  	_ =	strace s3  }
0x95: {  	s3 =	sld [smem:$0x3FFD];
	_ =	sdelay $0x3  }
0x96: {  	_ =	strace s3  }
0x97: {  	_ =	strace $0x8FFFFFFF  }
0x98: {  	s19 =	sld [smem:$0x3FDB];
	_ =	sdelay $0x1  }
0x99: {  	s4 =	simm.s32 $_scs_section_size  }
0x9a: {  	s5 =	simm.s32 $_size__tile_overlayer_lowered;
	s6 =	simm.s32 $_tile_overlayer_lowered  }
0x9b: {  	s22 =	simm.s32 $0x1BFF;
	s21 =	sshll.u32 s6, $0x1;
	s3 =	sadd.s32 s4, s19  }
0x9c: {  	s7 =	simm.s32 $0x0;
	s20 =	sshll.u32 s5, $0x1;
	s5 =	sadd.s32 s21, s3  }
0x9d: {  	[timem:s7], [sflag:s22] =	dma.local [hbm:s5], s20  }
0x9e: {  	_ =	swait.ge [sflag:s22], s20  }
0x9f: {  	s4 =	ssub.s32 $0x0, s20;
	[sflag:s22] =	ssyncset.done $0x0  }
0xa0: {  	[sflag:s22] =	ssyncadd.s32 s4;
	_ =	sdelay $0x1  }
0xa1: {  	s23 =	simm.s32 $0x1B8B  }
0xa2: {  	_ =	swait.ge [sflag:s23], $0x1  }
0xa3: {  	[sflag:s23] =	ssyncset.done $0x0  }
0xa4: {  	s25 =	simm.s32 $0x1B8E;
	s24 =	sld [smem:$0x3FFE];
	[sflag:s23] =	ssyncadd.s32 $0xFFFFFFFF  }
0xa5: {  	s26 =	simm.s32 $execute0_lowered;
	[smem:$0x3FD2] =	sst s25  }
0xa6: {  	s5 =	sshll.u32 s26, $0x1;
	_ =	strace $0x80000046;
	[dreg:$0x1] =	wrdreg $0xFFFFFFFF  }
0xa7: {  	s28 =	simm.s32 $_size_execute0_lowered;
	s3 =	sadd.s32 s3, s5;
	[dreg:$0x0] =	wrdreg $0x0  }
0xa8: {  	s5 =	sshll.u32 s28, $0x1;
	[dreg:$0x2] =	wrdreg s3  }
0xa9: {  	[dreg:$0x3] =	wrdreg s5  }
0xaa: {  	[dreg:$0x4] =	wrdreg $0xC0  }
0xab: {  	_ =	task [dreg:s7], $0x5FFFF  }
0xac: {  	[dreg:$0x1] =	wrdreg $0xFFFFFFFF  }
0xad: {  	[dreg:$0x0] =	wrdreg $0x60  }
0xae: {  	[dreg:$0x2] =	wrdreg s24  }
0xaf: {  	[dreg:$0x3] =	wrdreg s2  }
0xb0: {  	[dreg:$0x4] =	wrdreg $0x9  }
0xb1: {  	_ =	task.clear_ibuf [dreg:s7], $0x5FFFF;
	_ =	strace $0x90000046  }
0xb2: {  	s29 =	simm.s32 $0x9;
	_ =	strace $0x80000048  }
0xb3: {  	_ =	swait.ge [sflag:s29], $0x1  }
0xb4: {  	[sflag:s29] =	ssyncadd.s32 $0xFFFFFFFF  }
0xb5: {  	_ =	strace $0x90000048  }
0xb6: {  	_ =	sfence  }
0xb7: {  	s30 =	sld [smem:$0x0];
	_ =	sdelay $0x2  }
0xb8: {  	s31 =	sshll.u32 s1, $0xD;
	s1 =	sshrl.u32 s1, $0x2  }
0xb9: {  	s3 =	sand.u32 $0x4000, s31;
	s1 =	sadd.s32 s1, s30  }
0xba: {  	s0 =	sor.u32 s3, s0;
	s1 =	sshll.u32 s1, $0x11  }
0xbb: {  	s0 =	sor.u32 s1, s0  }
0xbc: {  	s0 =	sadd.s32 $0x8F2B, s0  }
0xbd: {  	[sflag:s0] =	ssyncadd.remote.s32 $0x1  }
0xbe: {  	_ =	sfence.sel $0xFFFF  }
0xbf: {  	[dreg:$0x0] =	wrdreg $0xFFFFFFFF;
	(pc) =	sbr.abs _section_cstart, $3  }
0xc0: {  	[dreg:$0x1] =	wrdreg $0xFFFFFFFF  }
0xc1: {  	_ =	task.clear_ibuf [dreg:s7], $0x2FFFF;
	_ =	strace $0x9FFFFFFF  }
0xc2: {  	(tm) =	ssettm $0x7FFFFFFF  }
0xc3: {  	_ =	shalt  }
tec
execute0_lowered:
.L_overlay_start_1:
0x0: {  	(tag) =	ssettag $0x1  }
0x1: {  	s0 =	rddreg [dreg:$0x0];
	s3 =	simm.s32 $0x0  }
0x2: {  	[smem:$0x7FF] =	sst s3  }
0x3: {  	s25 =	rddreg [dreg:$0x1];
	v0 =	vimm.f32 $1.000000000e+01;
	_ =	strace $0x80000047  }
0x4: {  	(erf) = vrcp.f32 v0  }
0x5: {  	s1 =	srdreg.scid;
	s2 =	stileid.u32  }
0x6: {  	s1 =	sand.u32 $0x1, s1;
	s2 =	sshll.u32 s2, $0x1  }
0x7: {  	s11 =	simm.s32 $0x5B80;
	s5 =	sadd.s32 $0x600, s0;
	s2 =	sor.u32 s1, s2  }
0x8: {  	s26 =	sadd.s32 $0x400, s0;
	[dreg:$0x3] =	wrdreg s5;
	s4 =	smul.u32 $0x320, s2  }
0x9: {  	s15 =	simm.s32 $0x9380;
	s1 =	ssub.s32 $0x2, s1;
	[dreg:$0x4] =	wrdreg s26  }
0xa: {  	s28 =	sshrl.u32 s1, $0x1;
	s4 =	sadd.s32 s4, s0;
	s0 =	sadd.s32 $0x7600, s0  }
0xb: {  	s29 =	ssub.s32 s1, s28;
	[dreg:$0x5] =	wrdreg s0;
	s30 =	sadd.s32 $0x1200, s4  }
0xc: {  	s16 =	simm.s32 $0xD380;
	v0 =	vlaneseq.u32;
	s0 =	smax.u32 s29, $0x1;
	[dreg:$0x6] =	wrdreg s30  }
0xd: {  	v2 =	vimm.s32 $0x0;
	s31 =	smul.u32 $0x32, s2;
	s2 =	simm.s32 $0x0;
	v3 =	vmul.u32 $0x80, v0;
	[dreg:$0x7] =	wrdreg s0;
	v1 =	vpop (erf)  }
.LBB2_1:
0xe: {  	[dreg:$0x8] =	wrdreg s2  }
0xf: {  	s0 =	rddreg [dreg:$0x3];
	s1 =	simm.s32 $0x5  }
0x10: {  	[tilespmem:s3], [sflag:$0x5] =	stream.linear.gather [hbm4b:s0+s3], $0x5B80, $0x38;
	[tilespmem:$0x1D380] =	vst v63  }
0x11: {  	_ =	swait.ge [sflag:s1], $0x5B80  }
0x12: {  	[sflag:s1] =	ssyncset.done $0x0  }
0x13: {  	s28 =	rddreg [dreg:$0x4];
	[sflag:s1] =	ssyncadd.s32 $0xFFFFA480  }
0x14: {  	[tilespmem:s11], [sflag:$0x5] =	stream.linear.gather [hbm4b:s28+s3], $0x600, $0x38;
	[tilespmem:$0x1D380] =	vst v63  }
0x15: {  	_ =	swait.ge [sflag:s1], $0x600  }
0x16: {  	[sflag:s1] =	ssyncset.done $0x0  }
0x17: {  	s30 =	simm.s32 $0x6180;
	s29 =	rddreg [dreg:$0x6];
	[sflag:s1] =	ssyncadd.s32 $0xFFFFFA00  }
0x18: {  	[tilespmem:s30], [sflag:$0x5] =	stream.linear.gather [hbm4b:s29+s3], $0x1900, $0x38;
	[tilespmem:$0x1D380] =	vst v63  }
0x19: {  	_ =	swait.ge [sflag:s1], $0x1900  }
0x1a: {  	[sflag:s1] =	ssyncset.done $0x0  }
0x1b: {  	s0 =	simm.s32 $0x0;
	[sflag:s1] =	ssyncadd.s32 $0xFFFFE700  }
.LBB2_2:
0x1c: {  	s1 =	sshll.u32 s0, $0x4  }
0x1d: {  	v4 =	vor.u32 s1, v0  }
0x1e: {  	v4 =	vmin.u32 v4, $0x16D  }
0x1f: {  	s29 =	simm.s32 $0x0;
	v4 =	vshll.u32 v4, $0x6  }
0x20: {  	v5 =	vor.u32 s29, v4;
	_ =	sdelay $0x3  }
0x21: {  	s30 =	simm.s32 $0x1  }
0x22: {  	v6 =	vor.u32 s30, v4;
	v7 =	vld.idx.msk [tilespmem:v5+s3+$0x0], $0xffff;
	_ =	sdelay $0x4  }
0x23: {  	s1 =	simm.s32 $0x2;
	v5 =	vimm.f32 $0.0e+00;
	v6 =	vld.idx.msk [tilespmem:v6+s3+$0x0], $0xffff;
	v7 =	vmul.f32 v7, v7  }
.LBB2_3:
0x24: {  	v8 =	vor.u32 s1, v4;
	p0 =	sne.s32 s1, $0x3F;
	s1 =	sadd.s32 $0x1, s1  }
.Ltmp0:
0x25: {  	v5 =	vadd.f32 v7, v5;
	(pc) =	sbr.rel @p0 .LBB2_3-.Ltmp0, $2  }
0x26: {  	_ =	sdelay $0x2  }
0x27: {  	v7 =	vmul.f32 v6, v6;
	v6 =	vld.idx.msk [tilespmem:v8+s3+$0x0], $0xffff  }
0x28: {  	_ =	sdelay $0x3  }
0x29: {  	v5 =	vadd.f32 v7, v5;
	v6 =	vmul.f32 v6, v6;
	_ =	sdelay $0x1  }
0x2a: {  	v5 =	vadd.f32 v6, v5;
	_ =	sdelay $0x1  }
0x2b: {  	v6 =	vshrl.u32 v5, $0x1;
	v7 =	vmul.f32 $5.000000000e-01, v5  }
0x2c: {  	v6 =	vsub.s32 $0x5F3759DF, v6  }
0x2d: {  	v8 =	vmul.f32 v6, v7;
	_ =	sdelay $0x1  }
0x2e: {  	v8 =	vmul.f32 v6, v8;
	_ =	sdelay $0x1  }
0x2f: {  	v8 =	vsub.f32 $1.500000000e+00, v8;
	_ =	sdelay $0x1  }
0x30: {  	v6 =	vmul.f32 v6, v8;
	_ =	sdelay $0x1  }
0x31: {  	v8 =	vmul.f32 v6, v7;
	_ =	sdelay $0x1  }
0x32: {  	v8 =	vmul.f32 v8, v6;
	_ =	sdelay $0x1  }
0x33: {  	v8 =	vsub.f32 $1.500000000e+00, v8;
	_ =	sdelay $0x1  }
0x34: {  	v6 =	vmul.f32 v8, v6;
	_ =	sdelay $0x1  }
0x35: {  	v7 =	vmul.f32 v6, v7;
	_ =	sdelay $0x1  }
0x36: {  	v7 =	vmul.f32 v7, v6;
	_ =	sdelay $0x1  }
0x37: {  	v7 =	vsub.f32 $1.500000000e+00, v7;
	_ =	sdelay $0x1  }
0x38: {  	v6 =	vmul.f32 v7, v6;
	_ =	sdelay $0x1  }
0x39: {  	v6 =	vmul.f32 v6, v5;
	_ =	sdelay $0x1  }
0x3a: {  	v5 =	vadd.f32 $1.000000010e-07, v6;
	_ =	sdelay $0x1  }
0x3b: {  	(erf) = vrcp.f32 v5  }
0x3c: {  	s1 =	simm.s32 $0x0  }
0x3d: {  	v5 =	vor.u32 s1, v4;
	_ =	sdelay $0x4  }
0x3e: {  	v8 =	vld.idx.msk [tilespmem:v5+s3+$0x0], $0xffff;
	_ =	sdelay $0x1  }
0x3f: {  	s30 =	simm.s32 $0x1;
	vm0 =	vgt.f32 v6, $1.000000000e+00;
	v6 =	vpop (erf)  }
0x40: {  	v7 =	vor.u32 s30, v4;
	s1 =	simm.s32 $0x2;
	v6 =	vnsel vm0, $0x3F800000, v6  }
.LBB2_5:
0x41: {  	p0 =	sne.s32 s1, $0x3F  }
0x42: {  	v8 =	vmul.f32 v8, v6;
	_ =	sdelay $0x1  }
0x43: {  	[tilespmem:v5+s3+$0x0] =	vst.idx.msk $0xffff, v8;
	v5 =	vmov v7  }
.Ltmp1:
0x44: {  	v8 =	vld.idx.msk [tilespmem:v7+s3+$0x0], $0xffff;
	(pc) =	sbr.rel @p0 .LBB2_5-.Ltmp1, $2  }
0x45: {  	_ =	sdelay $0x2  }
0x46: {  	v7 =	vor.u32 s1, v4;
	s1 =	sadd.s32 $0x1, s1  }
0x47: {  	_ =	sdelay $0x1  }
0x48: {  	v4 =	vmul.f32 v8, v6;
	_ =	sdelay $0x1  }
0x49: {  	[tilespmem:v5+s3+$0x0] =	vst.idx.msk $0xffff, v4  }
0x4a: {  	v4 =	vld.idx.msk [tilespmem:v7+s3+$0x0], $0xffff  }
0x4b: {  	s0 =	sadd.s32 $0x1, s0  }
0x4c: {  	p0 =	sne.s32 s0, $0x17  }
.Ltmp2:
0x4d: {  	_ = 	snop;
	(pc) =	sbr.rel @p0 .LBB2_2-.Ltmp2, $3  }
0x4e: {  	_ = 	snop  }
0x4f: {  	v4 =	vmul.f32 v4, v6;
	_ =	sdelay $0x1  }
0x50: {  	[tilespmem:v7+s3+$0x0] =	vst.idx.msk $0xffff, v4  }
0x51: {  	s0 =	simm.s32 $0x0;
	p1 =	por $0x1, $0x1;
	s1 =	simm.s32 $0x0  }
.LBB2_8:
0x52: {  	v4 =	vor.u32 s1, v0  }
0x53: {  	vm0 =	vlt.s32 v4, $0x17  }
0x54: {  	v4 =	vnsel vm0, $0x17, v4  }
0x55: {  	v4 =	vshll.u32 v4, $0x6  }
0x56: {  	v5 =	vor.u32 s0, v4;
	_ =	sdelay $0x3  }
0x57: {  	s30 =	simm.s32 $0x1  }
0x58: {  	v6 =	vor.u32 s30, v4;
	v7 =	vld.idx.msk [tilespmem:v5+s11+$0x0], $0xffff;
	_ =	sdelay $0x4  }
0x59: {  	p0 =	por p1, p1;
	s1 =	simm.s32 $0x2;
	v5 =	vimm.f32 $0.0e+00;
	v6 =	vld.idx.msk [tilespmem:v6+s11+$0x0], $0xffff;
	v7 =	vmul.f32 v7, v7  }
.LBB2_9:
0x5a: {  	v8 =	vor.u32 s1, v4;
	p1 =	sne.s32 s1, $0x3F;
	s1 =	sadd.s32 $0x1, s1  }
.Ltmp3:
0x5b: {  	v5 =	vadd.f32 v7, v5;
	(pc) =	sbr.rel @p1 .LBB2_9-.Ltmp3, $2  }
0x5c: {  	_ =	sdelay $0x2  }
0x5d: {  	v7 =	vmul.f32 v6, v6;
	v6 =	vld.idx.msk [tilespmem:v8+s11+$0x0], $0xffff  }
0x5e: {  	_ =	sdelay $0x3  }
0x5f: {  	v5 =	vadd.f32 v7, v5;
	v6 =	vmul.f32 v6, v6;
	_ =	sdelay $0x1  }
0x60: {  	v5 =	vadd.f32 v6, v5;
	_ =	sdelay $0x1  }
0x61: {  	v6 =	vshrl.u32 v5, $0x1;
	v7 =	vmul.f32 $5.000000000e-01, v5  }
0x62: {  	v6 =	vsub.s32 $0x5F3759DF, v6  }
0x63: {  	v8 =	vmul.f32 v6, v7;
	_ =	sdelay $0x1  }
0x64: {  	v8 =	vmul.f32 v6, v8;
	_ =	sdelay $0x1  }
0x65: {  	v8 =	vsub.f32 $1.500000000e+00, v8;
	_ =	sdelay $0x1  }
0x66: {  	v6 =	vmul.f32 v6, v8;
	_ =	sdelay $0x1  }
0x67: {  	v8 =	vmul.f32 v6, v7;
	_ =	sdelay $0x1  }
0x68: {  	v8 =	vmul.f32 v8, v6;
	_ =	sdelay $0x1  }
0x69: {  	v8 =	vsub.f32 $1.500000000e+00, v8;
	_ =	sdelay $0x1  }
0x6a: {  	v6 =	vmul.f32 v8, v6;
	_ =	sdelay $0x1  }
0x6b: {  	v7 =	vmul.f32 v6, v7;
	_ =	sdelay $0x1  }
0x6c: {  	v7 =	vmul.f32 v7, v6;
	_ =	sdelay $0x1  }
0x6d: {  	v7 =	vsub.f32 $1.500000000e+00, v7;
	_ =	sdelay $0x1  }
0x6e: {  	v6 =	vmul.f32 v7, v6;
	_ =	sdelay $0x1  }
0x6f: {  	v6 =	vmul.f32 v6, v5;
	_ =	sdelay $0x1  }
0x70: {  	v5 =	vadd.f32 $1.000000010e-07, v6;
	_ =	sdelay $0x1  }
0x71: {  	(erf) = vrcp.f32 v5  }
0x72: {  	s1 =	simm.s32 $0x0  }
0x73: {  	v5 =	vor.u32 s1, v4;
	_ =	sdelay $0x4  }
0x74: {  	v8 =	vld.idx.msk [tilespmem:v5+s11+$0x0], $0xffff;
	_ =	sdelay $0x1  }
0x75: {  	s30 =	simm.s32 $0x1;
	vm0 =	vgt.f32 v6, $1.000000000e+00;
	v6 =	vpop (erf)  }
0x76: {  	v7 =	vor.u32 s30, v4;
	s1 =	simm.s32 $0x2;
	v6 =	vnsel vm0, $0x3F800000, v6  }
.LBB2_11:
0x77: {  	p1 =	sne.s32 s1, $0x3F  }
0x78: {  	v8 =	vmul.f32 v8, v6;
	_ =	sdelay $0x1  }
0x79: {  	[tilespmem:v5+s11+$0x0] =	vst.idx.msk $0xffff, v8;
	v5 =	vmov v7  }
.Ltmp4:
0x7a: {  	v8 =	vld.idx.msk [tilespmem:v7+s11+$0x0], $0xffff;
	(pc) =	sbr.rel @p1 .LBB2_11-.Ltmp4, $2  }
0x7b: {  	_ =	sdelay $0x2  }
0x7c: {  	v7 =	vor.u32 s1, v4;
	s1 =	sadd.s32 $0x1, s1  }
0x7d: {  	_ =	sdelay $0x1  }
0x7e: {  	v4 =	vmul.f32 v8, v6;
	_ =	sdelay $0x1  }
0x7f: {  	[tilespmem:v5+s11+$0x0] =	vst.idx.msk $0xffff, v4  }
0x80: {  	v4 =	vld.idx.msk [tilespmem:v7+s11+$0x0], $0xffff;
	_ =	sdelay $0x2  }
.Ltmp5:
0x81: {  	_ = 	snop;
	(pc) =	sbr.rel @p0 .LBB2_8-.Ltmp5, $3  }
0x82: {  	_ = 	snop  }
0x83: {  	v4 =	vmul.f32 v4, v6;
	_ =	sdelay $0x1  }
0x84: {  	s1 =	simm.s32 $0x10;
	p1 =	por $0x0, $0x0;
	[tilespmem:v7+s11+$0x0] =	vst.idx.msk $0xffff, v4  }
0x85: {  	s1 =	simm.s32 $0x0  }
0x86: {  	v4 =	vld [tilespmem:s1+$0x61F0]  }
0x87: {  	v5 =	vld [tilespmem:s1+$0x6180]  }
0x88: {  	v6 =	vld [tilespmem:s1+$0x6190]  }
0x89: {  	v7 =	vld [tilespmem:s1+$0x61A0]  }
0x8a: {  	v9 =	vld [tilespmem:s1+$0x61C0]  }
0x8b: {  	v10 =	vld [tilespmem:s1+$0x61D0]  }
0x8c: {  	v11 =	vld [tilespmem:s1+$0x61E0];
	v4 =	vmul.f32 v4, v1  }
0x8d: {  	v5 =	vmul.f32 v5, v1  }
0x8e: {  	v8 =	vld [tilespmem:s1+$0x61B0];
	v6 =	vmul.f32 v6, v1;
	v4 =	vtrunc.f32 v4  }
0x8f: {  	v7 =	vmul.f32 v7, v1;
	v4 =	vcvt.f32.s32 v4  }
0x90: {  	v9 =	vmul.f32 v9, v1;
	v10 =	vmul.f32 v10, v1  }
0x91: {  	v11 =	vmul.f32 v11, v1;
	v6 =	vtrunc.f32 v6;
	v4 =	vshrl.u32 v4, $0x1  }
0x92: {  	s0 =	simm.s32 $0x80;
	v7 =	vtrunc.f32 v7;
	v9 =	vtrunc.f32 v9;
	[tilespmem:s1+$0x7AF0] =	vst v4  }
0x93: {  	v4 =	vtrunc.f32 v5;
	v5 =	vmul.f32 v8, v1;
	v8 =	vld [tilespmem:s0+$0x61F0]  }
0x94: {  	v10 =	vtrunc.f32 v10;
	v11 =	vtrunc.f32 v11;
	v12 =	vld [tilespmem:s0+$0x6180]  }
0x95: {  	v6 =	vcvt.f32.s32 v6;
	v4 =	vcvt.f32.s32 v4;
	v14 =	vld [tilespmem:s0+$0x61A0]  }
0x96: {  	v7 =	vcvt.f32.s32 v7;
	v9 =	vcvt.f32.s32 v9;
	v13 =	vld [tilespmem:s0+$0x6190]  }
0x97: {  	v11 =	vcvt.f32.s32 v11;
	v16 =	vld [tilespmem:s0+$0x61C0];
	v5 =	vtrunc.f32 v5;
	v4 =	vshrl.u32 v4, $0x1  }
0x98: {  	v15 =	vld [tilespmem:s0+$0x61B0];
	v5 =	vcvt.f32.s32 v5;
	[tilespmem:s1+$0x7A80] =	vst v4;
	v4 =	vshrl.u32 v6, $0x1;
	v6 =	vmul.f32 v8, v1  }
0x99: {  	v7 =	vshrl.u32 v7, $0x1;
	v17 =	vld [tilespmem:s0+$0x61D0];
	[tilespmem:s1+$0x7A90] =	vst v4;
	v8 =	vcvt.f32.s32 v10;
	v10 =	vmul.f32 v12, v1  }
0x9a: {  	v5 =	vshrl.u32 v5, $0x1;
	v4 =	vld [tilespmem:s0+$0x61E0];
	[tilespmem:s1+$0x7AA0] =	vst v7;
	v7 =	vmul.f32 v14, v1;
	v6 =	vtrunc.f32 v6  }
0x9b: {  	[tilespmem:s1+$0x7AB0] =	vst v5;
	v5 =	vtrunc.f32 v10;
	v10 =	vshrl.u32 v8, $0x1;
	v62 =	vcvt.f32.s32 v6  }
0x9c: {  	v61 =	vmul.f32 v13, v1;
	v8 =	vmul.f32 v16, v1;
	v6 =	vshrl.u32 v9, $0x1;
	[tilespmem:s1+$0x7AD0] =	vst v10  }
0x9d: {  	v7 =	vtrunc.f32 v7;
	v9 =	vmul.f32 v15, v1;
	[tilespmem:s1+$0x7AC0] =	vst v6;
	v63 =	vshrl.u32 v62, $0x1  }
0x9e: {  	s2 =	simm.s32 $0x100;
	s4 =	simm.s32 $0x600;
	v11 =	vshrl.u32 v11, $0x1;
	v6 =	vtrunc.f32 v61;
	v10 =	vmul.f32 v17, v1;
	[tilespmem:s0+$0x7AF0] =	vst v63  }
.LBB2_14:
0x9f: {  	p0 =	sne.s32 s4, $0x6200;
	v12 =	vld [tilespmem:s2+$0x61F0];
	v9 =	vtrunc.f32 v9;
	v4 =	vmul.f32 v4, v1;
	[tilespmem:s1+$0x7AE0] =	vst v11;
	s1 =	smov.u32 s0;
	s0 =	smov.u32 s2  }
0xa0: {  	v8 =	vtrunc.f32 v8;
	v11 =	vld [tilespmem:s0+$0x6180];
	v10 =	vtrunc.f32 v10  }
0xa1: {  	v5 =	vcvt.f32.s32 v5;
	v13 =	vld [tilespmem:s0+$0x6190];
	v4 =	vtrunc.f32 v4  }
0xa2: {  	v6 =	vcvt.f32.s32 v6;
	v7 =	vcvt.f32.s32 v7;
	v14 =	vld [tilespmem:s0+$0x61A0]  }
0xa3: {  	v9 =	vcvt.f32.s32 v9;
	v8 =	vcvt.f32.s32 v8;
	v5 =	vshrl.u32 v5, $0x1;
	v15 =	vld [tilespmem:s0+$0x61B0]  }
0xa4: {  	v16 =	vld [tilespmem:s0+$0x61C0];
	v12 =	vmul.f32 v12, v1;
	[tilespmem:s1+$0x7A80] =	vst v5;
	v5 =	vshrl.u32 v6, $0x1;
	v6 =	vcvt.f32.s32 v10  }
0xa5: {  	v17 =	vcvt.f32.s32 v4;
	v10 =	vmul.f32 v11, v1;
	v11 =	vld [tilespmem:s0+$0x61D0];
	[tilespmem:s1+$0x7A90] =	vst v5;
	v5 =	vshrl.u32 v7, $0x1  }
.Ltmp6:
0xa6: {  	v7 =	vmul.f32 v13, v1;
	v4 =	vld [tilespmem:s0+$0x61E0];
	v12 =	vtrunc.f32 v12;
	[tilespmem:s1+$0x7AA0] =	vst v5;
	v5 =	vshrl.u32 v9, $0x1;
	(pc) =	sbr.rel @p0 .LBB2_14-.Ltmp6, $4  }
0xa7: {  	v8 =	vshrl.u32 v8, $0x1;
	v13 =	vmul.f32 v14, v1;
	v12 =	vcvt.f32.s32 v12;
	[tilespmem:s1+$0x7AB0] =	vst v5  }
0xa8: {  	v5 =	vtrunc.f32 v10;
	v10 =	vshrl.u32 v6, $0x1;
	v9 =	vmul.f32 v15, v1;
	[tilespmem:s1+$0x7AC0] =	vst v8  }
0xa9: {  	v6 =	vtrunc.f32 v7;
	v8 =	vmul.f32 v16, v1;
	v12 =	vshrl.u32 v12, $0x1;
	[tilespmem:s1+$0x7AD0] =	vst v10  }
0xaa: {  	s2 =	sshra.s32 s4, $0x2;
	s4 =	sadd.s32 $0x200, s4;
	v7 =	vtrunc.f32 v13;
	v10 =	vmul.f32 v11, v1;
	[tilespmem:s0+$0x7AF0] =	vst v12;
	v11 =	vshrl.u32 v17, $0x1  }
0xab: {  	v12 =	vld [tilespmem:s2+$0x61F0];
	[tilespmem:s1+$0x7AE0] =	vst v11  }
0xac: {  	v9 =	vtrunc.f32 v9;
	v11 =	vld [tilespmem:s2+$0x6180]  }
0xad: {  	v4 =	vmul.f32 v4, v1;
	v8 =	vtrunc.f32 v8;
	v13 =	vld [tilespmem:s2+$0x6190]  }
0xae: {  	v5 =	vcvt.f32.s32 v5;
	v6 =	vcvt.f32.s32 v6;
	v14 =	vld [tilespmem:s2+$0x61A0]  }
0xaf: {  	v7 =	vcvt.f32.s32 v7;
	v10 =	vtrunc.f32 v10;
	v15 =	vld [tilespmem:s2+$0x61B0]  }
0xb0: {  	v9 =	vcvt.f32.s32 v9;
	v16 =	vld [tilespmem:s2+$0x61C0];
	v8 =	vcvt.f32.s32 v8  }
0xb1: {  	v4 =	vtrunc.f32 v4;
	v5 =	vshrl.u32 v5, $0x1;
	v52 =	vcvt.f32.s32 v10  }
0xb2: {  	[tilespmem:s0+$0x7A80] =	vst v5;
	v5 =	vshrl.u32 v6, $0x1;
	v4 =	vcvt.f32.s32 v4;
	v12 =	vmul.f32 v12, v1  }
0xb3: {  	v54 =	vld [tilespmem:s2+$0x61D0];
	[tilespmem:s0+$0x7A90] =	vst v5;
	v53 =	vmul.f32 v11, v1;
	v5 =	vmul.f32 v13, v1  }
0xb4: {  	v7 =	vshrl.u32 v7, $0x1;
	v14 =	vmul.f32 v14, v1;
	v59 =	vmul.f32 v15, v1  }
0xb5: {  	v56 =	vshrl.u32 v9, $0x1;
	v55 =	vld [tilespmem:s2+$0x61E0];
	[tilespmem:s0+$0x7AA0] =	vst v7;
	v60 =	vmul.f32 v16, v1;
	v12 =	vtrunc.f32 v12  }
0xb6: {  	v58 =	vshrl.u32 v8, $0x1;
	[tilespmem:s0+$0x7AB0] =	vst v56;
	v57 =	vcvt.f32.s32 v12;
	v10 =	vtrunc.f32 v53  }
0xb7: {  	v6 =	vshrl.u32 v52, $0x1;
	[tilespmem:s0+$0x7AC0] =	vst v58;
	v5 =	vtrunc.f32 v5;
	v61 =	vtrunc.f32 v14  }
0xb8: {  	[tilespmem:s0+$0x7AD0] =	vst v6;
	v8 =	vtrunc.f32 v59;
	v10 =	vcvt.f32.s32 v10;
	v9 =	vshrl.u32 v57, $0x1  }
0xb9: {  	v4 =	vshrl.u32 v4, $0x1;
	v7 =	vtrunc.f32 v60;
	v5 =	vcvt.f32.s32 v5;
	[tilespmem:s2+$0x7AF0] =	vst v9  }
0xba: {  	v62 =	vmul.f32 v54, v1;
	v10 =	vshrl.u32 v10, $0x1;
	[tilespmem:s0+$0x7AE0] =	vst v4;
	v4 =	vcvt.f32.s32 v61  }
0xbb: {  	v8 =	vcvt.f32.s32 v8;
	v63 =	vmul.f32 v55, v1;
	v5 =	vshrl.u32 v5, $0x1;
	[tilespmem:s2+$0x7A80] =	vst v10  }
0xbc: {  	v7 =	vcvt.f32.s32 v7;
	v6 =	vtrunc.f32 v62;
	[tilespmem:s2+$0x7A90] =	vst v5;
	v4 =	vshrl.u32 v4, $0x1  }
0xbd: {  	v6 =	vcvt.f32.s32 v6;
	v5 =	vtrunc.f32 v63;
	[tilespmem:s2+$0x7AA0] =	vst v4;
	v4 =	vshrl.u32 v8, $0x1  }
0xbe: {  	v5 =	vcvt.f32.s32 v5;
	[tilespmem:s2+$0x7AB0] =	vst v4;
	v4 =	vshrl.u32 v7, $0x1  }
0xbf: {  	[tilespmem:s2+$0x7AC0] =	vst v4;
	v4 =	vshrl.u32 v6, $0x1  }
0xc0: {  	s28 =	rddreg [dreg:$0x5];
	[tilespmem:s2+$0x7AD0] =	vst v4;
	v4 =	vshrl.u32 v5, $0x1  }
0xc1: {  	s29 =	simm.s32 $0x80;
	s30 =	simm.s32 $0x7A80;
	s26 =	simm.s32 $0x0;
	[tilespmem:s2+$0x7AE0] =	vst v4  }
0xc2: {  	[tilespmem:s15], [sflag:$0x1] =	stream.indirect.gather [hbm4b:s28+s29], $0x80, s30, s29, $0xb8;
	[tilespmem:$0x1D380] =	vst v63  }
.LBB2_16:
0xc3: {  	s0 =	sshllo.u32 s26, $0x1  }
0xc4: {  	[dreg:$0x9] =	wrdreg s0;
	s0 =	sshll.u32 s0, $0x9  }
0xc5: {  	s1 =	rddreg [dreg:$0x5];
	s29 =	sshrl.u32 s0, $0x2  }
0xc6: {  	s2 =	simm.s32 $0x80;
	s23 =	simm.s32 $0x1;
	s0 =	sadd.s32 $0x7A80, s29  }
0xc7: {  	[tilespmem:s16], [sflag:$0x2] =	stream.indirect.gather [hbm4b:s1+s2], $0x80, s0, s2, $0xb8;
	[tilespmem:$0x1D380] =	vst v63  }
0xc8: {  	s28 =	smov.u32 s31;
	_ =	swait.ge [sflag:s23], $0x4000  }
0xc9: {  	s8 =	smov.u32 s25;
	p0 =	seq.s32 s26, $0x0;
	[sflag:s23] =	ssyncset.done $0x0  }
0xca: {  	s24 =	sshll.u32 s26, $0xA;
	s0 =	simm.s32 @!p0 $0x3;
	[sflag:s23] =	ssyncadd.s32 $0xFFFFC000  }
0xcb: {  	s31 =	sshll.u32 s26, $0x1;
	s30 =	sshrl.u32 s24, $0x2;
	_ =	swait.ge @!p0 [sflag:s0], $0x6000  }
0xcc: {  	s12 =	simm.s32 $0x0;
	s25 =	sadd.s32 $0x6180, s30;
	[sflag:s0] =	ssyncset.done @!p0 $0x0  }
0xcd: {  	s24 =	simm.s32 $0x13380;
	v4 =	vmov s25;
	s1 =	simm.s32 $0x11380;
	[sflag:s0] =	ssyncadd.s32 @!p0 $0xFFFFA000  }
.LBB2_17:
0xce: {  	_ =	sdelay $0x2  }
0xcf: {  	s14 =	sshll.u32 s12, $0x4  }
0xd0: {  	v5 =	vld.idx.msk [tilespmem:v4+s14+$0x0 ss:$0x1], $0xffff;
	_ =	sdelay $0x4  }
0xd1: {  	v6 =	vmul.f32 $2.400000000e+01, v5;
	_ =	sdelay $0x1  }
0xd2: {  	v6 =	vtrunc.f32 v6  }
0xd3: {  	v6 =	vcvt.f32.s32 v6;
	_ =	sdelay $0x1  }
0xd4: {  	v7 =	vcvt.s32.f32 v6;
	_ =	sdelay $0x1  }
0xd5: {  	v7 =	vmul.f32 $4.166666790e-02, v7;
	_ =	sdelay $0x1  }
0xd6: {  	v7 =	vtrunc.f32 v7  }
0xd7: {  	v7 =	vcvt.f32.s32 v7;
	_ =	sdelay $0x1  }
0xd8: {  	v8 =	vmul.u32 $0x18, v7;
	_ =	sdelay $0x1  }
0xd9: {  	vm0 =	vgt.s32 v8, v6  }
0xda: {  	v8 =	vsel vm0, $0xFFFFFFFF, v2  }
0xdb: {  	v7 =	vadd.s32 v7, v8  }
0xdc: {  	v8 =	vmul.u32 $0x18, v7;
	_ =	sdelay $0x1  }
0xdd: {  	v8 =	vadd.s32 $0x18, v8  }
0xde: {  	vm13 =	vle.s32 v8, v6  }
0xdf: {  	v8 =	vsel vm13, $0x1, v2  }
0xe0: {  	v8 =	vadd.s32 v8, v7  }
0xe1: {  	v7 =	vcvt.s32.f32 v8;
	_ =	sdelay $0x1  }
0xe2: {  	v7 =	vmul.f32 $2.732240360e-03, v7;
	_ =	sdelay $0x1  }
0xe3: {  	v7 =	vtrunc.f32 v7  }
0xe4: {  	v7 =	vcvt.f32.s32 v7;
	_ =	sdelay $0x1  }
0xe5: {  	v9 =	vmul.u32 $0x16E, v7;
	_ =	sdelay $0x1  }
0xe6: {  	vm14 =	vgt.s32 v9, v8  }
0xe7: {  	v9 =	vsel vm14, $0xFFFFFFFF, v2  }
0xe8: {  	v7 =	vadd.s32 v7, v9  }
0xe9: {  	v9 =	vmul.u32 $0x16E, v7;
	_ =	sdelay $0x1  }
0xea: {  	v9 =	vadd.s32 $0x16E, v9  }
0xeb: {  	vm15 =	vle.s32 v9, v8  }
0xec: {  	v9 =	vsel vm15, $0x1, v2  }
0xed: {  	v7 =	vadd.s32 v9, v7  }
0xee: {  	v7 =	vmul.u32 $0x3FFFE92, v7;
	_ =	sdelay $0x1  }
0xef: {  	v7 =	vadd.s32 v8, v7  }
0xf0: {  	s0 =	simm.s32 $0x0;
	v7 =	vshll.u32 v7, $0x6  }
0xf1: {  	v9 =	vor.u32 s0, v7;
	_ =	sdelay $0x1  }
0xf2: {  	v8 =	vmul.u32 $0x3FFFFE8, v8;
	_ =	sdelay $0x1  }
0xf3: {  	v6 =	vadd.s32 v6, v8  }
0xf4: {  	v6 =	vshll.u32 v6, $0x6;
	v8 =	vld.idx.msk [tilespmem:v9+s3+$0x0], $0xffff  }
0xf5: {  	v9 =	vor.u32 s0, v6;
	_ =	sdelay $0x3  }
0xf6: {  	[tilespmem:s24+$0xFFFFE000] =	vst v8  }
0xf7: {  	s4 =	simm.s32 $0x1;
	v8 =	vld.idx.msk [tilespmem:v9+s11+$0x0], $0xffff  }
0xf8: {  	v9 =	vor.u32 s4, v7;
	_ =	sdelay $0x3  }
0xf9: {  	s2 =	simm.s32 $0x8;
	[tilespmem:s24+$0x0] =	vst v8  }
0xfa: {  	v8 =	vld.idx.msk [tilespmem:v9+s3+$0x0], $0xffff;
	v9 =	vor.u32 s2, v7  }
0xfb: {  	v10 =	vor.u32 s4, v6;
	_ =	sdelay $0x3  }
0xfc: {  	v9 =	vld.idx.msk [tilespmem:v9+s3+$0x0], $0xffff;
	[tilespmem:s24+$0xFFFFE080] =	vst v8  }
0xfd: {  	s5 =	simm.s32 $0x2;
	v8 =	vld.idx.msk [tilespmem:v10+s11+$0x0], $0xffff;
	v10 =	vor.u32 s2, v6  }
0xfe: {  	v11 =	vor.u32 s5, v7;
	_ =	sdelay $0x1  }
0xff: {  	s4 =	sadd.s32 $0x400, s24  }
0x100: {  	[tilespmem:s4+$0xFFFFE000] =	vst v9  }
0x101: {  	s6 =	simm.s32 $0x9;
	v9 =	vld.idx.msk [tilespmem:v10+s11+$0x0], $0xffff;
	[tilespmem:s24+$0x80] =	vst v8  }
0x102: {  	v10 =	vor.u32 s6, v7;
	v8 =	vld.idx.msk [tilespmem:v11+s3+$0x0], $0xffff  }
0x103: {  	v11 =	vor.u32 s5, v6;
	_ =	sdelay $0x2  }
0x104: {  	s7 =	simm.s32 $0x10;
	[tilespmem:s4+$0x0] =	vst v9  }
0x105: {  	v9 =	vld.idx.msk [tilespmem:v10+s3+$0x0], $0xffff;
	[tilespmem:s24+$0xFFFFE100] =	vst v8;
	v8 =	vor.u32 s7, v7  }
0x106: {  	s9 =	simm.s32 $0x3;
	v10 =	vld.idx.msk [tilespmem:v11+s11+$0x0], $0xffff;
	v11 =	vor.u32 s6, v6  }
0x107: {  	v12 =	vor.u32 s9, v7;
	_ =	sdelay $0x2  }
0x108: {  	v8 =	vld.idx.msk [tilespmem:v8+s3+$0x0], $0xffff;
	[tilespmem:s4+$0xFFFFE080] =	vst v9  }
0x109: {  	s10 =	simm.s32 $0xA;
	v9 =	vld.idx.msk [tilespmem:v11+s11+$0x0], $0xffff;
	[tilespmem:s24+$0x100] =	vst v10;
	v10 =	vor.u32 s7, v6  }
0x10a: {  	v11 =	vld.idx.msk [tilespmem:v12+s3+$0x0], $0xffff;
	v12 =	vor.u32 s10, v7  }
0x10b: {  	v13 =	vor.u32 s9, v6  }
0x10c: {  	s5 =	sadd.s32 $0x400, s4  }
0x10d: {  	[tilespmem:s5+$0xFFFFE000] =	vst v8  }
0x10e: {  	s13 =	simm.s32 $0x11;
	v8 =	vld.idx.msk [tilespmem:v10+s11+$0x0], $0xffff;
	[tilespmem:s4+$0x80] =	vst v9  }
0x10f: {  	v10 =	vor.u32 s13, v7;
	v9 =	vld.idx.msk [tilespmem:v12+s3+$0x0], $0xffff;
	[tilespmem:s24+$0xFFFFE180] =	vst v11  }
0x110: {  	s17 =	simm.s32 $0x4;
	v12 =	vor.u32 s10, v6;
	v11 =	vld.idx.msk [tilespmem:v13+s11+$0x0], $0xffff  }
0x111: {  	v13 =	vor.u32 s17, v7  }
0x112: {  	s7 =	simm.s32 $0x18  }
0x113: {  	[tilespmem:s5+$0x0] =	vst v8;
	v8 =	vor.u32 s7, v7  }
0x114: {  	v10 =	vld.idx.msk [tilespmem:v10+s3+$0x0], $0xffff;
	[tilespmem:s4+$0xFFFFE100] =	vst v9  }
0x115: {  	s18 =	simm.s32 $0xB;
	v9 =	vld.idx.msk [tilespmem:v12+s11+$0x0], $0xffff;
	[tilespmem:s24+$0x180] =	vst v11;
	v11 =	vor.u32 s13, v6  }
0x116: {  	v12 =	vld.idx.msk [tilespmem:v13+s3+$0x0], $0xffff;
	v13 =	vor.u32 s18, v7  }
0x117: {  	v14 =	vor.u32 s17, v6  }
0x118: {  	v8 =	vld.idx.msk [tilespmem:v8+s3+$0x0], $0xffff  }
0x119: {  	[tilespmem:s5+$0xFFFFE080] =	vst v10;
	v10 =	vor.u32 s7, v6  }
0x11a: {  	s19 =	simm.s32 $0x12;
	v11 =	vld.idx.msk [tilespmem:v11+s11+$0x0], $0xffff;
	[tilespmem:s4+$0x100] =	vst v9  }
0x11b: {  	v9 =	vld.idx.msk [tilespmem:v13+s3+$0x0], $0xffff;
	[tilespmem:s24+$0xFFFFE200] =	vst v12;
	v12 =	vor.u32 s19, v7  }
0x11c: {  	s20 =	simm.s32 $0x5;
	s7 =	sadd.s32 $0x400, s5;
	v13 =	vld.idx.msk [tilespmem:v14+s11+$0x0], $0xffff;
	v14 =	vor.u32 s18, v6  }
0x11d: {  	v15 =	vor.u32 s20, v7;
	[tilespmem:s7+$0xFFFFE000] =	vst v8  }
0x11e: {  	s9 =	simm.s32 $0x19;
	v8 =	vld.idx.msk [tilespmem:v10+s11+$0x0], $0xffff  }
0x11f: {  	v10 =	vor.u32 s9, v7;
	[tilespmem:s5+$0x80] =	vst v11  }
0x120: {  	v11 =	vld.idx.msk [tilespmem:v12+s3+$0x0], $0xffff;
	[tilespmem:s4+$0xFFFFE180] =	vst v9  }
0x121: {  	s21 =	simm.s32 $0xC;
	v12 =	vor.u32 s19, v6;
	v9 =	vld.idx.msk [tilespmem:v14+s11+$0x0], $0xffff;
	[tilespmem:s24+$0x200] =	vst v13  }
0x122: {  	v14 =	vor.u32 s21, v7;
	v13 =	vld.idx.msk [tilespmem:v15+s3+$0x0], $0xffff  }
0x123: {  	s22 =	simm.s32 $0x20;
	v15 =	vor.u32 s20, v6;
	[tilespmem:s7+$0x0] =	vst v8  }
0x124: {  	v8 =	vld.idx.msk [tilespmem:v10+s3+$0x0], $0xffff;
	v10 =	vor.u32 s22, v7  }
0x125: {  	[tilespmem:s5+$0xFFFFE100] =	vst v11;
	v11 =	vor.u32 s9, v6  }
0x126: {  	s23 =	simm.s32 $0x13;
	v12 =	vld.idx.msk [tilespmem:v12+s11+$0x0], $0xffff;
	[tilespmem:s4+$0x180] =	vst v9  }
0x127: {  	v9 =	vld.idx.msk [tilespmem:v14+s3+$0x0], $0xffff;
	[tilespmem:s24+$0xFFFFE280] =	vst v13;
	v13 =	vor.u32 s23, v7  }
0x128: {  	s25 =	simm.s32 $0x6;
	v14 =	vld.idx.msk [tilespmem:v15+s11+$0x0], $0xffff;
	v15 =	vor.u32 s21, v6  }
0x129: {  	v16 =	vor.u32 s25, v7;
	v10 =	vld.idx.msk [tilespmem:v10+s3+$0x0], $0xffff;
	[tilespmem:s7+$0xFFFFE080] =	vst v8  }
0x12a: {  	v8 =	vld.idx.msk [tilespmem:v11+s11+$0x0], $0xffff;
	v11 =	vor.u32 s22, v6  }
0x12b: {  	s18 =	simm.s32 $0x1A;
	[tilespmem:s5+$0x100] =	vst v12  }
0x12c: {  	v12 =	vor.u32 s18, v7;
	v13 =	vld.idx.msk [tilespmem:v13+s3+$0x0], $0xffff;
	[tilespmem:s4+$0xFFFFE200] =	vst v9  }
0x12d: {  	s19 =	simm.s32 $0xD;
	s9 =	sadd.s32 $0x400, s7;
	v9 =	vld.idx.msk [tilespmem:v15+s11+$0x0], $0xffff;
	[tilespmem:s24+$0x280] =	vst v14;
	v14 =	vor.u32 s23, v6  }
0x12e: {  	v15 =	vld.idx.msk [tilespmem:v16+s3+$0x0], $0xffff;
	v16 =	vor.u32 s19, v7;
	[tilespmem:s9+$0xFFFFE000] =	vst v10  }
0x12f: {  	v17 =	vor.u32 s25, v6;
	v11 =	vld.idx.msk [tilespmem:v11+s11+$0x0], $0xffff  }
0x130: {  	s17 =	simm.s32 $0x21;
	[tilespmem:s7+$0x80] =	vst v8  }
0x131: {  	v19 =	vor.u32 s17, v7;
	v18 =	vld.idx.msk [tilespmem:v12+s3+$0x0], $0xffff;
	[tilespmem:s5+$0xFFFFE180] =	vst v13  }
0x132: {  	s22 =	simm.s32 $0x14;
	v12 =	vld.idx.msk [tilespmem:v14+s11+$0x0], $0xffff;
	[tilespmem:s4+$0x200] =	vst v9;
	v14 =	vor.u32 s18, v6  }
0x133: {  	s25 =	simm.s32 $0x2F;
	v13 =	vor.u32 s22, v7;
	v10 =	vld.idx.msk [tilespmem:v16+s3+$0x0], $0xffff;
	[tilespmem:s24+$0xFFFFE300] =	vst v15  }
0x134: {  	s0 =	smov.u32 s24;
	s2 =	simm.s32 $0x7;
	s10 =	simm.s32 $0x27;
	v8 =	vld.idx.msk [tilespmem:v17+s11+$0x0], $0xffff;
	[tilespmem:s9+$0x0] =	vst v11;
	v11 =	vor.u32 s19, v6  }
0x135: {  	s13 =	simm.s32 $0x1F;
	s20 =	simm.s32 $0xF;
	s21 =	simm.s32 $0x28;
	v9 =	vor.u32 s2, v7  }
0x136: {  	s23 =	simm.s32 $0x17;
	s18 =	simm.s32 $0x37;
	s19 =	smov.u32 s9;
	v15 =	vld.idx.msk [tilespmem:v19+s3+$0x0], $0xffff;
	[tilespmem:s7+$0xFFFFE100] =	vst v18  }
.LBB2_18:
0x137: {  	p1 =	sne.s32 s18, $0x3F;
	v16 =	vor.u32 s21, v7;
	v14 =	vld.idx.msk [tilespmem:v14+s11+$0x0], $0xffff;
	[tilespmem:s5+$0x180] =	vst v12  }
0x138: {  	v12 =	vor.u32 s17, v6;
	s17 =	sadd.s32 $0xFFFFFFFC, s13;
	v13 =	vld.idx.msk [tilespmem:v13+s3+$0x0], $0xffff;
	[tilespmem:s4+$0xFFFFE280] =	vst v10  }
0x139: {  	v10 =	vor.u32 s17, v7;
	v11 =	vld.idx.msk [tilespmem:v11+s11+$0x0], $0xffff;
	[tilespmem:s0+$0x300] =	vst v8  }
0x13a: {  	v8 =	vor.u32 s22, v6;
	s22 =	sadd.s32 $0xFFFFFFFF, s20;
	v9 =	vld.idx.msk [tilespmem:v9+s3+$0x0], $0xffff  }
0x13b: {  	v17 =	vor.u32 s22, v7  }
0x13c: {  	v16 =	vld.idx.msk [tilespmem:v16+s3+$0x0], $0xffff;
	[tilespmem:s9+$0xFFFFE080] =	vst v15;
	v15 =	vor.u32 s2, v6;
	s2 =	smov.u32 s20;
	s20 =	smov.u32 s23;
	s23 =	smov.u32 s13  }
0x13d: {  	s13 =	smov.u32 s10;
	s10 =	smov.u32 s25;
	s25 =	smov.u32 s18;
	v12 =	vld.idx.msk [tilespmem:v12+s11+$0x0], $0xffff;
	[tilespmem:s7+$0x100] =	vst v14  }
0x13e: {  	v14 =	vor.u32 s21, v6;
	s21 =	sadd.s32 $0xFFFFFFFB, s13;
	v10 =	vld.idx.msk [tilespmem:v10+s3+$0x0], $0xffff;
	[tilespmem:s5+$0xFFFFE200] =	vst v13  }
0x13f: {  	v13 =	vor.u32 s21, v7;
	v8 =	vld.idx.msk [tilespmem:v8+s11+$0x0], $0xffff;
	[tilespmem:s4+$0x280] =	vst v11  }
0x140: {  	s6 =	sadd.s32 $0xFFFFFFFE, s20;
	v11 =	vor.u32 s17, v6;
	v17 =	vld.idx.msk [tilespmem:v17+s3+$0x0], $0xffff;
	[tilespmem:s0+$0xFFFFE380] =	vst v9  }
0x141: {  	s9 =	sadd.s32 $0x400, s9;
	v9 =	vor.u32 s6, v7;
	v15 =	vld.idx.msk [tilespmem:v15+s11+$0x0], $0xffff  }
0x142: {  	[tilespmem:s9+$0xFFFFE000] =	vst v16;
	v16 =	vor.u32 s22, v6  }
0x143: {  	v18 =	vld.idx.msk [tilespmem:v14+s11+$0x0], $0xffff;
	[tilespmem:s19+$0x80] =	vst v12  }
0x144: {  	s17 =	sadd.s32 $0xFFFFFFFA, s10;
	v19 =	vld.idx.msk [tilespmem:v13+s3+$0x0], $0xffff;
	[tilespmem:s7+$0xFFFFE180] =	vst v10  }
0x145: {  	v20 =	vor.u32 s17, v7;
	v12 =	vld.idx.msk [tilespmem:v11+s11+$0x0], $0xffff;
	[tilespmem:s5+$0x200] =	vst v8  }
.Ltmp7:
0x146: {  	s22 =	sadd.s32 $0xFFFFFFFD, s23;
	v14 =	vor.u32 s21, v6;
	v10 =	vld.idx.msk [tilespmem:v9+s3+$0x0], $0xffff;
	[tilespmem:s4+$0xFFFFE300] =	vst v17;
	(pc) =	sbr.rel @p1 .LBB2_18-.Ltmp7, $4  }
0x147: {  	v13 =	vor.u32 s22, v7;
	v8 =	vld.idx.msk [tilespmem:v16+s11+$0x0], $0xffff;
	[tilespmem:s0+$0x380] =	vst v15;
	s0 =	smov.u32 s4;
	s4 =	smov.u32 s5;
	s5 =	smov.u32 s7  }
0x148: {  	v11 =	vor.u32 s6, v6;
	s7 =	smov.u32 s19;
	s19 =	smov.u32 s9  }
0x149: {  	v9 =	vor.u32 s2, v7;
	[tilespmem:s9+$0x0] =	vst v18  }
0x14a: {  	s18 =	sadd.s32 $0x8, s18;
	s21 =	sadd.s32 $0xFFFFFFF9, s25;
	v15 =	vld.idx.msk [tilespmem:v20+s3+$0x0], $0xffff;
	[tilespmem:s7+$0xFFFFE100] =	vst v19  }
0x14b: {  	v16 =	vor.u32 s21, v7;
	_ =	sdelay $0x4  }
0x14c: {  	v16 =	vld.idx.msk [tilespmem:v16+s3+$0x0], $0xffff  }
0x14d: {  	v17 =	vor.u32 s21, v6;
	_ =	sdelay $0x2  }
0x14e: {  	s18 =	sadd.s32 $0x400, s9  }
0x14f: {  	[tilespmem:s18+$0xFFFFE000] =	vst v16  }
0x150: {  	s6 =	sadd.s32 $0xFFFFFFFA, s25;
	v16 =	vld.idx.msk [tilespmem:v17+s11+$0x0], $0xffff  }
0x151: {  	v17 =	vor.u32 s6, v7;
	_ =	sdelay $0x3  }
0x152: {  	[tilespmem:s18+$0x0] =	vst v16  }
0x153: {  	v16 =	vor.u32 s17, v6;
	v17 =	vld.idx.msk [tilespmem:v17+s3+$0x0], $0xffff  }
0x154: {  	v18 =	vor.u32 s6, v6;
	_ =	sdelay $0x2  }
0x155: {  	[tilespmem:s9+$0xFFFFE080] =	vst v15  }
0x156: {  	s17 =	sadd.s32 $0xFFFFFFFB, s10;
	v15 =	vld.idx.msk [tilespmem:v16+s11+$0x0], $0xffff;
	[tilespmem:s18+$0xFFFFE080] =	vst v17  }
0x157: {  	s21 =	sadd.s32 $0xFFFFFFFB, s25;
	v16 =	vor.u32 s17, v7;
	v17 =	vld.idx.msk [tilespmem:v18+s11+$0x0], $0xffff  }
0x158: {  	v18 =	vor.u32 s21, v7;
	_ =	sdelay $0x2  }
0x159: {  	[tilespmem:s19+$0x80] =	vst v15  }
0x15a: {  	v15 =	vld.idx.msk [tilespmem:v16+s3+$0x0], $0xffff;
	[tilespmem:s18+$0x80] =	vst v17  }
0x15b: {  	v16 =	vor.u32 s17, v6;
	v17 =	vld.idx.msk [tilespmem:v18+s3+$0x0], $0xffff  }
0x15c: {  	v18 =	vor.u32 s21, v6;
	_ =	sdelay $0x2  }
0x15d: {  	v14 =	vld.idx.msk [tilespmem:v14+s11+$0x0], $0xffff;
	s9 =	sadd.s32 $0xFFFFFFFC, s13;
	[tilespmem:s19+$0xFFFFE100] =	vst v15  }
0x15e: {  	s17 =	sadd.s32 $0xFFFFFFFC, s10;
	v15 =	vor.u32 s9, v7;
	v16 =	vld.idx.msk [tilespmem:v16+s11+$0x0], $0xffff;
	[tilespmem:s18+$0xFFFFE100] =	vst v17  }
0x15f: {  	s21 =	sadd.s32 $0xFFFFFFFC, s25;
	v17 =	vor.u32 s17, v7;
	v18 =	vld.idx.msk [tilespmem:v18+s11+$0x0], $0xffff  }
0x160: {  	v19 =	vor.u32 s21, v7;
	_ =	sdelay $0x1  }
0x161: {  	[tilespmem:s7+$0x100] =	vst v14  }
0x162: {  	v14 =	vld.idx.msk [tilespmem:v15+s3+$0x0], $0xffff;
	[tilespmem:s19+$0x100] =	vst v16  }
0x163: {  	v15 =	vor.u32 s9, v6;
	v16 =	vld.idx.msk [tilespmem:v17+s3+$0x0], $0xffff;
	[tilespmem:s18+$0x100] =	vst v18  }
0x164: {  	v17 =	vor.u32 s17, v6;
	v18 =	vld.idx.msk [tilespmem:v19+s3+$0x0], $0xffff  }
0x165: {  	v19 =	vor.u32 s21, v6;
	_ =	sdelay $0x1  }
0x166: {  	[tilespmem:s7+$0xFFFFE180] =	vst v14  }
0x167: {  	s9 =	sadd.s32 $0xFFFFFFFD, s13;
	v14 =	vld.idx.msk [tilespmem:v15+s11+$0x0], $0xffff;
	[tilespmem:s19+$0xFFFFE180] =	vst v16  }
0x168: {  	s17 =	sadd.s32 $0xFFFFFFFD, s10;
	v15 =	vor.u32 s9, v7;
	v16 =	vld.idx.msk [tilespmem:v17+s11+$0x0], $0xffff;
	[tilespmem:s18+$0xFFFFE180] =	vst v18  }
0x169: {  	s21 =	sadd.s32 $0xFFFFFFFD, s25;
	v17 =	vor.u32 s17, v7;
	v18 =	vld.idx.msk [tilespmem:v19+s11+$0x0], $0xffff  }
0x16a: {  	v19 =	vor.u32 s21, v7  }
0x16b: {  	[tilespmem:s5+$0x180] =	vst v12  }
0x16c: {  	v12 =	vld.idx.msk [tilespmem:v13+s3+$0x0], $0xffff;
	[tilespmem:s7+$0x180] =	vst v14  }
0x16d: {  	v13 =	vor.u32 s22, v6;
	v14 =	vld.idx.msk [tilespmem:v15+s3+$0x0], $0xffff;
	[tilespmem:s19+$0x180] =	vst v16  }
0x16e: {  	v15 =	vor.u32 s9, v6;
	v16 =	vld.idx.msk [tilespmem:v17+s3+$0x0], $0xffff;
	[tilespmem:s18+$0x180] =	vst v18  }
0x16f: {  	v17 =	vor.u32 s17, v6;
	v18 =	vld.idx.msk [tilespmem:v19+s3+$0x0], $0xffff  }
0x170: {  	v19 =	vor.u32 s21, v6  }
0x171: {  	[tilespmem:s5+$0xFFFFE200] =	vst v12  }
0x172: {  	v12 =	vld.idx.msk [tilespmem:v13+s11+$0x0], $0xffff;
	s9 =	sadd.s32 $0xFFFFFFFE, s23;
	[tilespmem:s7+$0xFFFFE200] =	vst v14  }
0x173: {  	v13 =	vor.u32 s9, v7;
	s17 =	sadd.s32 $0xFFFFFFFE, s13;
	v14 =	vld.idx.msk [tilespmem:v15+s11+$0x0], $0xffff;
	[tilespmem:s19+$0xFFFFE200] =	vst v16  }
0x174: {  	s21 =	sadd.s32 $0xFFFFFFFE, s10;
	v15 =	vor.u32 s17, v7;
	v16 =	vld.idx.msk [tilespmem:v17+s11+$0x0], $0xffff;
	[tilespmem:s18+$0xFFFFE200] =	vst v18  }
0x175: {  	s22 =	sadd.s32 $0xFFFFFFFE, s25;
	v17 =	vor.u32 s21, v7;
	v18 =	vld.idx.msk [tilespmem:v19+s11+$0x0], $0xffff  }
0x176: {  	v19 =	vor.u32 s22, v7  }
0x177: {  	[tilespmem:s5+$0x200] =	vst v12  }
0x178: {  	v12 =	vld.idx.msk [tilespmem:v13+s3+$0x0], $0xffff;
	[tilespmem:s7+$0x200] =	vst v14  }
0x179: {  	v13 =	vor.u32 s9, v6;
	v14 =	vld.idx.msk [tilespmem:v15+s3+$0x0], $0xffff;
	[tilespmem:s19+$0x200] =	vst v16  }
0x17a: {  	v15 =	vor.u32 s17, v6;
	v16 =	vld.idx.msk [tilespmem:v17+s3+$0x0], $0xffff;
	[tilespmem:s18+$0x200] =	vst v18  }
0x17b: {  	v17 =	vor.u32 s21, v6;
	v18 =	vld.idx.msk [tilespmem:v19+s3+$0x0], $0xffff  }
0x17c: {  	[tilespmem:s4+$0xFFFFE280] =	vst v10;
	v10 =	vor.u32 s22, v6  }
0x17d: {  	v11 =	vld.idx.msk [tilespmem:v11+s11+$0x0], $0xffff;
	s6 =	sadd.s32 $0xFFFFFFFF, s20;
	[tilespmem:s5+$0xFFFFE280] =	vst v12  }
0x17e: {  	s9 =	sadd.s32 $0xFFFFFFFF, s23;
	v12 =	vor.u32 s6, v7;
	v13 =	vld.idx.msk [tilespmem:v13+s11+$0x0], $0xffff;
	[tilespmem:s7+$0xFFFFE280] =	vst v14  }
0x17f: {  	s17 =	sadd.s32 $0xFFFFFFFF, s13;
	v14 =	vor.u32 s9, v7;
	v15 =	vld.idx.msk [tilespmem:v15+s11+$0x0], $0xffff;
	[tilespmem:s19+$0xFFFFE280] =	vst v16  }
0x180: {  	s21 =	sadd.s32 $0xFFFFFFFF, s10;
	v16 =	vor.u32 s17, v7;
	v17 =	vld.idx.msk [tilespmem:v17+s11+$0x0], $0xffff;
	[tilespmem:s18+$0xFFFFE280] =	vst v18  }
0x181: {  	s22 =	sadd.s32 $0xFFFFFFFF, s25;
	v18 =	vor.u32 s21, v7;
	v10 =	vld.idx.msk [tilespmem:v10+s11+$0x0], $0xffff  }
0x182: {  	[tilespmem:s4+$0x280] =	vst v11;
	v11 =	vor.u32 s22, v7  }
0x183: {  	v12 =	vld.idx.msk [tilespmem:v12+s3+$0x0], $0xffff;
	[tilespmem:s5+$0x280] =	vst v13  }
0x184: {  	v13 =	vor.u32 s6, v6;
	v14 =	vld.idx.msk [tilespmem:v14+s3+$0x0], $0xffff;
	[tilespmem:s7+$0x280] =	vst v15  }
0x185: {  	v15 =	vor.u32 s9, v6;
	v16 =	vld.idx.msk [tilespmem:v16+s3+$0x0], $0xffff;
	[tilespmem:s19+$0x280] =	vst v17  }
0x186: {  	v17 =	vor.u32 s17, v6;
	v18 =	vld.idx.msk [tilespmem:v18+s3+$0x0], $0xffff;
	[tilespmem:s18+$0x280] =	vst v10  }
0x187: {  	v10 =	vor.u32 s21, v6;
	v11 =	vld.idx.msk [tilespmem:v11+s3+$0x0], $0xffff  }
0x188: {  	[tilespmem:s4+$0xFFFFE300] =	vst v12;
	v12 =	vor.u32 s22, v6  }
0x189: {  	v13 =	vld.idx.msk [tilespmem:v13+s11+$0x0], $0xffff;
	[tilespmem:s5+$0xFFFFE300] =	vst v14  }
0x18a: {  	v14 =	vor.u32 s20, v7;
	v15 =	vld.idx.msk [tilespmem:v15+s11+$0x0], $0xffff;
	[tilespmem:s7+$0xFFFFE300] =	vst v16  }
0x18b: {  	v16 =	vor.u32 s23, v7;
	v17 =	vld.idx.msk [tilespmem:v17+s11+$0x0], $0xffff;
	[tilespmem:s19+$0xFFFFE300] =	vst v18  }
0x18c: {  	v18 =	vor.u32 s13, v7;
	v10 =	vld.idx.msk [tilespmem:v10+s11+$0x0], $0xffff;
	[tilespmem:s18+$0xFFFFE300] =	vst v11  }
0x18d: {  	[tilespmem:s0+$0x300] =	vst v8;
	v8 =	vor.u32 s10, v7;
	v11 =	vld.idx.msk [tilespmem:v12+s11+$0x0], $0xffff  }
0x18e: {  	v9 =	vld.idx.msk [tilespmem:v9+s3+$0x0], $0xffff;
	[tilespmem:s4+$0x300] =	vst v13;
	v7 =	vor.u32 s25, v7  }
0x18f: {  	v13 =	vld.idx.msk [tilespmem:v14+s3+$0x0], $0xffff;
	[tilespmem:s5+$0x300] =	vst v15;
	v12 =	vor.u32 s2, v6  }
0x190: {  	v14 =	vor.u32 s20, v6;
	v15 =	vld.idx.msk [tilespmem:v16+s3+$0x0], $0xffff;
	[tilespmem:s7+$0x300] =	vst v17  }
0x191: {  	v16 =	vor.u32 s23, v6;
	v17 =	vld.idx.msk [tilespmem:v18+s3+$0x0], $0xffff;
	[tilespmem:s19+$0x300] =	vst v10  }
0x192: {  	v5 =	vmul.f32 v5, v1;
	v10 =	vor.u32 s13, v6;
	v8 =	vld.idx.msk [tilespmem:v8+s3+$0x0], $0xffff;
	[tilespmem:s18+$0x300] =	vst v11  }
0x193: {  	[tilespmem:s0+$0xFFFFE380] =	vst v9;
	v11 =	vor.u32 s10, v6;
	v7 =	vld.idx.msk [tilespmem:v7+s3+$0x0], $0xffff  }
0x194: {  	v5 =	vtrunc.f32 v5;
	[tilespmem:s4+$0xFFFFE380] =	vst v13;
	v12 =	vld.idx.msk [tilespmem:v12+s11+$0x0], $0xffff;
	v6 =	vor.u32 s25, v6  }
0x195: {  	v5 =	vcvt.f32.s32 v5;
	v13 =	vld.idx.msk [tilespmem:v14+s11+$0x0], $0xffff;
	[tilespmem:s5+$0xFFFFE380] =	vst v15  }
0x196: {  	v9 =	vmov s14;
	v14 =	vld.idx.msk [tilespmem:v16+s11+$0x0], $0xffff;
	[tilespmem:s7+$0xFFFFE380] =	vst v17  }
0x197: {  	v10 =	vld.idx.msk [tilespmem:v10+s11+$0x0], $0xffff;
	[tilespmem:s19+$0xFFFFE380] =	vst v8;
	v8 =	vshll.u32 v9, $0x7;
	v9 =	vshll.u32 v5, $0x6  }
0x198: {  	v5 =	vld.idx.msk [tilespmem:v11+s11+$0x0], $0xffff;
	v15 =	vor.u32 v3, v8;
	[tilespmem:s18+$0xFFFFE380] =	vst v7;
	v7 =	vand.u32 $0x40, v9  }
0x199: {  	[tilespmem:s0+$0x380] =	vst v12;
	s0 =	simm.s32 $0x0;
	v6 =	vld.idx.msk [tilespmem:v6+s11+$0x0], $0xffff;
	v11 =	vor.u32 v15, v7  }
0x19a: {  	[tilespmem:s4+$0x380] =	vst v13;
	v8 =	vor.u32 s0, v9;
	v7 =	vor.u32 s0, v11  }
0x19b: {  	[tilespmem:s5+$0x380] =	vst v14;
	v13 =	vor.u32 $0x1, v15;
	v18 =	vand.u32 $0x78, v8  }
0x19c: {  	[tilespmem:s7+$0x380] =	vst v10;
	v14 =	vor.u32 v18, v13  }
0x19d: {  	v12 =	vor.u32 $0x2, v15;
	[tilespmem:s19+$0x380] =	vst v5  }
0x19e: {  	v16 =	vor.u32 v18, v12;
	[tilespmem:s18+$0x380] =	vst v6  }
0x19f: {  	v10 =	vor.u32 $0x3, v15;
	v17 =	vld.idx.msk [tilespmem:v7+s15+$0x0], $0xffff  }
0x1a0: {  	v20 =	vor.u32 v18, v10  }
0x1a1: {  	v8 =	vor.u32 $0x4, v15;
	v21 =	vld.idx.msk [tilespmem:v14+s15+$0x0], $0xffff  }
0x1a2: {  	v22 =	vor.u32 v18, v8;
	v7 =	vor.u32 $0x5, v15  }
0x1a3: {  	v5 =	vor.u32 $0x7, v15;
	v6 =	vor.u32 $0x6, v15;
	v15 =	vld.idx.msk [tilespmem:v16+s15+$0x0], $0xffff;
	v19 =	vor.u32 v18, v7  }
0x1a4: {  	v17 =	vmul.f32 v17, v17  }
0x1a5: {  	v23 =	vimm.f32 $0.0e+00;
	v16 =	vor.u32 v18, v6;
	v14 =	vld.idx.msk [tilespmem:v20+s15+$0x0], $0xffff  }
0x1a6: {  	v21 =	vmul.f32 v21, v21;
	v20 =	vadd.f32 v17, v23  }
0x1a7: {  	v18 =	vor.u32 v18, v5;
	v17 =	vld.idx.msk [tilespmem:v22+s15+$0x0], $0xffff  }
.LBB2_20:
0x1a8: {  	s0 =	sadd.s32 $0x8, s0;
	v20 =	vadd.f32 v21, v20;
	v15 =	vmul.f32 v15, v15;
	v19 =	vld.idx.msk [tilespmem:v19+s15+$0x0], $0xffff  }
0x1a9: {  	v21 =	vor.u32 s0, v11;
	v22 =	vor.u32 s0, v9;
	p1 =	slt.u32 s0, $0x38  }
0x1aa: {  	v14 =	vmul.f32 v14, v14;
	v22 =	vand.u32 $0x78, v22;
	v15 =	vadd.f32 v15, v20;
	v16 =	vld.idx.msk [tilespmem:v16+s15+$0x0], $0xffff  }
0x1ab: {  	v20 =	vor.u32 v22, v13  }
0x1ac: {  	v14 =	vadd.f32 v14, v15;
	v15 =	vmul.f32 v17, v17;
	v17 =	vld.idx.msk [tilespmem:v18+s15+$0x0], $0xffff  }
0x1ad: {  	v18 =	vor.u32 v22, v12  }
0x1ae: {  	v21 =	vld.idx.msk [tilespmem:v21+s15+$0x0], $0xffff;
	v14 =	vadd.f32 v15, v14;
	v15 =	vmul.f32 v19, v19  }
0x1af: {  	v23 =	vor.u32 v22, v10  }
0x1b0: {  	v16 =	vmul.f32 v16, v16;
	v24 =	vld.idx.msk [tilespmem:v20+s15+$0x0], $0xffff;
	v14 =	vadd.f32 v15, v14  }
0x1b1: {  	v25 =	vor.u32 v22, v8  }
0x1b2: {  	v17 =	vmul.f32 v17, v17;
	v15 =	vld.idx.msk [tilespmem:v18+s15+$0x0], $0xffff;
	v16 =	vadd.f32 v16, v14  }
.Ltmp8:
0x1b3: {  	v19 =	vor.u32 v22, v7;
	(pc) =	sbr.rel @p1 .LBB2_20-.Ltmp8, $4  }
0x1b4: {  	v18 =	vmul.f32 v21, v21;
	v14 =	vld.idx.msk [tilespmem:v23+s15+$0x0], $0xffff;
	v17 =	vadd.f32 v17, v16  }
0x1b5: {  	v16 =	vor.u32 v22, v6  }
0x1b6: {  	v21 =	vmul.f32 v24, v24;
	v20 =	vadd.f32 v18, v17;
	v17 =	vld.idx.msk [tilespmem:v25+s15+$0x0], $0xffff  }
0x1b7: {  	v18 =	vor.u32 v22, v5  }
0x1b8: {  	_ =	sdelay $0x2  }
0x1b9: {  	v20 =	vadd.f32 v21, v20;
	v15 =	vmul.f32 v15, v15  }
0x1ba: {  	v19 =	vld.idx.msk [tilespmem:v19+s15+$0x0], $0xffff  }
0x1bb: {  	v14 =	vmul.f32 v14, v14;
	v15 =	vadd.f32 v15, v20  }
0x1bc: {  	v16 =	vld.idx.msk [tilespmem:v16+s15+$0x0], $0xffff  }
0x1bd: {  	v14 =	vadd.f32 v14, v15;
	v15 =	vmul.f32 v17, v17  }
0x1be: {  	v17 =	vld.idx.msk [tilespmem:v18+s15+$0x0], $0xffff  }
0x1bf: {  	v14 =	vadd.f32 v15, v14;
	v15 =	vmul.f32 v19, v19;
	_ =	sdelay $0x1  }
0x1c0: {  	v14 =	vadd.f32 v15, v14;
	v15 =	vmul.f32 v16, v16;
	_ =	sdelay $0x1  }
0x1c1: {  	v14 =	vadd.f32 v15, v14;
	v15 =	vmul.f32 v17, v17;
	_ =	sdelay $0x1  }
0x1c2: {  	v14 =	vadd.f32 v15, v14;
	_ =	sdelay $0x1  }
0x1c3: {  	v15 =	vshrl.u32 v14, $0x1;
	v16 =	vmul.f32 $5.000000000e-01, v14  }
0x1c4: {  	v15 =	vsub.s32 $0x5F3759DF, v15  }
0x1c5: {  	v17 =	vmul.f32 v15, v16;
	_ =	sdelay $0x1  }
0x1c6: {  	v17 =	vmul.f32 v15, v17;
	_ =	sdelay $0x1  }
0x1c7: {  	v17 =	vsub.f32 $1.500000000e+00, v17;
	_ =	sdelay $0x1  }
0x1c8: {  	v15 =	vmul.f32 v15, v17;
	_ =	sdelay $0x1  }
0x1c9: {  	v17 =	vmul.f32 v15, v16;
	_ =	sdelay $0x1  }
0x1ca: {  	v17 =	vmul.f32 v17, v15;
	_ =	sdelay $0x1  }
0x1cb: {  	v17 =	vsub.f32 $1.500000000e+00, v17;
	_ =	sdelay $0x1  }
0x1cc: {  	v15 =	vmul.f32 v17, v15;
	_ =	sdelay $0x1  }
0x1cd: {  	v16 =	vmul.f32 v15, v16;
	_ =	sdelay $0x1  }
0x1ce: {  	v16 =	vmul.f32 v16, v15;
	_ =	sdelay $0x1  }
0x1cf: {  	v16 =	vsub.f32 $1.500000000e+00, v16;
	_ =	sdelay $0x1  }
0x1d0: {  	v15 =	vmul.f32 v16, v15;
	_ =	sdelay $0x1  }
0x1d1: {  	v15 =	vmul.f32 v15, v14;
	_ =	sdelay $0x1  }
0x1d2: {  	v14 =	vadd.f32 $1.000000010e-07, v15;
	_ =	sdelay $0x1  }
0x1d3: {  	s0 =	simm.s32 $0x0;
	(erf) = vrcp.f32 v14  }
0x1d4: {  	v14 =	vor.u32 s0, v11;
	_ =	sdelay $0x4  }
0x1d5: {  	v16 =	vld.idx.msk [tilespmem:v14+s15+$0x0], $0xffff  }
0x1d6: {  	v17 =	vor.u32 s0, v9  }
0x1d7: {  	v20 =	vand.u32 $0x78, v17;
	v14 =	vmov s1  }
0x1d8: {  	v17 =	vor.u32 v20, v13;
	vm0 =	vgt.f32 v15, $1.000000000e+00;
	v15 =	vpop (erf)  }
0x1d9: {  	v15 =	vnsel vm0, $0x3F800000, v15  }
0x1da: {  	v16 =	vmul.f32 v16, v15  }
0x1db: {  	s2 =	simm.s32 $0x8;
	s0 =	simm.s32 $0x0  }
0x1dc: {  	v18 =	vor.u32 s2, v11;
	[tilespmem:v14+s0+$0x4000 ss:$0x1] =	vst.idx.msk $0xffff, v16  }
0x1dd: {  	v16 =	vld.idx.msk [tilespmem:v17+s15+$0x0], $0xffff;
	_ =	sdelay $0x2  }
0x1de: {  	v17 =	vor.u32 v20, v12  }
0x1df: {  	v18 =	vld.idx.msk [tilespmem:v18+s15+$0x0], $0xffff  }
0x1e0: {  	v19 =	vor.u32 s2, v9;
	v21 =	vmul.f32 v16, v15  }
0x1e1: {  	v16 =	vand.u32 $0x78, v19  }
0x1e2: {  	v19 =	vor.u32 v16, v13;
	[tilespmem:v14+s0+$0x4080 ss:$0x1] =	vst.idx.msk $0xffff, v21  }
0x1e3: {  	v17 =	vld.idx.msk [tilespmem:v17+s15+$0x0], $0xffff  }
0x1e4: {  	s4 =	simm.s32 $0x10;
	v18 =	vmul.f32 v18, v15  }
0x1e5: {  	s2 =	simm.s32 $0x400;
	v21 =	vor.u32 s4, v11  }
0x1e6: {  	[tilespmem:v14+s2+$0x4000 ss:$0x1] =	vst.idx.msk $0xffff, v18;
	v18 =	vor.u32 v20, v10  }
0x1e7: {  	v19 =	vld.idx.msk [tilespmem:v19+s15+$0x0], $0xffff  }
0x1e8: {  	v17 =	vmul.f32 v17, v15;
	_ =	sdelay $0x1  }
0x1e9: {  	v22 =	vor.u32 v16, v12;
	v21 =	vld.idx.msk [tilespmem:v21+s15+$0x0], $0xffff;
	[tilespmem:v14+s0+$0x4100 ss:$0x1] =	vst.idx.msk $0xffff, v17  }
0x1ea: {  	v17 =	vor.u32 s4, v9;
	v18 =	vld.idx.msk [tilespmem:v18+s15+$0x0], $0xffff  }
0x1eb: {  	v19 =	vmul.f32 v19, v15;
	v17 =	vand.u32 $0x78, v17  }
0x1ec: {  	v23 =	vor.u32 v17, v13  }
0x1ed: {  	[tilespmem:v14+s2+$0x4080 ss:$0x1] =	vst.idx.msk $0xffff, v19;
	v19 =	vor.u32 v20, v8  }
0x1ee: {  	s5 =	simm.s32 $0x18;
	v21 =	vmul.f32 v21, v15;
	v22 =	vld.idx.msk [tilespmem:v22+s15+$0x0], $0xffff  }
0x1ef: {  	v24 =	vor.u32 s5, v11;
	s4 =	simm.s32 $0x800;
	v18 =	vmul.f32 v18, v15  }
0x1f0: {  	[tilespmem:v14+s4+$0x4000 ss:$0x1] =	vst.idx.msk $0xffff, v21  }
0x1f1: {  	v21 =	vld.idx.msk [tilespmem:v23+s15+$0x0], $0xffff;
	v23 =	vor.u32 v16, v10;
	[tilespmem:v14+s0+$0x4180 ss:$0x1] =	vst.idx.msk $0xffff, v18  }
0x1f2: {  	v19 =	vld.idx.msk [tilespmem:v19+s15+$0x0], $0xffff  }
0x1f3: {  	v18 =	vmul.f32 v22, v15  }
0x1f4: {  	v24 =	vld.idx.msk [tilespmem:v24+s15+$0x0], $0xffff;
	v22 =	vor.u32 v17, v12  }
0x1f5: {  	v25 =	vor.u32 v20, v7;
	[tilespmem:v14+s2+$0x4100 ss:$0x1] =	vst.idx.msk $0xffff, v18;
	v18 =	vor.u32 s5, v9  }
0x1f6: {  	v23 =	vld.idx.msk [tilespmem:v23+s15+$0x0], $0xffff;
	v21 =	vmul.f32 v21, v15;
	v18 =	vand.u32 $0x78, v18  }
0x1f7: {  	v26 =	vor.u32 v18, v13;
	v19 =	vmul.f32 v19, v15  }
0x1f8: {  	[tilespmem:v14+s4+$0x4080 ss:$0x1] =	vst.idx.msk $0xffff, v21  }
0x1f9: {  	v21 =	vld.idx.msk [tilespmem:v22+s15+$0x0], $0xffff;
	[tilespmem:v14+s0+$0x4200 ss:$0x1] =	vst.idx.msk $0xffff, v19;
	v19 =	vmul.f32 v24, v15  }
0x1fa: {  	s6 =	simm.s32 $0x20;
	s5 =	simm.s32 $0xC00;
	v22 =	vor.u32 v16, v8;
	v24 =	vld.idx.msk [tilespmem:v25+s15+$0x0], $0xffff  }
0x1fb: {  	v23 =	vmul.f32 v23, v15;
	v25 =	vor.u32 s6, v11;
	[tilespmem:v14+s5+$0x4000 ss:$0x1] =	vst.idx.msk $0xffff, v19  }
0x1fc: {  	v19 =	vor.u32 v17, v10;
	v26 =	vld.idx.msk [tilespmem:v26+s15+$0x0], $0xffff  }
0x1fd: {  	[tilespmem:v14+s2+$0x4180 ss:$0x1] =	vst.idx.msk $0xffff, v23;
	v23 =	vor.u32 v20, v6  }
0x1fe: {  	v21 =	vmul.f32 v21, v15  }
0x1ff: {  	v22 =	vld.idx.msk [tilespmem:v22+s15+$0x0], $0xffff;
	v24 =	vmul.f32 v24, v15  }
0x200: {  	v25 =	vld.idx.msk [tilespmem:v25+s15+$0x0], $0xffff;
	[tilespmem:v14+s4+$0x4100 ss:$0x1] =	vst.idx.msk $0xffff, v21  }
0x201: {  	v27 =	vor.u32 v18, v12;
	v28 =	vld.idx.msk [tilespmem:v19+s15+$0x0], $0xffff;
	[tilespmem:v14+s0+$0x4280 ss:$0x1] =	vst.idx.msk $0xffff, v24;
	v19 =	vmul.f32 v26, v15  }
0x202: {  	v21 =	vor.u32 v16, v7;
	v29 =	vld.idx.msk [tilespmem:v23+s15+$0x0], $0xffff;
	v23 =	vor.u32 s6, v9  }
0x203: {  	[tilespmem:v14+s5+$0x4080 ss:$0x1] =	vst.idx.msk $0xffff, v19;
	v19 =	vand.u32 $0x78, v23  }
0x204: {  	v22 =	vmul.f32 v22, v15;
	v26 =	vor.u32 v19, v13  }
0x205: {  	v23 =	vor.u32 v17, v8  }
0x206: {  	v20 =	vor.u32 v20, v5;
	v24 =	vld.idx.msk [tilespmem:v27+s15+$0x0], $0xffff;
	[tilespmem:v14+s2+$0x4200 ss:$0x1] =	vst.idx.msk $0xffff, v22;
	v22 =	vmul.f32 v25, v15  }
0x207: {  	s7 =	simm.s32 $0x1000;
	s9 =	simm.s32 $0x28;
	v21 =	vld.idx.msk [tilespmem:v21+s15+$0x0], $0xffff;
	v25 =	vmul.f32 v28, v15  }
0x208: {  	s10 =	simm.s32 $0x5000;
	s13 =	simm.s32 $0x6000;
	v27 =	vor.u32 s9, v11;
	[tilespmem:v14+s7+$0x4000 ss:$0x1] =	vst.idx.msk $0xffff, v22;
	v22 =	vmul.f32 v29, v15  }
.LBB2_22:
0x209: {  	p1 =	sne.s32 s13, $0x7000;
	v26 =	vld.idx.msk [tilespmem:v26+s15+$0x0], $0xffff;
	v28 =	vor.u32 v18, v10;
	[tilespmem:v14+s4+$0x4180 ss:$0x1] =	vst.idx.msk $0xffff, v25  }
0x20a: {  	v25 =	vor.u32 v16, v6;
	v23 =	vld.idx.msk [tilespmem:v23+s15+$0x0], $0xffff;
	[tilespmem:v14+s0+$0x4300 ss:$0x1] =	vst.idx.msk $0xffff, v22  }
0x20b: {  	v22 =	vmul.f32 v24, v15;
	v20 =	vld.idx.msk [tilespmem:v20+s15+$0x0], $0xffff  }
0x20c: {  	v21 =	vmul.f32 v21, v15  }
0x20d: {  	v24 =	vor.u32 v19, v12;
	v27 =	vld.idx.msk [tilespmem:v27+s15+$0x0], $0xffff;
	[tilespmem:v14+s5+$0x4100 ss:$0x1] =	vst.idx.msk $0xffff, v22  }
0x20e: {  	v22 =	vld.idx.msk [tilespmem:v28+s15+$0x0], $0xffff;
	v28 =	vor.u32 v17, v7;
	[tilespmem:v14+s2+$0x4280 ss:$0x1] =	vst.idx.msk $0xffff, v21  }
0x20f: {  	v21 =	vor.u32 s9, v9;
	v29 =	vmul.f32 v26, v15;
	v30 =	vld.idx.msk [tilespmem:v25+s15+$0x0], $0xffff  }
0x210: {  	v31 =	vand.u32 $0x78, v21;
	v21 =	vmul.f32 v23, v15  }
.Ltmp9:
0x211: {  	v26 =	vor.u32 v31, v13;
	v25 =	vmul.f32 v20, v15;
	[tilespmem:v14+s7+$0x4080 ss:$0x1] =	vst.idx.msk $0xffff, v29;
	(pc) =	sbr.rel @p1 .LBB2_22-.Ltmp9, $4  }
0x212: {  	v23 =	vor.u32 v18, v8;
	v24 =	vld.idx.msk [tilespmem:v24+s15+$0x0], $0xffff;
	[tilespmem:v14+s4+$0x4200 ss:$0x1] =	vst.idx.msk $0xffff, v21  }
0x213: {  	v20 =	vor.u32 v16, v5;
	v29 =	vmul.f32 v27, v15;
	v21 =	vld.idx.msk [tilespmem:v28+s15+$0x0], $0xffff;
	[tilespmem:v14+s0+$0x4380 ss:$0x1] =	vst.idx.msk $0xffff, v25;
	s0 =	smov.u32 s2;
	s2 =	smov.u32 s4;
	s4 =	smov.u32 s5  }
0x214: {  	s9 =	sadd.s32 $0x8, s9;
	v16 =	vmovc v17;
	v17 =	vmovc v18;
	v18 =	vmov v19;
	v19 =	vmov v31;
	v25 =	vmul.f32 v22, v15;
	s5 =	smov.u32 s7;
	s7 =	sshra.s32 s10, $0x2  }
0x215: {  	v27 =	vor.u32 s9, v11;
	s10 =	smov.u32 s13;
	s13 =	sadd.s32 $0x1000, s13;
	v22 =	vmul.f32 v30, v15;
	[tilespmem:v14+s7+$0x4000 ss:$0x1] =	vst.idx.msk $0xffff, v29  }
0x216: {  	_ =	sdelay $0x3  }
0x217: {  	v11 =	vld.idx.msk [tilespmem:v27+s15+$0x0], $0xffff  }
0x218: {  	v9 =	vor.u32 s9, v9  }
0x219: {  	v9 =	vand.u32 $0x78, v9  }
0x21a: {  	v13 =	vor.u32 v9, v13;
	_ =	sdelay $0x1  }
0x21b: {  	v11 =	vmul.f32 v11, v15  }
0x21c: {  	s25 =	sshra.s32 s10, $0x2  }
0x21d: {  	v26 =	vld.idx.msk [tilespmem:v26+s15+$0x0], $0xffff;
	[tilespmem:v14+s25+$0x4000 ss:$0x1] =	vst.idx.msk $0xffff, v11  }
0x21e: {  	v11 =	vld.idx.msk [tilespmem:v13+s15+$0x0], $0xffff;
	_ =	sdelay $0x1  }
0x21f: {  	v38 =	vor.u32 v19, v12  }
0x220: {  	v39 =	vor.u32 v9, v12  }
0x221: {  	v26 =	vmul.f32 v26, v15  }
0x222: {  	v11 =	vmul.f32 v11, v15  }
0x223: {  	[tilespmem:v14+s7+$0x4080 ss:$0x1] =	vst.idx.msk $0xffff, v26  }
0x224: {  	v13 =	vld.idx.msk [tilespmem:v38+s15+$0x0], $0xffff;
	[tilespmem:v14+s25+$0x4080 ss:$0x1] =	vst.idx.msk $0xffff, v11  }
0x225: {  	v11 =	vld.idx.msk [tilespmem:v39+s15+$0x0], $0xffff  }
0x226: {  	v40 =	vor.u32 v18, v10  }
0x227: {  	v41 =	vor.u32 v19, v10  }
0x228: {  	v24 =	vmul.f32 v24, v15;
	v42 =	vor.u32 v9, v10  }
0x229: {  	v13 =	vmul.f32 v13, v15  }
0x22a: {  	[tilespmem:v14+s5+$0x4100 ss:$0x1] =	vst.idx.msk $0xffff, v24;
	v11 =	vmul.f32 v11, v15  }
0x22b: {  	v12 =	vld.idx.msk [tilespmem:v40+s15+$0x0], $0xffff;
	[tilespmem:v14+s7+$0x4100 ss:$0x1] =	vst.idx.msk $0xffff, v13  }
0x22c: {  	v13 =	vld.idx.msk [tilespmem:v41+s15+$0x0], $0xffff;
	[tilespmem:v14+s25+$0x4100 ss:$0x1] =	vst.idx.msk $0xffff, v11  }
0x22d: {  	v10 =	vld.idx.msk [tilespmem:v42+s15+$0x0], $0xffff  }
0x22e: {  	v43 =	vor.u32 v18, v8  }
0x22f: {  	v44 =	vor.u32 v19, v8  }
0x230: {  	v45 =	vor.u32 v9, v8;
	v12 =	vmul.f32 v12, v15  }
0x231: {  	[tilespmem:v14+s4+$0x4180 ss:$0x1] =	vst.idx.msk $0xffff, v25;
	v13 =	vmul.f32 v13, v15  }
0x232: {  	v23 =	vld.idx.msk [tilespmem:v23+s15+$0x0], $0xffff;
	[tilespmem:v14+s5+$0x4180 ss:$0x1] =	vst.idx.msk $0xffff, v12;
	v10 =	vmul.f32 v10, v15  }
0x233: {  	v11 =	vld.idx.msk [tilespmem:v43+s15+$0x0], $0xffff;
	[tilespmem:v14+s7+$0x4180 ss:$0x1] =	vst.idx.msk $0xffff, v13  }
0x234: {  	v46 =	vld.idx.msk [tilespmem:v44+s15+$0x0], $0xffff;
	[tilespmem:v14+s25+$0x4180 ss:$0x1] =	vst.idx.msk $0xffff, v10  }
0x235: {  	v47 =	vor.u32 v17, v7;
	v8 =	vld.idx.msk [tilespmem:v45+s15+$0x0], $0xffff  }
0x236: {  	v48 =	vor.u32 v18, v7  }
0x237: {  	v49 =	vor.u32 v19, v7;
	v23 =	vmul.f32 v23, v15  }
0x238: {  	v7 =	vor.u32 v9, v7;
	v11 =	vmul.f32 v11, v15  }
0x239: {  	[tilespmem:v14+s4+$0x4200 ss:$0x1] =	vst.idx.msk $0xffff, v23;
	v12 =	vmul.f32 v46, v15  }
0x23a: {  	[tilespmem:v14+s5+$0x4200 ss:$0x1] =	vst.idx.msk $0xffff, v11;
	v10 =	vld.idx.msk [tilespmem:v47+s15+$0x0], $0xffff;
	v8 =	vmul.f32 v8, v15  }
0x23b: {  	v11 =	vld.idx.msk [tilespmem:v48+s15+$0x0], $0xffff;
	[tilespmem:v14+s7+$0x4200 ss:$0x1] =	vst.idx.msk $0xffff, v12  }
0x23c: {  	v50 =	vor.u32 v16, v6;
	v51 =	vld.idx.msk [tilespmem:v49+s15+$0x0], $0xffff;
	[tilespmem:v14+s25+$0x4200 ss:$0x1] =	vst.idx.msk $0xffff, v8  }
0x23d: {  	v52 =	vor.u32 v17, v6;
	v7 =	vld.idx.msk [tilespmem:v7+s15+$0x0], $0xffff  }
0x23e: {  	v53 =	vor.u32 v18, v6;
	v21 =	vmul.f32 v21, v15  }
0x23f: {  	v54 =	vor.u32 v19, v6;
	v10 =	vmul.f32 v10, v15  }
0x240: {  	v6 =	vor.u32 v9, v6;
	[tilespmem:v14+s2+$0x4280 ss:$0x1] =	vst.idx.msk $0xffff, v21;
	v11 =	vmul.f32 v11, v15  }
0x241: {  	v12 =	vld.idx.msk [tilespmem:v50+s15+$0x0], $0xffff;
	v55 =	vmul.f32 v51, v15;
	[tilespmem:v14+s4+$0x4280 ss:$0x1] =	vst.idx.msk $0xffff, v10  }
0x242: {  	[tilespmem:v14+s5+$0x4280 ss:$0x1] =	vst.idx.msk $0xffff, v11;
	v8 =	vld.idx.msk [tilespmem:v52+s15+$0x0], $0xffff;
	v7 =	vmul.f32 v7, v15  }
0x243: {  	v11 =	vld.idx.msk [tilespmem:v53+s15+$0x0], $0xffff;
	[tilespmem:v14+s7+$0x4280 ss:$0x1] =	vst.idx.msk $0xffff, v55  }
0x244: {  	v56 =	vor.u32 v16, v5;
	v57 =	vld.idx.msk [tilespmem:v54+s15+$0x0], $0xffff;
	[tilespmem:v14+s25+$0x4280 ss:$0x1] =	vst.idx.msk $0xffff, v7  }
0x245: {  	v7 =	vor.u32 v17, v5;
	v6 =	vld.idx.msk [tilespmem:v6+s15+$0x0], $0xffff  }
0x246: {  	v58 =	vor.u32 v18, v5;
	v12 =	vmul.f32 v12, v15  }
0x247: {  	v59 =	vor.u32 v19, v5;
	[tilespmem:v14+s0+$0x4300 ss:$0x1] =	vst.idx.msk $0xffff, v22;
	v8 =	vmul.f32 v8, v15  }
0x248: {  	v60 =	vld.idx.msk [tilespmem:v20+s15+$0x0], $0xffff;
	[tilespmem:v14+s2+$0x4300 ss:$0x1] =	vst.idx.msk $0xffff, v12;
	v11 =	vmul.f32 v11, v15;
	v5 =	vor.u32 v9, v5  }
0x249: {  	v61 =	vld.idx.msk [tilespmem:v56+s15+$0x0], $0xffff;
	v62 =	vmul.f32 v57, v15;
	[tilespmem:v14+s4+$0x4300 ss:$0x1] =	vst.idx.msk $0xffff, v8  }
0x24a: {  	[tilespmem:v14+s5+$0x4300 ss:$0x1] =	vst.idx.msk $0xffff, v11;
	v7 =	vld.idx.msk [tilespmem:v7+s15+$0x0], $0xffff;
	v6 =	vmul.f32 v6, v15  }
0x24b: {  	v63 =	vld.idx.msk [tilespmem:v58+s15+$0x0], $0xffff;
	[tilespmem:v14+s7+$0x4300 ss:$0x1] =	vst.idx.msk $0xffff, v62  }
0x24c: {  	v8 =	vld.idx.msk [tilespmem:v59+s15+$0x0], $0xffff;
	[tilespmem:v14+s25+$0x4300 ss:$0x1] =	vst.idx.msk $0xffff, v6  }
0x24d: {  	v6 =	vmul.f32 v60, v15;
	v5 =	vld.idx.msk [tilespmem:v5+s15+$0x0], $0xffff  }
0x24e: {  	s12 =	sadd.s32 $0x1, s12;
	v9 =	vmul.f32 v61, v15  }
0x24f: {  	p1 =	sne.s32 s12, $0x8;
	[tilespmem:v14+s0+$0x4380 ss:$0x1] =	vst.idx.msk $0xffff, v6;
	v6 =	vmul.f32 v7, v15  }
.Ltmp10:
0x250: {  	[tilespmem:v14+s2+$0x4380 ss:$0x1] =	vst.idx.msk $0xffff, v9;
	v7 =	vmul.f32 v63, v15;
	(pc) =	sbr.rel @p1 .LBB2_17-.Ltmp10, $4  }
0x251: {  	[tilespmem:v14+s4+$0x4380 ss:$0x1] =	vst.idx.msk $0xffff, v6;
	v6 =	vmul.f32 v8, v15  }
0x252: {  	[tilespmem:v14+s5+$0x4380 ss:$0x1] =	vst.idx.msk $0xffff, v7;
	v5 =	vmul.f32 v5, v15  }
0x253: {  	[tilespmem:v14+s7+$0x4380 ss:$0x1] =	vst.idx.msk $0xffff, v6  }
0x254: {  	s24 =	sadd.s32 $0x10, s24;
	s1 =	sadd.s32 $0x10, s1;
	[tilespmem:v14+s25+$0x4380 ss:$0x1] =	vst.idx.msk $0xffff, v5  }
0x255: {  	s0 =	sadd.s32 s28, s31  }
0x256: {  	p1 =	sne.s32 s26, $0x18;
	s1 =	sshrl.u32 s0, $0x5  }
0x257: {  	s0 =	sshll.u32 s0, $0xA;
	s2 =	smul.u32 $0xC0000, s1;
	s1 =	sshll.u32 s1, $0xF  }
.Ltmp11:
0x258: {  	s0 =	ssub.s32 s0, s1;
	(pc) =	sbr.rel @p1 .LBB2_26-.Ltmp11, $4  }
0x259: {  	s31 =	smov.u32 s28;
	s0 =	sadd.s32 s2, s0  }
0x25a: {  	s25 =	smov.u32 s8;
	s28 =	simm.s32 $0x8000;
	s0 =	sshrl.u32 s0, $0x3  }
0x25b: {  	s24 =	simm.s32 $0x11380;
	s0 =	sadd.s32 s8, s0;
	s8 =	simm.s32 $0x400  }
0x25c: {  	[hbm4b:s0+s8] =	stream.strided.scatter [tilespmem:s24], [sflag:$0x3], $0x6000, s28, s8, $0x38;
	[tilespmem:$0x1D380] =	vst v63  }
.Ltmp12:
0x25d: {  	(pc) =	sbr.rel .LBB2_27-.Ltmp12, $4  }
0x25e: {  	s0 =	simm.s32 $0x2  }
0x25f: {  	_ =	swait.ge [sflag:s0], $0x4000  }
0x260: {  	[sflag:s0] =	ssyncset.done $0x0  }
0x261: {  	[sflag:s0] =	ssyncadd.s32 $0xFFFFC000  }
.LBB2_26:
0x262: {  	s0 =	sadd.s32 $0x7B80, s30;
	s1 =	rddreg [dreg:$0x5]  }
.Ltmp13:
0x263: {  	s2 =	simm.s32 $0x80;
	s30 =	simm.s32 $0x2;
	(pc) =	sbr.rel @p0 .LBB2_28-.Ltmp13, $4  }
0x264: {  	[tilespmem:s15], [sflag:$0x1] =	stream.indirect.gather [hbm4b:s1+s2], $0x80, s0, s2, $0xb8;
	[tilespmem:$0x1D380] =	vst v63  }
0x265: {  	_ =	swait.ge [sflag:s30], $0x4000  }
0x266: {  	[sflag:s30] =	ssyncset.done $0x0  }
0x267: {  	[sflag:s30] =	ssyncadd.s32 $0xFFFFC000  }
.LBB2_27:
0x268: {  	s0 =	simm.s32 $0x4  }
0x269: {  	_ =	swait.ge [sflag:s0], $0x6000  }
0x26a: {  	[sflag:s0] =	ssyncset.done $0x0  }
0x26b: {  	[sflag:s0] =	ssyncadd.s32 $0xFFFFA000  }
.LBB2_28:
0x26c: {  	s2 =	sadd.s32 $0x6180, s29  }
0x26d: {  	s0 =	simm.s32 $0x0;
	s1 =	simm.s32 $0x19380;
	s29 =	simm.s32 $0x17380;
	v4 =	vmov s2  }
.LBB2_29:
0x26e: {  	_ =	sdelay $0x2  }
0x26f: {  	s12 =	sshll.u32 s0, $0x4  }
0x270: {  	v5 =	vld.idx.msk [tilespmem:v4+s12+$0x0 ss:$0x1], $0xffff;
	_ =	sdelay $0x4  }
0x271: {  	v6 =	vmul.f32 $2.400000000e+01, v5;
	_ =	sdelay $0x1  }
0x272: {  	v6 =	vtrunc.f32 v6  }
0x273: {  	v6 =	vcvt.f32.s32 v6;
	_ =	sdelay $0x1  }
0x274: {  	v7 =	vcvt.s32.f32 v6;
	_ =	sdelay $0x1  }
0x275: {  	v7 =	vmul.f32 $4.166666790e-02, v7;
	_ =	sdelay $0x1  }
0x276: {  	v7 =	vtrunc.f32 v7  }
0x277: {  	v7 =	vcvt.f32.s32 v7;
	_ =	sdelay $0x1  }
0x278: {  	v8 =	vmul.u32 $0x18, v7;
	_ =	sdelay $0x1  }
0x279: {  	vm0 =	vgt.s32 v8, v6  }
0x27a: {  	v8 =	vsel vm0, $0xFFFFFFFF, v2  }
0x27b: {  	v7 =	vadd.s32 v7, v8  }
0x27c: {  	v8 =	vmul.u32 $0x18, v7;
	_ =	sdelay $0x1  }
0x27d: {  	v8 =	vadd.s32 $0x18, v8  }
0x27e: {  	vm13 =	vle.s32 v8, v6  }
0x27f: {  	v8 =	vsel vm13, $0x1, v2  }
0x280: {  	v8 =	vadd.s32 v8, v7  }
0x281: {  	v7 =	vcvt.s32.f32 v8;
	_ =	sdelay $0x1  }
0x282: {  	v7 =	vmul.f32 $2.732240360e-03, v7;
	_ =	sdelay $0x1  }
0x283: {  	v7 =	vtrunc.f32 v7  }
0x284: {  	v7 =	vcvt.f32.s32 v7;
	_ =	sdelay $0x1  }
0x285: {  	v9 =	vmul.u32 $0x16E, v7;
	_ =	sdelay $0x1  }
0x286: {  	vm14 =	vgt.s32 v9, v8  }
0x287: {  	v9 =	vsel vm14, $0xFFFFFFFF, v2  }
0x288: {  	v7 =	vadd.s32 v7, v9  }
0x289: {  	v9 =	vmul.u32 $0x16E, v7;
	_ =	sdelay $0x1  }
0x28a: {  	v9 =	vadd.s32 $0x16E, v9  }
0x28b: {  	vm15 =	vle.s32 v9, v8  }
0x28c: {  	v9 =	vsel vm15, $0x1, v2  }
0x28d: {  	v7 =	vadd.s32 v9, v7  }
0x28e: {  	v7 =	vmul.u32 $0x3FFFE92, v7;
	_ =	sdelay $0x1  }
0x28f: {  	v7 =	vadd.s32 v8, v7  }
0x290: {  	s2 =	simm.s32 $0x0;
	v7 =	vshll.u32 v7, $0x6  }
0x291: {  	v9 =	vor.u32 s2, v7;
	_ =	sdelay $0x1  }
0x292: {  	v8 =	vmul.u32 $0x3FFFFE8, v8;
	_ =	sdelay $0x1  }
0x293: {  	v6 =	vadd.s32 v6, v8  }
0x294: {  	v6 =	vshll.u32 v6, $0x6;
	v8 =	vld.idx.msk [tilespmem:v9+s3+$0x0], $0xffff  }
0x295: {  	v9 =	vor.u32 s2, v6;
	_ =	sdelay $0x3  }
0x296: {  	[tilespmem:s1+$0xFFFFE000] =	vst v8  }
0x297: {  	s6 =	simm.s32 $0x1;
	v8 =	vld.idx.msk [tilespmem:v9+s11+$0x0], $0xffff  }
0x298: {  	v9 =	vor.u32 s6, v7;
	_ =	sdelay $0x3  }
0x299: {  	s4 =	simm.s32 $0x8;
	[tilespmem:s1+$0x0] =	vst v8  }
0x29a: {  	v8 =	vld.idx.msk [tilespmem:v9+s3+$0x0], $0xffff;
	v9 =	vor.u32 s4, v7  }
0x29b: {  	v10 =	vor.u32 s6, v6;
	_ =	sdelay $0x3  }
0x29c: {  	v9 =	vld.idx.msk [tilespmem:v9+s3+$0x0], $0xffff;
	[tilespmem:s1+$0xFFFFE080] =	vst v8  }
0x29d: {  	s7 =	simm.s32 $0x2;
	v8 =	vld.idx.msk [tilespmem:v10+s11+$0x0], $0xffff;
	v10 =	vor.u32 s4, v6  }
0x29e: {  	v11 =	vor.u32 s7, v7;
	_ =	sdelay $0x1  }
0x29f: {  	s4 =	sadd.s32 $0x400, s1  }
0x2a0: {  	[tilespmem:s4+$0xFFFFE000] =	vst v9  }
0x2a1: {  	s5 =	simm.s32 $0x9;
	v9 =	vld.idx.msk [tilespmem:v10+s11+$0x0], $0xffff;
	[tilespmem:s1+$0x80] =	vst v8  }
0x2a2: {  	v10 =	vor.u32 s5, v7;
	v8 =	vld.idx.msk [tilespmem:v11+s3+$0x0], $0xffff  }
0x2a3: {  	v11 =	vor.u32 s7, v6;
	_ =	sdelay $0x2  }
0x2a4: {  	s9 =	simm.s32 $0x10;
	[tilespmem:s4+$0x0] =	vst v9  }
0x2a5: {  	v9 =	vld.idx.msk [tilespmem:v10+s3+$0x0], $0xffff;
	[tilespmem:s1+$0xFFFFE100] =	vst v8;
	v8 =	vor.u32 s9, v7  }
0x2a6: {  	s10 =	simm.s32 $0x3;
	v10 =	vld.idx.msk [tilespmem:v11+s11+$0x0], $0xffff;
	v11 =	vor.u32 s5, v6  }
0x2a7: {  	v12 =	vor.u32 s10, v7;
	_ =	sdelay $0x2  }
0x2a8: {  	v8 =	vld.idx.msk [tilespmem:v8+s3+$0x0], $0xffff;
	[tilespmem:s4+$0xFFFFE080] =	vst v9  }
0x2a9: {  	s13 =	simm.s32 $0xA;
	v9 =	vld.idx.msk [tilespmem:v11+s11+$0x0], $0xffff;
	[tilespmem:s1+$0x100] =	vst v10;
	v10 =	vor.u32 s9, v6  }
0x2aa: {  	v11 =	vld.idx.msk [tilespmem:v12+s3+$0x0], $0xffff;
	v12 =	vor.u32 s13, v7  }
0x2ab: {  	v13 =	vor.u32 s10, v6  }
0x2ac: {  	s5 =	sadd.s32 $0x400, s4  }
0x2ad: {  	[tilespmem:s5+$0xFFFFE000] =	vst v8  }
0x2ae: {  	s6 =	simm.s32 $0x11;
	v8 =	vld.idx.msk [tilespmem:v10+s11+$0x0], $0xffff;
	[tilespmem:s4+$0x80] =	vst v9  }
0x2af: {  	v10 =	vor.u32 s6, v7;
	v9 =	vld.idx.msk [tilespmem:v12+s3+$0x0], $0xffff;
	[tilespmem:s1+$0xFFFFE180] =	vst v11  }
0x2b0: {  	s14 =	simm.s32 $0x4;
	v12 =	vor.u32 s13, v6;
	v11 =	vld.idx.msk [tilespmem:v13+s11+$0x0], $0xffff  }
0x2b1: {  	v13 =	vor.u32 s14, v7  }
0x2b2: {  	s7 =	simm.s32 $0x18  }
0x2b3: {  	[tilespmem:s5+$0x0] =	vst v8;
	v8 =	vor.u32 s7, v7  }
0x2b4: {  	v10 =	vld.idx.msk [tilespmem:v10+s3+$0x0], $0xffff;
	[tilespmem:s4+$0xFFFFE100] =	vst v9  }
0x2b5: {  	s17 =	simm.s32 $0xB;
	v9 =	vld.idx.msk [tilespmem:v12+s11+$0x0], $0xffff;
	[tilespmem:s1+$0x180] =	vst v11;
	v11 =	vor.u32 s6, v6  }
0x2b6: {  	v12 =	vld.idx.msk [tilespmem:v13+s3+$0x0], $0xffff;
	v13 =	vor.u32 s17, v7  }
0x2b7: {  	v14 =	vor.u32 s14, v6  }
0x2b8: {  	v8 =	vld.idx.msk [tilespmem:v8+s3+$0x0], $0xffff  }
0x2b9: {  	[tilespmem:s5+$0xFFFFE080] =	vst v10;
	v10 =	vor.u32 s7, v6  }
0x2ba: {  	s18 =	simm.s32 $0x12;
	v11 =	vld.idx.msk [tilespmem:v11+s11+$0x0], $0xffff;
	[tilespmem:s4+$0x100] =	vst v9  }
0x2bb: {  	v9 =	vld.idx.msk [tilespmem:v13+s3+$0x0], $0xffff;
	[tilespmem:s1+$0xFFFFE200] =	vst v12;
	v12 =	vor.u32 s18, v7  }
0x2bc: {  	s19 =	simm.s32 $0x5;
	s7 =	sadd.s32 $0x400, s5;
	v13 =	vld.idx.msk [tilespmem:v14+s11+$0x0], $0xffff;
	v14 =	vor.u32 s17, v6  }
0x2bd: {  	v15 =	vor.u32 s19, v7;
	[tilespmem:s7+$0xFFFFE000] =	vst v8  }
0x2be: {  	s9 =	simm.s32 $0x19;
	v8 =	vld.idx.msk [tilespmem:v10+s11+$0x0], $0xffff  }
0x2bf: {  	v10 =	vor.u32 s9, v7;
	[tilespmem:s5+$0x80] =	vst v11  }
0x2c0: {  	v11 =	vld.idx.msk [tilespmem:v12+s3+$0x0], $0xffff;
	[tilespmem:s4+$0xFFFFE180] =	vst v9  }
0x2c1: {  	s20 =	simm.s32 $0xC;
	v12 =	vor.u32 s18, v6;
	v9 =	vld.idx.msk [tilespmem:v14+s11+$0x0], $0xffff;
	[tilespmem:s1+$0x200] =	vst v13  }
0x2c2: {  	v14 =	vor.u32 s20, v7;
	v13 =	vld.idx.msk [tilespmem:v15+s3+$0x0], $0xffff  }
0x2c3: {  	s21 =	simm.s32 $0x20;
	v15 =	vor.u32 s19, v6;
	[tilespmem:s7+$0x0] =	vst v8  }
0x2c4: {  	v8 =	vld.idx.msk [tilespmem:v10+s3+$0x0], $0xffff;
	v10 =	vor.u32 s21, v7  }
0x2c5: {  	[tilespmem:s5+$0xFFFFE100] =	vst v11;
	v11 =	vor.u32 s9, v6  }
0x2c6: {  	s22 =	simm.s32 $0x13;
	v12 =	vld.idx.msk [tilespmem:v12+s11+$0x0], $0xffff;
	[tilespmem:s4+$0x180] =	vst v9  }
0x2c7: {  	v9 =	vld.idx.msk [tilespmem:v14+s3+$0x0], $0xffff;
	[tilespmem:s1+$0xFFFFE280] =	vst v13;
	v13 =	vor.u32 s22, v7  }
0x2c8: {  	s23 =	simm.s32 $0x6;
	v14 =	vld.idx.msk [tilespmem:v15+s11+$0x0], $0xffff;
	v15 =	vor.u32 s20, v6  }
0x2c9: {  	v16 =	vor.u32 s23, v7;
	v10 =	vld.idx.msk [tilespmem:v10+s3+$0x0], $0xffff;
	[tilespmem:s7+$0xFFFFE080] =	vst v8  }
0x2ca: {  	v8 =	vld.idx.msk [tilespmem:v11+s11+$0x0], $0xffff;
	v11 =	vor.u32 s21, v6  }
0x2cb: {  	s24 =	simm.s32 $0x1A;
	[tilespmem:s5+$0x100] =	vst v12  }
0x2cc: {  	v12 =	vor.u32 s24, v7;
	v13 =	vld.idx.msk [tilespmem:v13+s3+$0x0], $0xffff;
	[tilespmem:s4+$0xFFFFE200] =	vst v9  }
0x2cd: {  	s30 =	simm.s32 $0xD;
	s19 =	sadd.s32 $0x400, s7;
	v9 =	vld.idx.msk [tilespmem:v15+s11+$0x0], $0xffff;
	[tilespmem:s1+$0x280] =	vst v14;
	v14 =	vor.u32 s22, v6  }
0x2ce: {  	v15 =	vld.idx.msk [tilespmem:v16+s3+$0x0], $0xffff;
	v16 =	vor.u32 s30, v7;
	[tilespmem:s19+$0xFFFFE000] =	vst v10  }
0x2cf: {  	v17 =	vor.u32 s23, v6;
	v11 =	vld.idx.msk [tilespmem:v11+s11+$0x0], $0xffff  }
0x2d0: {  	s17 =	simm.s32 $0x21;
	[tilespmem:s7+$0x80] =	vst v8  }
0x2d1: {  	v19 =	vor.u32 s17, v7;
	v18 =	vld.idx.msk [tilespmem:v12+s3+$0x0], $0xffff;
	[tilespmem:s5+$0xFFFFE180] =	vst v13  }
0x2d2: {  	s22 =	simm.s32 $0x14;
	v12 =	vld.idx.msk [tilespmem:v14+s11+$0x0], $0xffff;
	[tilespmem:s4+$0x200] =	vst v9;
	v14 =	vor.u32 s24, v6  }
0x2d3: {  	s23 =	simm.s32 $0x17;
	v13 =	vor.u32 s22, v7;
	v10 =	vld.idx.msk [tilespmem:v16+s3+$0x0], $0xffff;
	[tilespmem:s1+$0xFFFFE300] =	vst v15  }
0x2d4: {  	s10 =	simm.s32 $0x27;
	s2 =	simm.s32 $0x1F;
	s13 =	simm.s32 $0x7;
	v8 =	vld.idx.msk [tilespmem:v17+s11+$0x0], $0xffff;
	[tilespmem:s19+$0x0] =	vst v11;
	v11 =	vor.u32 s30, v6  }
0x2d5: {  	s14 =	smov.u32 s1;
	s18 =	simm.s32 $0x37;
	s9 =	smov.u32 s19;
	v9 =	vor.u32 s13, v7  }
0x2d6: {  	s20 =	simm.s32 $0xF;
	s21 =	simm.s32 $0x28;
	s24 =	simm.s32 $0x2F;
	v15 =	vld.idx.msk [tilespmem:v19+s3+$0x0], $0xffff;
	[tilespmem:s7+$0xFFFFE100] =	vst v18  }
.LBB2_30:
0x2d7: {  	p0 =	sne.s32 s18, $0x3F;
	v16 =	vor.u32 s21, v7;
	v14 =	vld.idx.msk [tilespmem:v14+s11+$0x0], $0xffff;
	[tilespmem:s5+$0x180] =	vst v12  }
0x2d8: {  	v12 =	vor.u32 s17, v6;
	s6 =	sadd.s32 $0xFFFFFFFC, s2;
	v13 =	vld.idx.msk [tilespmem:v13+s3+$0x0], $0xffff;
	[tilespmem:s4+$0xFFFFE280] =	vst v10  }
0x2d9: {  	v10 =	vor.u32 s6, v7;
	v11 =	vld.idx.msk [tilespmem:v11+s11+$0x0], $0xffff;
	[tilespmem:s14+$0x300] =	vst v8  }
0x2da: {  	s17 =	sadd.s32 $0xFFFFFFFF, s20;
	v8 =	vor.u32 s22, v6;
	v9 =	vld.idx.msk [tilespmem:v9+s3+$0x0], $0xffff  }
0x2db: {  	v17 =	vor.u32 s17, v7  }
0x2dc: {  	v16 =	vld.idx.msk [tilespmem:v16+s3+$0x0], $0xffff;
	[tilespmem:s19+$0xFFFFE080] =	vst v15;
	v15 =	vor.u32 s13, v6;
	s13 =	smov.u32 s20;
	s20 =	smov.u32 s23;
	s23 =	smov.u32 s2  }
0x2dd: {  	s2 =	smov.u32 s10;
	s10 =	smov.u32 s24;
	s24 =	smov.u32 s18;
	v12 =	vld.idx.msk [tilespmem:v12+s11+$0x0], $0xffff;
	[tilespmem:s7+$0x100] =	vst v14  }
0x2de: {  	v14 =	vor.u32 s21, v6;
	s21 =	sadd.s32 $0xFFFFFFFB, s2;
	v10 =	vld.idx.msk [tilespmem:v10+s3+$0x0], $0xffff;
	[tilespmem:s5+$0xFFFFE200] =	vst v13  }
0x2df: {  	v13 =	vor.u32 s21, v7;
	v8 =	vld.idx.msk [tilespmem:v8+s11+$0x0], $0xffff;
	[tilespmem:s4+$0x280] =	vst v11  }
0x2e0: {  	v11 =	vor.u32 s6, v6;
	s6 =	sadd.s32 $0xFFFFFFFE, s20;
	v17 =	vld.idx.msk [tilespmem:v17+s3+$0x0], $0xffff;
	[tilespmem:s14+$0xFFFFE380] =	vst v9  }
0x2e1: {  	s19 =	sadd.s32 $0x400, s19;
	v9 =	vor.u32 s6, v7;
	v15 =	vld.idx.msk [tilespmem:v15+s11+$0x0], $0xffff  }
0x2e2: {  	[tilespmem:s19+$0xFFFFE000] =	vst v16;
	v16 =	vor.u32 s17, v6  }
0x2e3: {  	v18 =	vld.idx.msk [tilespmem:v14+s11+$0x0], $0xffff;
	[tilespmem:s9+$0x80] =	vst v12  }
0x2e4: {  	s17 =	sadd.s32 $0xFFFFFFFA, s10;
	v19 =	vld.idx.msk [tilespmem:v13+s3+$0x0], $0xffff;
	[tilespmem:s7+$0xFFFFE180] =	vst v10  }
0x2e5: {  	v20 =	vor.u32 s17, v7;
	v12 =	vld.idx.msk [tilespmem:v11+s11+$0x0], $0xffff;
	[tilespmem:s5+$0x200] =	vst v8  }
.Ltmp14:
0x2e6: {  	s22 =	sadd.s32 $0xFFFFFFFD, s23;
	v14 =	vor.u32 s21, v6;
	v10 =	vld.idx.msk [tilespmem:v9+s3+$0x0], $0xffff;
	[tilespmem:s4+$0xFFFFE300] =	vst v17;
	(pc) =	sbr.rel @p0 .LBB2_30-.Ltmp14, $4  }
0x2e7: {  	v13 =	vor.u32 s22, v7;
	v8 =	vld.idx.msk [tilespmem:v16+s11+$0x0], $0xffff;
	[tilespmem:s14+$0x380] =	vst v15;
	s14 =	smov.u32 s4;
	s4 =	smov.u32 s5;
	s5 =	smov.u32 s7  }
0x2e8: {  	v11 =	vor.u32 s6, v6;
	s7 =	smov.u32 s9;
	s9 =	smov.u32 s19  }
0x2e9: {  	v9 =	vor.u32 s13, v7;
	[tilespmem:s19+$0x0] =	vst v18  }
0x2ea: {  	s18 =	sadd.s32 $0x8, s18;
	s21 =	sadd.s32 $0xFFFFFFF9, s24;
	v15 =	vld.idx.msk [tilespmem:v20+s3+$0x0], $0xffff;
	[tilespmem:s7+$0xFFFFE100] =	vst v19  }
0x2eb: {  	v16 =	vor.u32 s21, v7;
	_ =	sdelay $0x4  }
0x2ec: {  	v16 =	vld.idx.msk [tilespmem:v16+s3+$0x0], $0xffff  }
0x2ed: {  	v17 =	vor.u32 s21, v6;
	_ =	sdelay $0x2  }
0x2ee: {  	s18 =	sadd.s32 $0x400, s19  }
0x2ef: {  	[tilespmem:s18+$0xFFFFE000] =	vst v16  }
0x2f0: {  	s6 =	sadd.s32 $0xFFFFFFFA, s24;
	v16 =	vld.idx.msk [tilespmem:v17+s11+$0x0], $0xffff  }
0x2f1: {  	v17 =	vor.u32 s6, v7;
	_ =	sdelay $0x3  }
0x2f2: {  	[tilespmem:s18+$0x0] =	vst v16  }
0x2f3: {  	v16 =	vor.u32 s17, v6;
	v17 =	vld.idx.msk [tilespmem:v17+s3+$0x0], $0xffff  }
0x2f4: {  	v18 =	vor.u32 s6, v6;
	_ =	sdelay $0x2  }
0x2f5: {  	[tilespmem:s19+$0xFFFFE080] =	vst v15  }
0x2f6: {  	s21 =	sadd.s32 $0xFFFFFFFB, s10;
	v15 =	vld.idx.msk [tilespmem:v16+s11+$0x0], $0xffff;
	[tilespmem:s18+$0xFFFFE080] =	vst v17  }
0x2f7: {  	s30 =	sadd.s32 $0xFFFFFFFB, s24;
	v16 =	vor.u32 s21, v7;
	v17 =	vld.idx.msk [tilespmem:v18+s11+$0x0], $0xffff  }
0x2f8: {  	v18 =	vor.u32 s30, v7;
	_ =	sdelay $0x2  }
0x2f9: {  	[tilespmem:s9+$0x80] =	vst v15  }
0x2fa: {  	v15 =	vld.idx.msk [tilespmem:v16+s3+$0x0], $0xffff;
	[tilespmem:s18+$0x80] =	vst v17  }
0x2fb: {  	v16 =	vor.u32 s21, v6;
	v17 =	vld.idx.msk [tilespmem:v18+s3+$0x0], $0xffff  }
0x2fc: {  	v18 =	vor.u32 s30, v6;
	_ =	sdelay $0x2  }
0x2fd: {  	v14 =	vld.idx.msk [tilespmem:v14+s11+$0x0], $0xffff;
	s19 =	sadd.s32 $0xFFFFFFFC, s2;
	[tilespmem:s9+$0xFFFFE100] =	vst v15  }
0x2fe: {  	s21 =	sadd.s32 $0xFFFFFFFC, s10;
	v15 =	vor.u32 s19, v7;
	v16 =	vld.idx.msk [tilespmem:v16+s11+$0x0], $0xffff;
	[tilespmem:s18+$0xFFFFE100] =	vst v17  }
0x2ff: {  	s30 =	sadd.s32 $0xFFFFFFFC, s24;
	v17 =	vor.u32 s21, v7;
	v18 =	vld.idx.msk [tilespmem:v18+s11+$0x0], $0xffff  }
0x300: {  	v19 =	vor.u32 s30, v7;
	_ =	sdelay $0x1  }
0x301: {  	[tilespmem:s7+$0x100] =	vst v14  }
0x302: {  	v14 =	vld.idx.msk [tilespmem:v15+s3+$0x0], $0xffff;
	[tilespmem:s9+$0x100] =	vst v16  }
0x303: {  	v15 =	vor.u32 s19, v6;
	v16 =	vld.idx.msk [tilespmem:v17+s3+$0x0], $0xffff;
	[tilespmem:s18+$0x100] =	vst v18  }
0x304: {  	v17 =	vor.u32 s21, v6;
	v18 =	vld.idx.msk [tilespmem:v19+s3+$0x0], $0xffff  }
0x305: {  	v19 =	vor.u32 s30, v6;
	_ =	sdelay $0x1  }
0x306: {  	[tilespmem:s7+$0xFFFFE180] =	vst v14  }
0x307: {  	s19 =	sadd.s32 $0xFFFFFFFD, s2;
	v14 =	vld.idx.msk [tilespmem:v15+s11+$0x0], $0xffff;
	[tilespmem:s9+$0xFFFFE180] =	vst v16  }
0x308: {  	s21 =	sadd.s32 $0xFFFFFFFD, s10;
	v15 =	vor.u32 s19, v7;
	v16 =	vld.idx.msk [tilespmem:v17+s11+$0x0], $0xffff;
	[tilespmem:s18+$0xFFFFE180] =	vst v18  }
0x309: {  	s30 =	sadd.s32 $0xFFFFFFFD, s24;
	v17 =	vor.u32 s21, v7;
	v18 =	vld.idx.msk [tilespmem:v19+s11+$0x0], $0xffff  }
0x30a: {  	v19 =	vor.u32 s30, v7  }
0x30b: {  	[tilespmem:s5+$0x180] =	vst v12  }
0x30c: {  	v12 =	vld.idx.msk [tilespmem:v13+s3+$0x0], $0xffff;
	[tilespmem:s7+$0x180] =	vst v14  }
0x30d: {  	v13 =	vor.u32 s22, v6;
	v14 =	vld.idx.msk [tilespmem:v15+s3+$0x0], $0xffff;
	[tilespmem:s9+$0x180] =	vst v16  }
0x30e: {  	v15 =	vor.u32 s19, v6;
	v16 =	vld.idx.msk [tilespmem:v17+s3+$0x0], $0xffff;
	[tilespmem:s18+$0x180] =	vst v18  }
0x30f: {  	v17 =	vor.u32 s21, v6;
	v18 =	vld.idx.msk [tilespmem:v19+s3+$0x0], $0xffff  }
0x310: {  	v19 =	vor.u32 s30, v6  }
0x311: {  	[tilespmem:s5+$0xFFFFE200] =	vst v12  }
0x312: {  	v12 =	vld.idx.msk [tilespmem:v13+s11+$0x0], $0xffff;
	s19 =	sadd.s32 $0xFFFFFFFE, s23;
	[tilespmem:s7+$0xFFFFE200] =	vst v14  }
0x313: {  	v13 =	vor.u32 s19, v7;
	s21 =	sadd.s32 $0xFFFFFFFE, s2;
	v14 =	vld.idx.msk [tilespmem:v15+s11+$0x0], $0xffff;
	[tilespmem:s9+$0xFFFFE200] =	vst v16  }
0x314: {  	s22 =	sadd.s32 $0xFFFFFFFE, s10;
	v15 =	vor.u32 s21, v7;
	v16 =	vld.idx.msk [tilespmem:v17+s11+$0x0], $0xffff;
	[tilespmem:s18+$0xFFFFE200] =	vst v18  }
0x315: {  	s30 =	sadd.s32 $0xFFFFFFFE, s24;
	v17 =	vor.u32 s22, v7;
	v18 =	vld.idx.msk [tilespmem:v19+s11+$0x0], $0xffff  }
0x316: {  	v19 =	vor.u32 s30, v7  }
0x317: {  	[tilespmem:s5+$0x200] =	vst v12  }
0x318: {  	v12 =	vld.idx.msk [tilespmem:v13+s3+$0x0], $0xffff;
	[tilespmem:s7+$0x200] =	vst v14  }
0x319: {  	v13 =	vor.u32 s19, v6;
	v14 =	vld.idx.msk [tilespmem:v15+s3+$0x0], $0xffff;
	[tilespmem:s9+$0x200] =	vst v16  }
0x31a: {  	v15 =	vor.u32 s21, v6;
	v16 =	vld.idx.msk [tilespmem:v17+s3+$0x0], $0xffff;
	[tilespmem:s18+$0x200] =	vst v18  }
0x31b: {  	[tilespmem:s4+$0xFFFFE280] =	vst v10;
	v17 =	vor.u32 s22, v6;
	v18 =	vld.idx.msk [tilespmem:v19+s3+$0x0], $0xffff  }
0x31c: {  	v11 =	vld.idx.msk [tilespmem:v11+s11+$0x0], $0xffff;
	s17 =	sadd.s32 $0xFFFFFFFF, s20;
	v10 =	vor.u32 s30, v6  }
0x31d: {  	[tilespmem:s5+$0xFFFFE280] =	vst v12;
	v12 =	vor.u32 s17, v7  }
0x31e: {  	s19 =	sadd.s32 $0xFFFFFFFF, s23;
	v13 =	vld.idx.msk [tilespmem:v13+s11+$0x0], $0xffff;
	[tilespmem:s7+$0xFFFFE280] =	vst v14  }
0x31f: {  	s21 =	sadd.s32 $0xFFFFFFFF, s2;
	v14 =	vor.u32 s19, v7;
	v15 =	vld.idx.msk [tilespmem:v15+s11+$0x0], $0xffff;
	[tilespmem:s9+$0xFFFFE280] =	vst v16  }
0x320: {  	s22 =	sadd.s32 $0xFFFFFFFF, s10;
	v16 =	vor.u32 s21, v7;
	v17 =	vld.idx.msk [tilespmem:v17+s11+$0x0], $0xffff;
	[tilespmem:s18+$0xFFFFE280] =	vst v18  }
0x321: {  	[tilespmem:s4+$0x280] =	vst v11;
	s30 =	sadd.s32 $0xFFFFFFFF, s24;
	v18 =	vor.u32 s22, v7;
	v10 =	vld.idx.msk [tilespmem:v10+s11+$0x0], $0xffff  }
0x322: {  	v11 =	vor.u32 s30, v7;
	v12 =	vld.idx.msk [tilespmem:v12+s3+$0x0], $0xffff  }
0x323: {  	[tilespmem:s5+$0x280] =	vst v13;
	v13 =	vor.u32 s17, v6  }
0x324: {  	v14 =	vld.idx.msk [tilespmem:v14+s3+$0x0], $0xffff;
	[tilespmem:s7+$0x280] =	vst v15  }
0x325: {  	v15 =	vor.u32 s19, v6;
	v16 =	vld.idx.msk [tilespmem:v16+s3+$0x0], $0xffff;
	[tilespmem:s9+$0x280] =	vst v17  }
0x326: {  	v17 =	vor.u32 s21, v6;
	v18 =	vld.idx.msk [tilespmem:v18+s3+$0x0], $0xffff;
	[tilespmem:s18+$0x280] =	vst v10  }
0x327: {  	[tilespmem:s4+$0xFFFFE300] =	vst v12;
	v10 =	vor.u32 s22, v6;
	v11 =	vld.idx.msk [tilespmem:v11+s3+$0x0], $0xffff  }
0x328: {  	[tilespmem:s14+$0x300] =	vst v8;
	v12 =	vor.u32 s30, v6;
	v13 =	vld.idx.msk [tilespmem:v13+s11+$0x0], $0xffff  }
0x329: {  	[tilespmem:s5+$0xFFFFE300] =	vst v14;
	v14 =	vor.u32 s20, v7  }
0x32a: {  	v15 =	vld.idx.msk [tilespmem:v15+s11+$0x0], $0xffff;
	[tilespmem:s7+$0xFFFFE300] =	vst v16  }
0x32b: {  	v16 =	vor.u32 s23, v7;
	v17 =	vld.idx.msk [tilespmem:v17+s11+$0x0], $0xffff;
	[tilespmem:s9+$0xFFFFE300] =	vst v18  }
0x32c: {  	v18 =	vor.u32 s2, v7;
	v10 =	vld.idx.msk [tilespmem:v10+s11+$0x0], $0xffff;
	[tilespmem:s18+$0xFFFFE300] =	vst v11  }
0x32d: {  	v8 =	vor.u32 s10, v7;
	[tilespmem:s4+$0x300] =	vst v13;
	v11 =	vld.idx.msk [tilespmem:v12+s11+$0x0], $0xffff  }
0x32e: {  	v7 =	vor.u32 s24, v7;
	v13 =	vld.idx.msk [tilespmem:v14+s3+$0x0], $0xffff  }
0x32f: {  	v9 =	vld.idx.msk [tilespmem:v9+s3+$0x0], $0xffff;
	v14 =	vor.u32 s20, v6;
	[tilespmem:s5+$0x300] =	vst v15  }
0x330: {  	v12 =	vor.u32 s13, v6;
	v15 =	vld.idx.msk [tilespmem:v16+s3+$0x0], $0xffff;
	[tilespmem:s7+$0x300] =	vst v17  }
0x331: {  	v16 =	vor.u32 s23, v6;
	v17 =	vld.idx.msk [tilespmem:v18+s3+$0x0], $0xffff;
	[tilespmem:s9+$0x300] =	vst v10  }
0x332: {  	v5 =	vmul.f32 v5, v1;
	v10 =	vor.u32 s2, v6;
	v8 =	vld.idx.msk [tilespmem:v8+s3+$0x0], $0xffff;
	[tilespmem:s18+$0x300] =	vst v11  }
0x333: {  	[tilespmem:s4+$0xFFFFE380] =	vst v13;
	v11 =	vor.u32 s10, v6;
	v7 =	vld.idx.msk [tilespmem:v7+s3+$0x0], $0xffff  }
0x334: {  	v5 =	vtrunc.f32 v5;
	[tilespmem:s14+$0xFFFFE380] =	vst v9;
	v13 =	vld.idx.msk [tilespmem:v14+s11+$0x0], $0xffff;
	v6 =	vor.u32 s24, v6  }
0x335: {  	v5 =	vcvt.f32.s32 v5;
	v12 =	vld.idx.msk [tilespmem:v12+s11+$0x0], $0xffff;
	[tilespmem:s5+$0xFFFFE380] =	vst v15  }
0x336: {  	v9 =	vmov s12;
	v14 =	vld.idx.msk [tilespmem:v16+s11+$0x0], $0xffff;
	[tilespmem:s7+$0xFFFFE380] =	vst v17  }
0x337: {  	v10 =	vld.idx.msk [tilespmem:v10+s11+$0x0], $0xffff;
	[tilespmem:s9+$0xFFFFE380] =	vst v8;
	v8 =	vshll.u32 v9, $0x7;
	v9 =	vshll.u32 v5, $0x6  }
0x338: {  	v5 =	vld.idx.msk [tilespmem:v11+s11+$0x0], $0xffff;
	v15 =	vor.u32 v3, v8;
	[tilespmem:s18+$0xFFFFE380] =	vst v7;
	v7 =	vand.u32 $0x40, v9  }
0x339: {  	s2 =	simm.s32 $0x0;
	[tilespmem:s4+$0x380] =	vst v13;
	v6 =	vld.idx.msk [tilespmem:v6+s11+$0x0], $0xffff;
	v11 =	vor.u32 v15, v7  }
0x33a: {  	[tilespmem:s14+$0x380] =	vst v12;
	v8 =	vor.u32 s2, v9;
	v7 =	vor.u32 s2, v11  }
0x33b: {  	[tilespmem:s5+$0x380] =	vst v14;
	v13 =	vor.u32 $0x1, v15;
	v18 =	vand.u32 $0x78, v8  }
0x33c: {  	v14 =	vor.u32 v18, v13;
	[tilespmem:s7+$0x380] =	vst v10  }
0x33d: {  	v12 =	vor.u32 $0x2, v15;
	[tilespmem:s9+$0x380] =	vst v5  }
0x33e: {  	v16 =	vor.u32 v18, v12;
	[tilespmem:s18+$0x380] =	vst v6  }
0x33f: {  	v10 =	vor.u32 $0x3, v15;
	v17 =	vld.idx.msk [tilespmem:v7+s16+$0x0], $0xffff  }
0x340: {  	v20 =	vor.u32 v18, v10  }
0x341: {  	v8 =	vor.u32 $0x4, v15;
	v21 =	vld.idx.msk [tilespmem:v14+s16+$0x0], $0xffff  }
0x342: {  	v22 =	vor.u32 v18, v8;
	v7 =	vor.u32 $0x5, v15  }
0x343: {  	v5 =	vor.u32 $0x7, v15;
	v6 =	vor.u32 $0x6, v15;
	v15 =	vld.idx.msk [tilespmem:v16+s16+$0x0], $0xffff;
	v19 =	vor.u32 v18, v7  }
0x344: {  	v17 =	vmul.f32 v17, v17  }
0x345: {  	v23 =	vimm.f32 $0.0e+00;
	v16 =	vor.u32 v18, v6;
	v14 =	vld.idx.msk [tilespmem:v20+s16+$0x0], $0xffff  }
0x346: {  	v21 =	vmul.f32 v21, v21;
	v20 =	vadd.f32 v17, v23  }
0x347: {  	v18 =	vor.u32 v18, v5;
	v17 =	vld.idx.msk [tilespmem:v22+s16+$0x0], $0xffff  }
.LBB2_32:
0x348: {  	s2 =	sadd.s32 $0x8, s2;
	v20 =	vadd.f32 v21, v20;
	v15 =	vmul.f32 v15, v15;
	v19 =	vld.idx.msk [tilespmem:v19+s16+$0x0], $0xffff  }
0x349: {  	v21 =	vor.u32 s2, v11;
	v22 =	vor.u32 s2, v9;
	p0 =	slt.u32 s2, $0x38  }
0x34a: {  	v14 =	vmul.f32 v14, v14;
	v22 =	vand.u32 $0x78, v22;
	v15 =	vadd.f32 v15, v20;
	v16 =	vld.idx.msk [tilespmem:v16+s16+$0x0], $0xffff  }
0x34b: {  	v20 =	vor.u32 v22, v13  }
0x34c: {  	v14 =	vadd.f32 v14, v15;
	v15 =	vmul.f32 v17, v17;
	v17 =	vld.idx.msk [tilespmem:v18+s16+$0x0], $0xffff  }
0x34d: {  	v18 =	vor.u32 v22, v12  }
0x34e: {  	v21 =	vld.idx.msk [tilespmem:v21+s16+$0x0], $0xffff;
	v14 =	vadd.f32 v15, v14;
	v15 =	vmul.f32 v19, v19  }
0x34f: {  	v23 =	vor.u32 v22, v10  }
0x350: {  	v16 =	vmul.f32 v16, v16;
	v24 =	vld.idx.msk [tilespmem:v20+s16+$0x0], $0xffff;
	v14 =	vadd.f32 v15, v14  }
0x351: {  	v25 =	vor.u32 v22, v8  }
0x352: {  	v17 =	vmul.f32 v17, v17;
	v15 =	vld.idx.msk [tilespmem:v18+s16+$0x0], $0xffff;
	v16 =	vadd.f32 v16, v14  }
.Ltmp15:
0x353: {  	v19 =	vor.u32 v22, v7;
	(pc) =	sbr.rel @p0 .LBB2_32-.Ltmp15, $4  }
0x354: {  	v18 =	vmul.f32 v21, v21;
	v14 =	vld.idx.msk [tilespmem:v23+s16+$0x0], $0xffff;
	v17 =	vadd.f32 v17, v16  }
0x355: {  	v16 =	vor.u32 v22, v6  }
0x356: {  	v21 =	vmul.f32 v24, v24;
	v20 =	vadd.f32 v18, v17;
	v17 =	vld.idx.msk [tilespmem:v25+s16+$0x0], $0xffff  }
0x357: {  	v18 =	vor.u32 v22, v5  }
0x358: {  	_ =	sdelay $0x2  }
0x359: {  	v20 =	vadd.f32 v21, v20;
	v15 =	vmul.f32 v15, v15  }
0x35a: {  	v19 =	vld.idx.msk [tilespmem:v19+s16+$0x0], $0xffff  }
0x35b: {  	v14 =	vmul.f32 v14, v14;
	v15 =	vadd.f32 v15, v20  }
0x35c: {  	v16 =	vld.idx.msk [tilespmem:v16+s16+$0x0], $0xffff  }
0x35d: {  	v14 =	vadd.f32 v14, v15;
	v15 =	vmul.f32 v17, v17  }
0x35e: {  	v17 =	vld.idx.msk [tilespmem:v18+s16+$0x0], $0xffff  }
0x35f: {  	v14 =	vadd.f32 v15, v14;
	v15 =	vmul.f32 v19, v19;
	_ =	sdelay $0x1  }
0x360: {  	v14 =	vadd.f32 v15, v14;
	v15 =	vmul.f32 v16, v16;
	_ =	sdelay $0x1  }
0x361: {  	v14 =	vadd.f32 v15, v14;
	v15 =	vmul.f32 v17, v17;
	_ =	sdelay $0x1  }
0x362: {  	v14 =	vadd.f32 v15, v14;
	_ =	sdelay $0x1  }
0x363: {  	v15 =	vshrl.u32 v14, $0x1;
	v16 =	vmul.f32 $5.000000000e-01, v14  }
0x364: {  	v15 =	vsub.s32 $0x5F3759DF, v15  }
0x365: {  	v17 =	vmul.f32 v15, v16;
	_ =	sdelay $0x1  }
0x366: {  	v17 =	vmul.f32 v15, v17;
	_ =	sdelay $0x1  }
0x367: {  	v17 =	vsub.f32 $1.500000000e+00, v17;
	_ =	sdelay $0x1  }
0x368: {  	v15 =	vmul.f32 v15, v17;
	_ =	sdelay $0x1  }
0x369: {  	v17 =	vmul.f32 v15, v16;
	_ =	sdelay $0x1  }
0x36a: {  	v17 =	vmul.f32 v17, v15;
	_ =	sdelay $0x1  }
0x36b: {  	v17 =	vsub.f32 $1.500000000e+00, v17;
	_ =	sdelay $0x1  }
0x36c: {  	v15 =	vmul.f32 v17, v15;
	_ =	sdelay $0x1  }
0x36d: {  	v16 =	vmul.f32 v15, v16;
	_ =	sdelay $0x1  }
0x36e: {  	v16 =	vmul.f32 v16, v15;
	_ =	sdelay $0x1  }
0x36f: {  	v16 =	vsub.f32 $1.500000000e+00, v16;
	_ =	sdelay $0x1  }
0x370: {  	v15 =	vmul.f32 v16, v15;
	_ =	sdelay $0x1  }
0x371: {  	v15 =	vmul.f32 v15, v14;
	_ =	sdelay $0x1  }
0x372: {  	v14 =	vadd.f32 $1.000000010e-07, v15;
	_ =	sdelay $0x1  }
0x373: {  	s2 =	simm.s32 $0x0;
	(erf) = vrcp.f32 v14  }
0x374: {  	v14 =	vor.u32 s2, v11;
	_ =	sdelay $0x4  }
0x375: {  	v16 =	vld.idx.msk [tilespmem:v14+s16+$0x0], $0xffff  }
0x376: {  	v17 =	vor.u32 s2, v9  }
0x377: {  	v20 =	vand.u32 $0x78, v17;
	v14 =	vmov s29  }
0x378: {  	v17 =	vor.u32 v20, v13;
	vm0 =	vgt.f32 v15, $1.000000000e+00;
	v15 =	vpop (erf)  }
0x379: {  	v15 =	vnsel vm0, $0x3F800000, v15  }
0x37a: {  	v16 =	vmul.f32 v16, v15  }
0x37b: {  	s4 =	simm.s32 $0x8;
	s2 =	simm.s32 $0x0  }
0x37c: {  	v18 =	vor.u32 s4, v11;
	[tilespmem:v14+s2+$0x4000 ss:$0x1] =	vst.idx.msk $0xffff, v16  }
0x37d: {  	v16 =	vld.idx.msk [tilespmem:v17+s16+$0x0], $0xffff;
	_ =	sdelay $0x2  }
0x37e: {  	v17 =	vor.u32 v20, v12  }
0x37f: {  	v18 =	vld.idx.msk [tilespmem:v18+s16+$0x0], $0xffff  }
0x380: {  	v19 =	vor.u32 s4, v9;
	v21 =	vmul.f32 v16, v15  }
0x381: {  	v16 =	vand.u32 $0x78, v19  }
0x382: {  	v19 =	vor.u32 v16, v13;
	[tilespmem:v14+s2+$0x4080 ss:$0x1] =	vst.idx.msk $0xffff, v21  }
0x383: {  	v17 =	vld.idx.msk [tilespmem:v17+s16+$0x0], $0xffff  }
0x384: {  	s5 =	simm.s32 $0x10;
	v18 =	vmul.f32 v18, v15  }
0x385: {  	s4 =	simm.s32 $0x400;
	v21 =	vor.u32 s5, v11  }
0x386: {  	[tilespmem:v14+s4+$0x4000 ss:$0x1] =	vst.idx.msk $0xffff, v18;
	v18 =	vor.u32 v20, v10  }
0x387: {  	v19 =	vld.idx.msk [tilespmem:v19+s16+$0x0], $0xffff  }
0x388: {  	v17 =	vmul.f32 v17, v15;
	_ =	sdelay $0x1  }
0x389: {  	v22 =	vor.u32 v16, v12;
	v21 =	vld.idx.msk [tilespmem:v21+s16+$0x0], $0xffff;
	[tilespmem:v14+s2+$0x4100 ss:$0x1] =	vst.idx.msk $0xffff, v17  }
0x38a: {  	v17 =	vor.u32 s5, v9;
	v18 =	vld.idx.msk [tilespmem:v18+s16+$0x0], $0xffff  }
0x38b: {  	v19 =	vmul.f32 v19, v15;
	v17 =	vand.u32 $0x78, v17  }
0x38c: {  	v23 =	vor.u32 v17, v13  }
0x38d: {  	[tilespmem:v14+s4+$0x4080 ss:$0x1] =	vst.idx.msk $0xffff, v19;
	v19 =	vor.u32 v20, v8  }
0x38e: {  	s6 =	simm.s32 $0x18;
	v21 =	vmul.f32 v21, v15;
	v22 =	vld.idx.msk [tilespmem:v22+s16+$0x0], $0xffff  }
0x38f: {  	v24 =	vor.u32 s6, v11;
	s5 =	simm.s32 $0x800;
	v18 =	vmul.f32 v18, v15  }
0x390: {  	[tilespmem:v14+s5+$0x4000 ss:$0x1] =	vst.idx.msk $0xffff, v21  }
0x391: {  	v21 =	vld.idx.msk [tilespmem:v23+s16+$0x0], $0xffff;
	v23 =	vor.u32 v16, v10;
	[tilespmem:v14+s2+$0x4180 ss:$0x1] =	vst.idx.msk $0xffff, v18  }
0x392: {  	v19 =	vld.idx.msk [tilespmem:v19+s16+$0x0], $0xffff  }
0x393: {  	v18 =	vmul.f32 v22, v15  }
0x394: {  	v24 =	vld.idx.msk [tilespmem:v24+s16+$0x0], $0xffff;
	v22 =	vor.u32 v17, v12  }
0x395: {  	v25 =	vor.u32 v20, v7;
	[tilespmem:v14+s4+$0x4100 ss:$0x1] =	vst.idx.msk $0xffff, v18;
	v18 =	vor.u32 s6, v9  }
0x396: {  	v23 =	vld.idx.msk [tilespmem:v23+s16+$0x0], $0xffff;
	v21 =	vmul.f32 v21, v15;
	v18 =	vand.u32 $0x78, v18  }
0x397: {  	v26 =	vor.u32 v18, v13;
	v19 =	vmul.f32 v19, v15  }
0x398: {  	[tilespmem:v14+s5+$0x4080 ss:$0x1] =	vst.idx.msk $0xffff, v21  }
0x399: {  	v21 =	vld.idx.msk [tilespmem:v22+s16+$0x0], $0xffff;
	[tilespmem:v14+s2+$0x4200 ss:$0x1] =	vst.idx.msk $0xffff, v19;
	v19 =	vmul.f32 v24, v15  }
0x39a: {  	s30 =	simm.s32 $0x20;
	s7 =	simm.s32 $0xC00;
	v22 =	vor.u32 v16, v8;
	v24 =	vld.idx.msk [tilespmem:v25+s16+$0x0], $0xffff  }
0x39b: {  	v23 =	vmul.f32 v23, v15;
	v25 =	vor.u32 s30, v11;
	[tilespmem:v14+s7+$0x4000 ss:$0x1] =	vst.idx.msk $0xffff, v19  }
0x39c: {  	v19 =	vor.u32 v17, v10;
	v26 =	vld.idx.msk [tilespmem:v26+s16+$0x0], $0xffff  }
0x39d: {  	[tilespmem:v14+s4+$0x4180 ss:$0x1] =	vst.idx.msk $0xffff, v23;
	v23 =	vor.u32 v20, v6  }
0x39e: {  	v21 =	vmul.f32 v21, v15  }
0x39f: {  	v22 =	vld.idx.msk [tilespmem:v22+s16+$0x0], $0xffff;
	v24 =	vmul.f32 v24, v15  }
0x3a0: {  	v25 =	vld.idx.msk [tilespmem:v25+s16+$0x0], $0xffff;
	[tilespmem:v14+s5+$0x4100 ss:$0x1] =	vst.idx.msk $0xffff, v21  }
0x3a1: {  	v27 =	vor.u32 v18, v12;
	v28 =	vld.idx.msk [tilespmem:v19+s16+$0x0], $0xffff;
	[tilespmem:v14+s2+$0x4280 ss:$0x1] =	vst.idx.msk $0xffff, v24;
	v19 =	vmul.f32 v26, v15  }
0x3a2: {  	v21 =	vor.u32 v16, v7;
	v29 =	vld.idx.msk [tilespmem:v23+s16+$0x0], $0xffff;
	v23 =	vor.u32 s30, v9  }
0x3a3: {  	[tilespmem:v14+s7+$0x4080 ss:$0x1] =	vst.idx.msk $0xffff, v19;
	v19 =	vand.u32 $0x78, v23  }
0x3a4: {  	v22 =	vmul.f32 v22, v15;
	v26 =	vor.u32 v19, v13  }
0x3a5: {  	v23 =	vor.u32 v17, v8  }
0x3a6: {  	v20 =	vor.u32 v20, v5;
	v24 =	vld.idx.msk [tilespmem:v27+s16+$0x0], $0xffff;
	[tilespmem:v14+s4+$0x4200 ss:$0x1] =	vst.idx.msk $0xffff, v22;
	v22 =	vmul.f32 v25, v15  }
0x3a7: {  	s9 =	simm.s32 $0x1000;
	s10 =	simm.s32 $0x28;
	v21 =	vld.idx.msk [tilespmem:v21+s16+$0x0], $0xffff;
	v25 =	vmul.f32 v28, v15  }
0x3a8: {  	s12 =	simm.s32 $0x5000;
	s13 =	simm.s32 $0x6000;
	v27 =	vor.u32 s10, v11;
	[tilespmem:v14+s9+$0x4000 ss:$0x1] =	vst.idx.msk $0xffff, v22;
	v22 =	vmul.f32 v29, v15  }
.LBB2_34:
0x3a9: {  	p0 =	sne.s32 s13, $0x7000;
	v26 =	vld.idx.msk [tilespmem:v26+s16+$0x0], $0xffff;
	v28 =	vor.u32 v18, v10;
	[tilespmem:v14+s5+$0x4180 ss:$0x1] =	vst.idx.msk $0xffff, v25  }
0x3aa: {  	v25 =	vor.u32 v16, v6;
	v23 =	vld.idx.msk [tilespmem:v23+s16+$0x0], $0xffff;
	[tilespmem:v14+s2+$0x4300 ss:$0x1] =	vst.idx.msk $0xffff, v22  }
0x3ab: {  	v22 =	vmul.f32 v24, v15;
	v20 =	vld.idx.msk [tilespmem:v20+s16+$0x0], $0xffff  }
0x3ac: {  	v21 =	vmul.f32 v21, v15  }
0x3ad: {  	v24 =	vor.u32 v19, v12;
	v27 =	vld.idx.msk [tilespmem:v27+s16+$0x0], $0xffff;
	[tilespmem:v14+s7+$0x4100 ss:$0x1] =	vst.idx.msk $0xffff, v22  }
0x3ae: {  	v22 =	vld.idx.msk [tilespmem:v28+s16+$0x0], $0xffff;
	v28 =	vor.u32 v17, v7;
	[tilespmem:v14+s4+$0x4280 ss:$0x1] =	vst.idx.msk $0xffff, v21  }
0x3af: {  	v21 =	vor.u32 s10, v9;
	v29 =	vmul.f32 v26, v15;
	v30 =	vld.idx.msk [tilespmem:v25+s16+$0x0], $0xffff  }
0x3b0: {  	v31 =	vand.u32 $0x78, v21;
	v21 =	vmul.f32 v23, v15  }
.Ltmp16:
0x3b1: {  	v26 =	vor.u32 v31, v13;
	v25 =	vmul.f32 v20, v15;
	[tilespmem:v14+s9+$0x4080 ss:$0x1] =	vst.idx.msk $0xffff, v29;
	(pc) =	sbr.rel @p0 .LBB2_34-.Ltmp16, $4  }
0x3b2: {  	v23 =	vor.u32 v18, v8;
	v24 =	vld.idx.msk [tilespmem:v24+s16+$0x0], $0xffff;
	[tilespmem:v14+s5+$0x4200 ss:$0x1] =	vst.idx.msk $0xffff, v21  }
0x3b3: {  	v20 =	vor.u32 v16, v5;
	v29 =	vmul.f32 v27, v15;
	v21 =	vld.idx.msk [tilespmem:v28+s16+$0x0], $0xffff;
	[tilespmem:v14+s2+$0x4380 ss:$0x1] =	vst.idx.msk $0xffff, v25;
	s2 =	smov.u32 s4;
	s4 =	smov.u32 s5;
	s5 =	smov.u32 s7  }
0x3b4: {  	s10 =	sadd.s32 $0x8, s10;
	v16 =	vmovc v17;
	v17 =	vmovc v18;
	v18 =	vmov v19;
	v19 =	vmov v31;
	v25 =	vmul.f32 v22, v15;
	s7 =	smov.u32 s9;
	s9 =	sshra.s32 s12, $0x2  }
0x3b5: {  	v27 =	vor.u32 s10, v11;
	s12 =	smov.u32 s13;
	s13 =	sadd.s32 $0x1000, s13;
	v22 =	vmul.f32 v30, v15;
	[tilespmem:v14+s9+$0x4000 ss:$0x1] =	vst.idx.msk $0xffff, v29  }
0x3b6: {  	_ =	sdelay $0x3  }
0x3b7: {  	v11 =	vld.idx.msk [tilespmem:v27+s16+$0x0], $0xffff  }
0x3b8: {  	v9 =	vor.u32 s10, v9  }
0x3b9: {  	v9 =	vand.u32 $0x78, v9  }
0x3ba: {  	v13 =	vor.u32 v9, v13;
	_ =	sdelay $0x1  }
0x3bb: {  	v11 =	vmul.f32 v11, v15  }
0x3bc: {  	s30 =	sshra.s32 s12, $0x2  }
0x3bd: {  	v26 =	vld.idx.msk [tilespmem:v26+s16+$0x0], $0xffff;
	[tilespmem:v14+s30+$0x4000 ss:$0x1] =	vst.idx.msk $0xffff, v11  }
0x3be: {  	v11 =	vld.idx.msk [tilespmem:v13+s16+$0x0], $0xffff;
	_ =	sdelay $0x1  }
0x3bf: {  	v38 =	vor.u32 v19, v12  }
0x3c0: {  	v39 =	vor.u32 v9, v12  }
0x3c1: {  	v26 =	vmul.f32 v26, v15  }
0x3c2: {  	v11 =	vmul.f32 v11, v15  }
0x3c3: {  	[tilespmem:v14+s9+$0x4080 ss:$0x1] =	vst.idx.msk $0xffff, v26  }
0x3c4: {  	v13 =	vld.idx.msk [tilespmem:v38+s16+$0x0], $0xffff;
	[tilespmem:v14+s30+$0x4080 ss:$0x1] =	vst.idx.msk $0xffff, v11  }
0x3c5: {  	v11 =	vld.idx.msk [tilespmem:v39+s16+$0x0], $0xffff  }
0x3c6: {  	v40 =	vor.u32 v18, v10  }
0x3c7: {  	v41 =	vor.u32 v19, v10  }
0x3c8: {  	v24 =	vmul.f32 v24, v15;
	v42 =	vor.u32 v9, v10  }
0x3c9: {  	v13 =	vmul.f32 v13, v15  }
0x3ca: {  	[tilespmem:v14+s7+$0x4100 ss:$0x1] =	vst.idx.msk $0xffff, v24;
	v11 =	vmul.f32 v11, v15  }
0x3cb: {  	v12 =	vld.idx.msk [tilespmem:v40+s16+$0x0], $0xffff;
	[tilespmem:v14+s9+$0x4100 ss:$0x1] =	vst.idx.msk $0xffff, v13  }
0x3cc: {  	v13 =	vld.idx.msk [tilespmem:v41+s16+$0x0], $0xffff;
	[tilespmem:v14+s30+$0x4100 ss:$0x1] =	vst.idx.msk $0xffff, v11  }
0x3cd: {  	v10 =	vld.idx.msk [tilespmem:v42+s16+$0x0], $0xffff  }
0x3ce: {  	v43 =	vor.u32 v18, v8  }
0x3cf: {  	v44 =	vor.u32 v19, v8  }
0x3d0: {  	v45 =	vor.u32 v9, v8;
	v12 =	vmul.f32 v12, v15  }
0x3d1: {  	[tilespmem:v14+s5+$0x4180 ss:$0x1] =	vst.idx.msk $0xffff, v25;
	v13 =	vmul.f32 v13, v15  }
0x3d2: {  	v23 =	vld.idx.msk [tilespmem:v23+s16+$0x0], $0xffff;
	[tilespmem:v14+s7+$0x4180 ss:$0x1] =	vst.idx.msk $0xffff, v12;
	v10 =	vmul.f32 v10, v15  }
0x3d3: {  	v11 =	vld.idx.msk [tilespmem:v43+s16+$0x0], $0xffff;
	[tilespmem:v14+s9+$0x4180 ss:$0x1] =	vst.idx.msk $0xffff, v13  }
0x3d4: {  	v46 =	vld.idx.msk [tilespmem:v44+s16+$0x0], $0xffff;
	[tilespmem:v14+s30+$0x4180 ss:$0x1] =	vst.idx.msk $0xffff, v10  }
0x3d5: {  	v47 =	vor.u32 v17, v7;
	v8 =	vld.idx.msk [tilespmem:v45+s16+$0x0], $0xffff  }
0x3d6: {  	v48 =	vor.u32 v18, v7  }
0x3d7: {  	v49 =	vor.u32 v19, v7;
	v23 =	vmul.f32 v23, v15  }
0x3d8: {  	v7 =	vor.u32 v9, v7;
	v11 =	vmul.f32 v11, v15  }
0x3d9: {  	[tilespmem:v14+s5+$0x4200 ss:$0x1] =	vst.idx.msk $0xffff, v23;
	v12 =	vmul.f32 v46, v15  }
0x3da: {  	[tilespmem:v14+s7+$0x4200 ss:$0x1] =	vst.idx.msk $0xffff, v11;
	v10 =	vld.idx.msk [tilespmem:v47+s16+$0x0], $0xffff;
	v8 =	vmul.f32 v8, v15  }
0x3db: {  	v11 =	vld.idx.msk [tilespmem:v48+s16+$0x0], $0xffff;
	[tilespmem:v14+s9+$0x4200 ss:$0x1] =	vst.idx.msk $0xffff, v12  }
0x3dc: {  	v50 =	vor.u32 v16, v6;
	v51 =	vld.idx.msk [tilespmem:v49+s16+$0x0], $0xffff;
	[tilespmem:v14+s30+$0x4200 ss:$0x1] =	vst.idx.msk $0xffff, v8  }
0x3dd: {  	v52 =	vor.u32 v17, v6;
	v7 =	vld.idx.msk [tilespmem:v7+s16+$0x0], $0xffff  }
0x3de: {  	v53 =	vor.u32 v18, v6;
	v21 =	vmul.f32 v21, v15  }
0x3df: {  	v54 =	vor.u32 v19, v6;
	v10 =	vmul.f32 v10, v15  }
0x3e0: {  	v6 =	vor.u32 v9, v6;
	[tilespmem:v14+s4+$0x4280 ss:$0x1] =	vst.idx.msk $0xffff, v21;
	v11 =	vmul.f32 v11, v15  }
0x3e1: {  	v12 =	vld.idx.msk [tilespmem:v50+s16+$0x0], $0xffff;
	v55 =	vmul.f32 v51, v15;
	[tilespmem:v14+s5+$0x4280 ss:$0x1] =	vst.idx.msk $0xffff, v10  }
0x3e2: {  	[tilespmem:v14+s7+$0x4280 ss:$0x1] =	vst.idx.msk $0xffff, v11;
	v8 =	vld.idx.msk [tilespmem:v52+s16+$0x0], $0xffff;
	v7 =	vmul.f32 v7, v15  }
0x3e3: {  	v11 =	vld.idx.msk [tilespmem:v53+s16+$0x0], $0xffff;
	[tilespmem:v14+s9+$0x4280 ss:$0x1] =	vst.idx.msk $0xffff, v55  }
0x3e4: {  	v56 =	vor.u32 v16, v5;
	v57 =	vld.idx.msk [tilespmem:v54+s16+$0x0], $0xffff;
	[tilespmem:v14+s30+$0x4280 ss:$0x1] =	vst.idx.msk $0xffff, v7  }
0x3e5: {  	v7 =	vor.u32 v17, v5;
	v6 =	vld.idx.msk [tilespmem:v6+s16+$0x0], $0xffff  }
0x3e6: {  	v58 =	vor.u32 v18, v5;
	v12 =	vmul.f32 v12, v15  }
0x3e7: {  	v59 =	vor.u32 v19, v5;
	[tilespmem:v14+s2+$0x4300 ss:$0x1] =	vst.idx.msk $0xffff, v22;
	v8 =	vmul.f32 v8, v15  }
0x3e8: {  	v60 =	vld.idx.msk [tilespmem:v20+s16+$0x0], $0xffff;
	[tilespmem:v14+s4+$0x4300 ss:$0x1] =	vst.idx.msk $0xffff, v12;
	v11 =	vmul.f32 v11, v15;
	v5 =	vor.u32 v9, v5  }
0x3e9: {  	v61 =	vld.idx.msk [tilespmem:v56+s16+$0x0], $0xffff;
	v62 =	vmul.f32 v57, v15;
	[tilespmem:v14+s5+$0x4300 ss:$0x1] =	vst.idx.msk $0xffff, v8  }
0x3ea: {  	[tilespmem:v14+s7+$0x4300 ss:$0x1] =	vst.idx.msk $0xffff, v11;
	v7 =	vld.idx.msk [tilespmem:v7+s16+$0x0], $0xffff;
	v6 =	vmul.f32 v6, v15  }
0x3eb: {  	v63 =	vld.idx.msk [tilespmem:v58+s16+$0x0], $0xffff;
	[tilespmem:v14+s9+$0x4300 ss:$0x1] =	vst.idx.msk $0xffff, v62  }
0x3ec: {  	v8 =	vld.idx.msk [tilespmem:v59+s16+$0x0], $0xffff;
	[tilespmem:v14+s30+$0x4300 ss:$0x1] =	vst.idx.msk $0xffff, v6  }
0x3ed: {  	v6 =	vmul.f32 v60, v15;
	v5 =	vld.idx.msk [tilespmem:v5+s16+$0x0], $0xffff  }
0x3ee: {  	s0 =	sadd.s32 $0x1, s0;
	v9 =	vmul.f32 v61, v15  }
0x3ef: {  	p0 =	sne.s32 s0, $0x8;
	[tilespmem:v14+s2+$0x4380 ss:$0x1] =	vst.idx.msk $0xffff, v6;
	v6 =	vmul.f32 v7, v15  }
.Ltmp17:
0x3f0: {  	[tilespmem:v14+s4+$0x4380 ss:$0x1] =	vst.idx.msk $0xffff, v9;
	v7 =	vmul.f32 v63, v15;
	(pc) =	sbr.rel @p0 .LBB2_29-.Ltmp17, $4  }
0x3f1: {  	[tilespmem:v14+s5+$0x4380 ss:$0x1] =	vst.idx.msk $0xffff, v6;
	v6 =	vmul.f32 v8, v15  }
0x3f2: {  	[tilespmem:v14+s7+$0x4380 ss:$0x1] =	vst.idx.msk $0xffff, v7;
	v5 =	vmul.f32 v5, v15  }
0x3f3: {  	[tilespmem:v14+s9+$0x4380 ss:$0x1] =	vst.idx.msk $0xffff, v6  }
0x3f4: {  	s1 =	sadd.s32 $0x10, s1;
	s29 =	sadd.s32 $0x10, s29;
	[tilespmem:v14+s30+$0x4380 ss:$0x1] =	vst.idx.msk $0xffff, v5  }
0x3f5: {  	s0 =	rddreg [dreg:$0x9]  }
0x3f6: {  	s26 =	sadd.s32 $0x1, s26;
	s0 =	sadd.s32 s31, s0  }
0x3f7: {  	p0 =	sne.s32 s26, $0x19;
	s1 =	sshrl.u32 s0, $0x5  }
0x3f8: {  	s0 =	sshll.u32 s0, $0xA;
	s2 =	smul.u32 $0xC0000, s1;
	s1 =	sshll.u32 s1, $0xF  }
.Ltmp18:
0x3f9: {  	s0 =	ssub.s32 s0, s1;
	(pc) =	sbr.rel @p0 .LBB2_16-.Ltmp18, $4  }
0x3fa: {  	s0 =	sadd.s32 s2, s0  }
0x3fb: {  	s0 =	sshrl.u32 s0, $0x3  }
0x3fc: {  	s30 =	simm.s32 $0x17380;
	s0 =	sadd.s32 s25, s0  }
0x3fd: {  	[hbm4b:s0+s8] =	stream.strided.scatter [tilespmem:s30], [sflag:$0x4], $0x6000, s28, s8, $0x38;
	[tilespmem:$0x1D380] =	vst v63  }
0x3fe: {  	s0 =	simm.s32 $0x3  }
0x3ff: {  	_ =	swait.ge [sflag:s0], $0x6000  }
0x400: {  	[sflag:s0] =	ssyncset.done $0x0  }
0x401: {  	s1 =	simm.s32 $0x4;
	[sflag:s0] =	ssyncadd.s32 $0xFFFFA000  }
0x402: {  	_ =	swait.ge [sflag:s1], $0x6000  }
0x403: {  	s2 =	rddreg [dreg:$0x8]  }
0x404: {  	s30 =	rddreg [dreg:$0x7];
	s2 =	sadd.s32 $0x1, s2  }
0x405: {  	p0 =	sne.s32 s2, s30  }
.Ltmp19:
0x406: {  	_ = 	snop;
	(pc) =	sbr.rel @p0 .LBB2_1-.Ltmp19, $3  }
0x407: {  	_ =	sdelay $0x1  }
0x408: {  	[sflag:s1] =	ssyncset.done $0x0  }
0x409: {  	[sflag:s1] =	ssyncadd.s32 $0xFFFFA000  }
0x40a: {  	_ =	sfence.sel $0x180000  }
0x40b: {  	[bflag:$0x0] =	sbarrier.arrive $0xFFFF  }
0x40c: {  	_ =	strace $0x90000047  }
0x40d: {  	s0 =	stileid.u32;
	[bflag:$0x2] =	sbarrier.arrive $0xFFFF  }
0x40e: {  	p0 =	sne.s32 s0, $0x0;
	s0 =	rddreg [dreg:$0x2]  }
0x40f: {  	s0 =	sadd.s32 @!p0 $0x100000, s0  }
0x410: {  	[sflag:s0] =	ssyncadd.tile.s32 @!p0 $0x1;
	_ =	shalt  }
.Lfunc_end2:
_tile_overlayer_lowered:
.L_overlay_start_2:
0x411: {  	(tag) =	ssettag $0x2  }
0x412: {  	s0 =	rddreg [dreg:$0x0];
	s2 =	stileid.u32  }
0x413: {  	s1 =	rddreg [dreg:$0x1];
	p0 =	sne.s32 s2, $0x0  }
0x414: {  	s3 =	rddreg [dreg:$0x2];
	[bflag:$0x3] =	sbarrier.arrive $0xFFFF;
	s2 =	simm.s32 @!p0 $0x1C05  }
0x415: {  	[timem:s3], [sflag:s2] =	dma.local @!p0 [hbm:s0], s1  }
0x416: {  	s0 =	simm.s32 @!p0 $0x5  }
0x417: {  	_ =	swait.ge @!p0 [sflag:s0], s1  }
0x418: {  	s1 =	ssub.s32 @!p0 $0x0, s1;
	[sflag:s0] =	ssyncset.done @!p0 $0x0  }
0x419: {  	[sflag:s0] =	ssyncadd.s32 @!p0 s1  }
0x41a: {  	[bflag:$0x3] =	sbarrier.arrive $0xFFFF  }
0x41b: {  	_ =	shalt  }

</sc_bundles>
